<compile_context>
chip_gen: v7x
topology: tpu7x:2x2x1
jax: 0.10.2.dev20260603
libtpu: 0.0.44.dev20260713+nightly
codegen_flags: <defaults>
</compile_context>

<pallas_src>
import functools
import jax
import jax.numpy as jnp
from jax import lax
from jax.experimental import pallas as pl
from jax.experimental.pallas import tpu as pltpu
from jax.experimental.pallas import tpu_sc as plsc

_N = 10000
_D = 128
_H = 128
_E = 320000
_B = 8

_NC = 2
_NS = 16
_NW = _NC * _NS
_K = 64
_EPW = 20480
_EP = _NW * _EPW
_ER = _E // 128
_PADR = _EP // 128 - 2 * _ER
_ROWS_PER_TILE = 624


def _idx_body(us_ref, uo_ref, ud_ref, ds_ref, do_ref, dd_ref,
              src2_ref, dst2_ref):
    su = us_ref[...] * 4 + (uo_ref[...] < 0).astype(jnp.int32)
    sd = ds_ref[...] * 4 + 2 + (do_ref[...] < 0).astype(jnp.int32)
    pad_s = jnp.zeros((_PADR, 128), jnp.int32)
    src2_ref[...] = jnp.concatenate([su, sd, pad_s], axis=0)
    pad_d = jnp.full((_PADR, 128), _N, jnp.int32)
    dst2_ref[...] = jnp.concatenate([ud_ref[...], dd_ref[...], pad_d], axis=0)


def _build_indices(up_src, up_orient, up_dst, down_src, down_orient, down_dst):
    out = pl.pallas_call(
        _idx_body,
        out_shape=(
            jax.ShapeDtypeStruct((_EP // 128, 128), jnp.int32),
            jax.ShapeDtypeStruct((_EP // 128, 128), jnp.int32),
        ),
    )(up_src.reshape(_ER, 128), up_orient.reshape(_ER, 128),
      up_dst.reshape(_ER, 128), down_src.reshape(_ER, 128),
      down_orient.reshape(_ER, 128), down_dst.reshape(_ER, 128))
    return out[0].reshape(_EP), out[1].reshape(_EP)


_RB = 2000


def _mm_body1(x_ref, wcat_ref, wt_ref, t_ref, hw_ref):
    xs = x_ref[...]
    t_ref[...] = jnp.dot(xs, wcat_ref[...], preferred_element_type=jnp.float32)
    hw_ref[...] = jnp.dot(xs, wt_ref[...], preferred_element_type=jnp.float32)


def _mm_body3(a0_ref, a1_ref, hwp_ref, wcat_ref, wt_ref, t_ref, hw_ref):
    xs = a0_ref[...] + a1_ref[...] + hwp_ref[...]
    t_ref[...] = jnp.dot(xs, wcat_ref[...], preferred_element_type=jnp.float32)
    hw_ref[...] = jnp.dot(xs, wt_ref[...], preferred_element_type=jnp.float32)


def _layer_matmul(terms, wcat_t, w_t):
    nterms = len(terms)
    body = _mm_body1 if nterms == 1 else _mm_body3
    row_spec = pl.BlockSpec((_RB, 128), lambda i: (i, 0))
    in_specs = [row_spec] * nterms + [
        pl.BlockSpec((128, 512), lambda i: (0, 0)),
        pl.BlockSpec((128, 128), lambda i: (0, 0)),
    ]
    t_raw, hw = pl.pallas_call(
        body,
        grid=(_N // _RB,),
        in_specs=in_specs,
        out_specs=(
            pl.BlockSpec((_RB, 512), lambda i: (i, 0)),
            pl.BlockSpec((_RB, 128), lambda i: (i, 0)),
        ),
        out_shape=(
            jax.ShapeDtypeStruct((_N, 512), jnp.float32),
            jax.ShapeDtypeStruct((_N, 128), jnp.float32),
        ),
    )(*terms, wcat_t, w_t)
    return t_raw.reshape(4 * _N, 128), hw


_SC_MESH = plsc.VectorSubcoreMesh(core_axis_name="c", subcore_axis_name="s")
_NB = 4
_NCHUNK = _EPW // _K
_NROUND = _NCHUNK // _NB


@functools.partial(
    pl.kernel,
    out_type=jax.ShapeDtypeStruct((_NC, _N, 128), jnp.float32),
    mesh=_SC_MESH,
    scratch_types=(
        [pltpu.VMEM((_K,), jnp.int32)] * _NB +
        [pltpu.VMEM((_K,), jnp.int32)] * _NB +
        [pltpu.VMEM((_K, 128), jnp.float32)] * _NB +
        [pltpu.VMEM_SHARED((_N + 16, 128), jnp.float32)] +
        [pltpu.SemaphoreType.DMA] * (2 * _NB)
    ),
)
def _sc_scatter(table_hbm, src2_hbm, dst2_hbm, zeros_hbm, out_hbm, *scr):
    sidx = scr[0:_NB]
    didx = scr[_NB:2 * _NB]
    rows = scr[2 * _NB:3 * _NB]
    acc = scr[3 * _NB]
    gsem = scr[3 * _NB + 1:3 * _NB + 1 + _NB]
    ssem = scr[3 * _NB + 1 + _NB:]
    c = lax.axis_index("c")
    s = lax.axis_index("s")
    w = c * _NS + s
    base_w = w * _EPW
    r0 = s * _ROWS_PER_TILE
    tail = _NS * _ROWS_PER_TILE
    pltpu.sync_copy(zeros_hbm.at[pl.ds(r0, _ROWS_PER_TILE)],
                    acc.at[pl.ds(r0, _ROWS_PER_TILE)])

    @pl.when(s == _NS - 1)
    def _():
        pltpu.sync_copy(zeros_hbm.at[pl.ds(tail, _N - tail)],
                        acc.at[pl.ds(tail, _N - tail)])

    plsc.subcore_barrier()

    def fetch(chunk, b):
        base = base_w + chunk * _K
        pltpu.sync_copy(src2_hbm.at[pl.ds(base, _K)], sidx[b])
        pltpu.sync_copy(dst2_hbm.at[pl.ds(base, _K)], didx[b])
        pltpu.async_copy(table_hbm.at[sidx[b]], rows[b], gsem[b])

    for b in range(_NB):
        fetch(b, b)

    def round_body(g, carry):
        for b in range(_NB):
            pltpu.make_async_copy(table_hbm.at[sidx[b]], rows[b],
                                  gsem[b]).wait()
            pltpu.async_copy(rows[b], acc.at[didx[b]], ssem[b], add=True)
        for b in range(_NB):
            @pl.when(g < _NROUND - 1)
            def _(b=b):
                pltpu.make_async_copy(rows[b], acc.at[didx[b]],
                                      ssem[b]).wait()
                fetch((g + 1) * _NB + b, b)
        return carry

    lax.fori_loop(0, _NROUND, round_body, 0)
    for b in range(_NB):
        pltpu.make_async_copy(rows[b], acc.at[didx[b]], ssem[b]).wait()
    plsc.subcore_barrier()
    pltpu.sync_copy(acc.at[pl.ds(r0, _ROWS_PER_TILE)],
                    out_hbm.at[c, pl.ds(r0, _ROWS_PER_TILE)])

    @pl.when(s == _NS - 1)
    def _():
        pltpu.sync_copy(acc.at[pl.ds(tail, _N - tail)],
                        out_hbm.at[c, pl.ds(tail, _N - tail)])


def _pool_body(a0_ref, a1_ref, hw_ref, bt_ref, w1_ref, b1_ref, w2_ref, b2_ref,
               out_ref, pooled_ref):
    i = pl.program_id(0)
    h = jnp.abs(a0_ref[...] + a1_ref[...] + hw_ref[...])
    onehot = (bt_ref[...] == lax.broadcasted_iota(jnp.int32, (1, _B), 1)
              ).astype(jnp.float32)
    part = lax.dot_general(onehot, h, (((0,), (0,)), ((), ())),
                           preferred_element_type=jnp.float32)

    @pl.when(i == 0)
    def _():
        pooled_ref[...] = part

    @pl.when(i > 0)
    def _():
        pooled_ref[...] += part

    @pl.when(i == _N // _RB - 1)
    def _():
        p = pooled_ref[...]
        h1 = jnp.maximum(
            jnp.dot(p, w1_ref[...], preferred_element_type=jnp.float32)
            + b1_ref[...], 0.0)
        out_ref[...] = jnp.dot(h1, w2_ref[...],
                               preferred_element_type=jnp.float32) + b2_ref[...]


def _pool_mlp(a0, a1, hw, batch2d, w1t, b1, w2t, b2):
    row_spec = pl.BlockSpec((_RB, 128), lambda i: (i, 0))
    const = lambda shape: pl.BlockSpec(shape, lambda i: (0, 0))
    return pl.pallas_call(
        _pool_body,
        grid=(_N // _RB,),
        in_specs=[row_spec, row_spec, row_spec,
                  pl.BlockSpec((_RB, 1), lambda i: (i, 0)),
                  const((128, 128)), const((1, 128)),
                  const((128, 128)), const((1, 128))],
        out_specs=const((_B, 128)),
        out_shape=jax.ShapeDtypeStruct((_B, 128), jnp.float32),
        scratch_shapes=[pltpu.VMEM((_B, 128), jnp.float32)],
    )(a0, a1, hw, batch2d, w1t, b1, w2t, b2)


def kernel(x, up_index, up_orient, down_index, down_orient, batch,
           W_up_0, W_down_0, W_0, W_up_1, W_down_1, W_1, W_up_2, W_down_2, W_2,
           lin1_W, lin1_b, lin2_W, lin2_b):
    f32 = jnp.float32
    src2, dst2 = _build_indices(up_index[0], up_orient, up_index[1],
                                down_index[0], down_orient, down_index[1])
    zeros = jnp.zeros((_N, 128), f32)

    def wcat(Wu, Wd):
        return jnp.concatenate([Wu.T, -Wu.T, Wd.T, -Wd.T], axis=1)

    layers = ((W_up_0, W_down_0, W_0), (W_up_1, W_down_1, W_1),
              (W_up_2, W_down_2, W_2))

    terms = (x,)
    hw = None
    for Wu, Wd, W in layers:
        t_tab, hw = _layer_matmul(terms, wcat(Wu, Wd), W.T)
        acc = _sc_scatter(t_tab, src2, dst2, zeros)
        terms = (acc[0], acc[1], hw)

    w2p = jnp.zeros((128, 128), f32).at[:, :2].set(lin2_W.T)
    b2p = jnp.zeros((1, 128), f32).at[0, :2].set(lin2_b)
    out = _pool_mlp(terms[0], terms[1], terms[2], batch.reshape(_N, 1),
                    lin1_W.T, lin1_b.reshape(1, 128), w2p, b2p)
    return out[:, :2]

# --- scband reference (transcript-rebuilt; emitter-appended) ---
"""Pipeline reference for scband-edge-orient-54803782697130 (READ-ONLY COPY).

The authoritative reference and input builder live on the scoring server;
editing this copy changes nothing except your own understanding.
"""

import jax, jax.numpy as jnp
import numpy as np

N = 10000
D = 128
H = 128
E = 320000
C = 2
B = 8

def _sign(a):
    return jnp.where(a >= 0, 1.0, -1.0).astype(jnp.float32)

def setup_inputs(seed: int = 0):
    key = jax.random.key(seed)
    ks = jax.random.split(key, 20)
    inp = {}
    inp['x'] = jax.random.normal(ks[0], (N, D), dtype=jnp.float32)
    inp['up_index'] = jax.random.randint(ks[1], (2, E), 0, N, dtype=jnp.int32)
    inp['up_orient'] = _sign(jax.random.normal(ks[2], (E,)))
    inp['down_index'] = jax.random.randint(ks[3], (2, E), 0, N, dtype=jnp.int32)
    inp['down_orient'] = _sign(jax.random.normal(ks[4], (E,)))
    inp['batch'] = jnp.sort(jax.random.randint(ks[5], (N,), 0, B, dtype=jnp.int32))
    k = 6
    for l in range(3):
        fan = D if l == 0 else H
        s = float(1.0 / np.sqrt(fan))
        inp['W_up_%d' % l] = jax.random.uniform(ks[k], (H, fan), jnp.float32, -s, s); k += 1
        inp['W_down_%d' % l] = jax.random.uniform(ks[k], (H, fan), jnp.float32, -s, s); k += 1
        inp['W_%d' % l] = jax.random.uniform(ks[k], (H, fan), jnp.float32, -s, s); k += 1
    s = float(1.0 / np.sqrt(H))
    inp['lin1_W'] = jax.random.uniform(ks[15], (H, H), jnp.float32, -s, s)
    inp['lin1_b'] = jax.random.uniform(ks[16], (H,), jnp.float32, -s, s)
    inp['lin2_W'] = jax.random.uniform(ks[17], (C, H), jnp.float32, -s, s)
    inp['lin2_b'] = jax.random.uniform(ks[18], (C,), jnp.float32, -s, s)
    return inp

def reference(x, up_index, up_orient, down_index, down_orient, batch,
              W_up_0, W_down_0, W_0, W_up_1, W_down_1, W_1, W_up_2, W_down_2, W_2,
              lin1_W, lin1_b, lin2_W, lin2_b):
    # OrientedConv (dim=1, orient=True): out = act(update(x) + update_up(agg_up) + update_down(agg_down))
    # message_up/down: x_j * orientation sign; aggregation: scatter-add at target cell; act = identity ('id')
    def conv(h, Wu, Wd, W):
        msg_up = jnp.take(h, up_index[0], axis=0) * up_orient[:, None]
        agg_up = jax.ops.segment_sum(msg_up, up_index[1], num_segments=N)
        msg_down = jnp.take(h, down_index[0], axis=0) * down_orient[:, None]
        agg_down = jax.ops.segment_sum(msg_down, down_index[1], num_segments=N)
        return agg_up @ Wu.T + agg_down @ Wd.T + h @ W.T
    h = x
    for Wu, Wd, W in ((W_up_0, W_down_0, W_0), (W_up_1, W_down_1, W_1), (W_up_2, W_down_2, W_2)):
        h = conv(h, Wu, Wd, W)
    # fully_invar=False -> abs() applied after convs, before pooling
    h = jnp.abs(h)
    pooled = jax.ops.segment_sum(h, batch, num_segments=B)  # readout='sum'
    h1 = jax.nn.relu(pooled @ lin1_W.T + lin1_b)
    # dropout_rate=0.0 -> no-op
    return h1 @ lin2_W.T + lin2_b

if __name__ == "__main__":
    import jax
    _d = setup_inputs()
    print(jax.jit(kernel)(*tuple(_d.values())))

</pallas_src>

<mosaic_0001>
#map = affine_map<(d0, d1) -> (0, 0)>
#map1 = affine_map<(d0, d1) -> (0)>
#map2 = affine_map<(d0, d1) -> (0, 0, 0)>
module attributes {stable_mosaic.version = 14 : i64} {
  func.func @_sc_scatter(%arg0: i32, %arg1: i32, %arg2: memref<40000x128xf32, #tpu.memory_space<hbm>>, %arg3: memref<655360xi32, #tpu.memory_space<hbm>>, %arg4: memref<655360xi32, #tpu.memory_space<hbm>>, %arg5: memref<10000x128xf32, #tpu.memory_space<hbm>>, %arg6: memref<2x10000x128xf32, #tpu.memory_space<hbm>>, %arg7: memref<64xi32, #tpu.memory_space<vmem>>, %arg8: memref<64xi32, #tpu.memory_space<vmem>>, %arg9: memref<64xi32, #tpu.memory_space<vmem>>, %arg10: memref<64xi32, #tpu.memory_space<vmem>>, %arg11: memref<64xi32, #tpu.memory_space<vmem>>, %arg12: memref<64xi32, #tpu.memory_space<vmem>>, %arg13: memref<64xi32, #tpu.memory_space<vmem>>, %arg14: memref<64xi32, #tpu.memory_space<vmem>>, %arg15: memref<64x128xf32, #tpu.memory_space<vmem>>, %arg16: memref<64x128xf32, #tpu.memory_space<vmem>>, %arg17: memref<64x128xf32, #tpu.memory_space<vmem>>, %arg18: memref<64x128xf32, #tpu.memory_space<vmem>>, %arg19: memref<10016x128xf32, #tpu.memory_space<vmem_shared>>, %arg20: memref<!tpu.dma_semaphore, #tpu.memory_space<semaphore_mem>>, %arg21: memref<!tpu.dma_semaphore, #tpu.memory_space<semaphore_mem>>, %arg22: memref<!tpu.dma_semaphore, #tpu.memory_space<semaphore_mem>>, %arg23: memref<!tpu.dma_semaphore, #tpu.memory_space<semaphore_mem>>, %arg24: memref<!tpu.dma_semaphore, #tpu.memory_space<semaphore_mem>>, %arg25: memref<!tpu.dma_semaphore, #tpu.memory_space<semaphore_mem>>, %arg26: memref<!tpu.dma_semaphore, #tpu.memory_space<semaphore_mem>>, %arg27: memref<!tpu.dma_semaphore, #tpu.memory_space<semaphore_mem>>) attributes {dimension_semantics = [#tpu.dimension_semantics<core_parallel>, #tpu.dimension_semantics<subcore_parallel>], iteration_bounds = array<i64: 2, 16>, scalar_prefetch = 0 : i64, scratch_operands = 21 : i64, tpu.core_type = #tpu.core_type<sc_vector_subcore>, window_params = [{transform_indices = #map}, {transform_indices = #map1}, {transform_indices = #map1}, {transform_indices = #map}, {transform_indices = #map2}]} {
    %mul3A = arith.constant 16 : i32
    %mul3A_0 = arith.muli %arg0, %mul3A : i32
    %add3A = arith.addi %mul3A_0, %arg1 : i32
    %mul3A_1 = arith.constant 20480 : i32
    %mul3A_2 = arith.muli %add3A, %mul3A_1 : i32
    %mul3A_3 = arith.constant 624 : i32
    %mul3A_4 = arith.muli %arg1, %mul3A_3 : i32
    "tpu.region"() ({
      %run_scoped3A = tpu.sem_alloc : memref<!tpu.dma_semaphore, #tpu.memory_space<semaphore_mem>>
      %dma_start3A_48 = arith.constant 0 : i32
      %dma_start3A_49 = tpu.memref_slice %arg19[%mul3A_4, %dma_start3A_48] : memref<10016x128xf32, #tpu.memory_space<vmem_shared>> -> memref<624x128xf32, #tpu.memory_space<vmem_shared>>
      %dma_start3A_50 = arith.constant 0 : i32
      %dma_start3A_51 = tpu.memref_slice %arg5[%mul3A_4, %dma_start3A_50] : memref<10000x128xf32, #tpu.memory_space<hbm>> -> memref<624x128xf32, #tpu.memory_space<hbm>>
      tpu.enqueue_dma source(%dma_start3A_51 : memref<624x128xf32, #tpu.memory_space<hbm>>) target(%dma_start3A_49 : memref<624x128xf32, #tpu.memory_space<vmem_shared>>) target_semaphore(%run_scoped3A : memref<!tpu.dma_semaphore, #tpu.memory_space<semaphore_mem>>)
      %dma_wait3A_52 = arith.constant 0 : i32
      %dma_wait3A_53 = tpu.memref_slice %arg19[%mul3A_4, %dma_wait3A_52] : memref<10016x128xf32, #tpu.memory_space<vmem_shared>> -> memref<624x128xf32, #tpu.memory_space<vmem_shared>>
      %dma_wait3A_54 = arith.constant 0 : i32
      %dma_wait3A_55 = tpu.memref_slice %arg5[%mul3A_4, %dma_wait3A_54] : memref<10000x128xf32, #tpu.memory_space<hbm>> -> memref<624x128xf32, #tpu.memory_space<hbm>>
      tpu.wait_dma2 semaphore(%run_scoped3A : memref<!tpu.dma_semaphore, #tpu.memory_space<semaphore_mem>>) src(%dma_wait3A_55 : memref<624x128xf32, #tpu.memory_space<hbm>>) dst(%dma_wait3A_53 : memref<624x128xf32, #tpu.memory_space<vmem_shared>>)
      tpu.yield
    }) : () -> ()
    %eq3A = arith.constant 15 : i32
    %eq3A_5 = arith.cmpi eq, %arg1, %eq3A : i32
    %convert_element_type3A = arith.extui %eq3A_5 : i1 to i32
    %cond3A = arith.constant 0 : i32
    %cond3A_6 = arith.cmpi ne, %convert_element_type3A, %cond3A : i32
    scf.if %cond3A_6 {
      "tpu.region"() ({
        %run_scoped3A = tpu.sem_alloc : memref<!tpu.dma_semaphore, #tpu.memory_space<semaphore_mem>>
        %dma_start3A_48 = arith.constant 9984 : i32
        %dma_start3A_49 = arith.constant 0 : i32
        %dma_start3A_50 = tpu.memref_slice %arg19[%dma_start3A_48, %dma_start3A_49] : memref<10016x128xf32, #tpu.memory_space<vmem_shared>> -> memref<16x128xf32, #tpu.memory_space<vmem_shared>>
        %dma_start3A_51 = arith.constant 9984 : i32
        %dma_start3A_52 = arith.constant 0 : i32
        %dma_start3A_53 = tpu.memref_slice %arg5[%dma_start3A_51, %dma_start3A_52] : memref<10000x128xf32, #tpu.memory_space<hbm>> -> memref<16x128xf32, #tpu.memory_space<hbm>>
        tpu.enqueue_dma source(%dma_start3A_53 : memref<16x128xf32, #tpu.memory_space<hbm>>) target(%dma_start3A_50 : memref<16x128xf32, #tpu.memory_space<vmem_shared>>) target_semaphore(%run_scoped3A : memref<!tpu.dma_semaphore, #tpu.memory_space<semaphore_mem>>)
        %dma_wait3A_54 = arith.constant 9984 : i32
        %dma_wait3A_55 = arith.constant 0 : i32
        %dma_wait3A_56 = tpu.memref_slice %arg19[%dma_wait3A_54, %dma_wait3A_55] : memref<10016x128xf32, #tpu.memory_space<vmem_shared>> -> memref<16x128xf32, #tpu.memory_space<vmem_shared>>
        %dma_wait3A_57 = arith.constant 9984 : i32
        %dma_wait3A_58 = arith.constant 0 : i32
        %dma_wait3A_59 = tpu.memref_slice %arg5[%dma_wait3A_57, %dma_wait3A_58] : memref<10000x128xf32, #tpu.memory_space<hbm>> -> memref<16x128xf32, #tpu.memory_space<hbm>>
        tpu.wait_dma2 semaphore(%run_scoped3A : memref<!tpu.dma_semaphore, #tpu.memory_space<semaphore_mem>>) src(%dma_wait3A_59 : memref<16x128xf32, #tpu.memory_space<hbm>>) dst(%dma_wait3A_56 : memref<16x128xf32, #tpu.memory_space<vmem_shared>>)
        tpu.yield
      }) : () -> ()
    } else {
    }
    %barrier3A = arith.constant 0 : index
    tpu.barrier barrier_id(%barrier3A)
    %add3A_7 = arith.constant 0 : i32
    %add3A_8 = arith.addi %mul3A_2, %add3A_7 : i32
    "tpu.region"() ({
      %run_scoped3A = tpu.sem_alloc : memref<!tpu.dma_semaphore, #tpu.memory_space<semaphore_mem>>
      %dma_start3A_48 = tpu.memref_slice %arg3[%add3A_8] : memref<655360xi32, #tpu.memory_space<hbm>> -> memref<64xi32, #tpu.memory_space<hbm>>
      %dma_start3A_49 = tpu.memref_slice %arg3[%add3A_8] : memref<655360xi32, #tpu.memory_space<hbm>> -> memref<64xi32, #tpu.memory_space<hbm>>
      tpu.enqueue_dma source(%dma_start3A_49 : memref<64xi32, #tpu.memory_space<hbm>>) target(%arg7 : memref<64xi32, #tpu.memory_space<vmem>>) target_semaphore(%run_scoped3A : memref<!tpu.dma_semaphore, #tpu.memory_space<semaphore_mem>>)
      %dma_wait3A_50 = tpu.memref_slice %arg3[%add3A_8] : memref<655360xi32, #tpu.memory_space<hbm>> -> memref<64xi32, #tpu.memory_space<hbm>>
      %dma_wait3A_51 = tpu.memref_slice %arg3[%add3A_8] : memref<655360xi32, #tpu.memory_space<hbm>> -> memref<64xi32, #tpu.memory_space<hbm>>
      tpu.wait_dma2 semaphore(%run_scoped3A : memref<!tpu.dma_semaphore, #tpu.memory_space<semaphore_mem>>) src(%dma_wait3A_51 : memref<64xi32, #tpu.memory_space<hbm>>) dst(%arg7 : memref<64xi32, #tpu.memory_space<vmem>>)
      tpu.yield
    }) : () -> ()
    "tpu.region"() ({
      %run_scoped3A = tpu.sem_alloc : memref<!tpu.dma_semaphore, #tpu.memory_space<semaphore_mem>>
      %dma_start3A_48 = tpu.memref_slice %arg4[%add3A_8] : memref<655360xi32, #tpu.memory_space<hbm>> -> memref<64xi32, #tpu.memory_space<hbm>>
      %dma_start3A_49 = tpu.memref_slice %arg4[%add3A_8] : memref<655360xi32, #tpu.memory_space<hbm>> -> memref<64xi32, #tpu.memory_space<hbm>>
      tpu.enqueue_dma source(%dma_start3A_49 : memref<64xi32, #tpu.memory_space<hbm>>) target(%arg11 : memref<64xi32, #tpu.memory_space<vmem>>) target_semaphore(%run_scoped3A : memref<!tpu.dma_semaphore, #tpu.memory_space<semaphore_mem>>)
      %dma_wait3A_50 = tpu.memref_slice %arg4[%add3A_8] : memref<655360xi32, #tpu.memory_space<hbm>> -> memref<64xi32, #tpu.memory_space<hbm>>
      %dma_wait3A_51 = tpu.memref_slice %arg4[%add3A_8] : memref<655360xi32, #tpu.memory_space<hbm>> -> memref<64xi32, #tpu.memory_space<hbm>>
      tpu.wait_dma2 semaphore(%run_scoped3A : memref<!tpu.dma_semaphore, #tpu.memory_space<semaphore_mem>>) src(%dma_wait3A_51 : memref<64xi32, #tpu.memory_space<hbm>>) dst(%arg11 : memref<64xi32, #tpu.memory_space<vmem>>)
      tpu.yield
    }) : () -> ()
    %dma_start3A = arith.constant 0 : i32
    %dma_start3A_9 = arith.constant 0 : i32
    %dma_start3A_10 = tpu.memref_slice %arg2[%dma_start3A, %dma_start3A_9] : memref<40000x128xf32, #tpu.memory_space<hbm>> -> memref<40000x128xf32, #tpu.memory_space<hbm>>
    tpu.enqueue_indirect_dma source(%dma_start3A_10 : memref<40000x128xf32, #tpu.memory_space<hbm>>) target(%arg15 : memref<64x128xf32, #tpu.memory_space<vmem>>) offsets(%arg7 : memref<64xi32, #tpu.memory_space<vmem>>) semaphore(%arg20 : memref<!tpu.dma_semaphore, #tpu.memory_space<semaphore_mem>>)
    %add3A_11 = arith.constant 64 : i32
    %add3A_12 = arith.addi %mul3A_2, %add3A_11 : i32
    "tpu.region"() ({
      %run_scoped3A = tpu.sem_alloc : memref<!tpu.dma_semaphore, #tpu.memory_space<semaphore_mem>>
      %dma_start3A_48 = tpu.memref_slice %arg3[%add3A_12] : memref<655360xi32, #tpu.memory_space<hbm>> -> memref<64xi32, #tpu.memory_space<hbm>>
      %dma_start3A_49 = tpu.memref_slice %arg3[%add3A_12] : memref<655360xi32, #tpu.memory_space<hbm>> -> memref<64xi32, #tpu.memory_space<hbm>>
      tpu.enqueue_dma source(%dma_start3A_49 : memref<64xi32, #tpu.memory_space<hbm>>) target(%arg8 : memref<64xi32, #tpu.memory_space<vmem>>) target_semaphore(%run_scoped3A : memref<!tpu.dma_semaphore, #tpu.memory_space<semaphore_mem>>)
      %dma_wait3A_50 = tpu.memref_slice %arg3[%add3A_12] : memref<655360xi32, #tpu.memory_space<hbm>> -> memref<64xi32, #tpu.memory_space<hbm>>
      %dma_wait3A_51 = tpu.memref_slice %arg3[%add3A_12] : memref<655360xi32, #tpu.memory_space<hbm>> -> memref<64xi32, #tpu.memory_space<hbm>>
      tpu.wait_dma2 semaphore(%run_scoped3A : memref<!tpu.dma_semaphore, #tpu.memory_space<semaphore_mem>>) src(%dma_wait3A_51 : memref<64xi32, #tpu.memory_space<hbm>>) dst(%arg8 : memref<64xi32, #tpu.memory_space<vmem>>)
      tpu.yield
    }) : () -> ()
    "tpu.region"() ({
      %run_scoped3A = tpu.sem_alloc : memref<!tpu.dma_semaphore, #tpu.memory_space<semaphore_mem>>
      %dma_start3A_48 = tpu.memref_slice %arg4[%add3A_12] : memref<655360xi32, #tpu.memory_space<hbm>> -> memref<64xi32, #tpu.memory_space<hbm>>
      %dma_start3A_49 = tpu.memref_slice %arg4[%add3A_12] : memref<655360xi32, #tpu.memory_space<hbm>> -> memref<64xi32, #tpu.memory_space<hbm>>
      tpu.enqueue_dma source(%dma_start3A_49 : memref<64xi32, #tpu.memory_space<hbm>>) target(%arg12 : memref<64xi32, #tpu.memory_space<vmem>>) target_semaphore(%run_scoped3A : memref<!tpu.dma_semaphore, #tpu.memory_space<semaphore_mem>>)
      %dma_wait3A_50 = tpu.memref_slice %arg4[%add3A_12] : memref<655360xi32, #tpu.memory_space<hbm>> -> memref<64xi32, #tpu.memory_space<hbm>>
      %dma_wait3A_51 = tpu.memref_slice %arg4[%add3A_12] : memref<655360xi32, #tpu.memory_space<hbm>> -> memref<64xi32, #tpu.memory_space<hbm>>
      tpu.wait_dma2 semaphore(%run_scoped3A : memref<!tpu.dma_semaphore, #tpu.memory_space<semaphore_mem>>) src(%dma_wait3A_51 : memref<64xi32, #tpu.memory_space<hbm>>) dst(%arg12 : memref<64xi32, #tpu.memory_space<vmem>>)
      tpu.yield
    }) : () -> ()
    %dma_start3A_13 = arith.constant 0 : i32
    %dma_start3A_14 = arith.constant 0 : i32
    %dma_start3A_15 = tpu.memref_slice %arg2[%dma_start3A_13, %dma_start3A_14] : memref<40000x128xf32, #tpu.memory_space<hbm>> -> memref<40000x128xf32, #tpu.memory_space<hbm>>
    tpu.enqueue_indirect_dma source(%dma_start3A_15 : memref<40000x128xf32, #tpu.memory_space<hbm>>) target(%arg16 : memref<64x128xf32, #tpu.memory_space<vmem>>) offsets(%arg8 : memref<64xi32, #tpu.memory_space<vmem>>) semaphore(%arg21 : memref<!tpu.dma_semaphore, #tpu.memory_space<semaphore_mem>>)
    %add3A_16 = arith.constant 128 : i32
    %add3A_17 = arith.addi %mul3A_2, %add3A_16 : i32
    "tpu.region"() ({
      %run_scoped3A = tpu.sem_alloc : memref<!tpu.dma_semaphore, #tpu.memory_space<semaphore_mem>>
      %dma_start3A_48 = tpu.memref_slice %arg3[%add3A_17] : memref<655360xi32, #tpu.memory_space<hbm>> -> memref<64xi32, #tpu.memory_space<hbm>>
      %dma_start3A_49 = tpu.memref_slice %arg3[%add3A_17] : memref<655360xi32, #tpu.memory_space<hbm>> -> memref<64xi32, #tpu.memory_space<hbm>>
      tpu.enqueue_dma source(%dma_start3A_49 : memref<64xi32, #tpu.memory_space<hbm>>) target(%arg9 : memref<64xi32, #tpu.memory_space<vmem>>) target_semaphore(%run_scoped3A : memref<!tpu.dma_semaphore, #tpu.memory_space<semaphore_mem>>)
      %dma_wait3A_50 = tpu.memref_slice %arg3[%add3A_17] : memref<655360xi32, #tpu.memory_space<hbm>> -> memref<64xi32, #tpu.memory_space<hbm>>
      %dma_wait3A_51 = tpu.memref_slice %arg3[%add3A_17] : memref<655360xi32, #tpu.memory_space<hbm>> -> memref<64xi32, #tpu.memory_space<hbm>>
      tpu.wait_dma2 semaphore(%run_scoped3A : memref<!tpu.dma_semaphore, #tpu.memory_space<semaphore_mem>>) src(%dma_wait3A_51 : memref<64xi32, #tpu.memory_space<hbm>>) dst(%arg9 : memref<64xi32, #tpu.memory_space<vmem>>)
      tpu.yield
    }) : () -> ()
    "tpu.region"() ({
      %run_scoped3A = tpu.sem_alloc : memref<!tpu.dma_semaphore, #tpu.memory_space<semaphore_mem>>
      %dma_start3A_48 = tpu.memref_slice %arg4[%add3A_17] : memref<655360xi32, #tpu.memory_space<hbm>> -> memref<64xi32, #tpu.memory_space<hbm>>
      %dma_start3A_49 = tpu.memref_slice %arg4[%add3A_17] : memref<655360xi32, #tpu.memory_space<hbm>> -> memref<64xi32, #tpu.memory_space<hbm>>
      tpu.enqueue_dma source(%dma_start3A_49 : memref<64xi32, #tpu.memory_space<hbm>>) target(%arg13 : memref<64xi32, #tpu.memory_space<vmem>>) target_semaphore(%run_scoped3A : memref<!tpu.dma_semaphore, #tpu.memory_space<semaphore_mem>>)
      %dma_wait3A_50 = tpu.memref_slice %arg4[%add3A_17] : memref<655360xi32, #tpu.memory_space<hbm>> -> memref<64xi32, #tpu.memory_space<hbm>>
      %dma_wait3A_51 = tpu.memref_slice %arg4[%add3A_17] : memref<655360xi32, #tpu.memory_space<hbm>> -> memref<64xi32, #tpu.memory_space<hbm>>
      tpu.wait_dma2 semaphore(%run_scoped3A : memref<!tpu.dma_semaphore, #tpu.memory_space<semaphore_mem>>) src(%dma_wait3A_51 : memref<64xi32, #tpu.memory_space<hbm>>) dst(%arg13 : memref<64xi32, #tpu.memory_space<vmem>>)
      tpu.yield
    }) : () -> ()
    %dma_start3A_18 = arith.constant 0 : i32
    %dma_start3A_19 = arith.constant 0 : i32
    %dma_start3A_20 = tpu.memref_slice %arg2[%dma_start3A_18, %dma_start3A_19] : memref<40000x128xf32, #tpu.memory_space<hbm>> -> memref<40000x128xf32, #tpu.memory_space<hbm>>
    tpu.enqueue_indirect_dma source(%dma_start3A_20 : memref<40000x128xf32, #tpu.memory_space<hbm>>) target(%arg17 : memref<64x128xf32, #tpu.memory_space<vmem>>) offsets(%arg9 : memref<64xi32, #tpu.memory_space<vmem>>) semaphore(%arg22 : memref<!tpu.dma_semaphore, #tpu.memory_space<semaphore_mem>>)
    %add3A_21 = arith.constant 192 : i32
    %add3A_22 = arith.addi %mul3A_2, %add3A_21 : i32
    "tpu.region"() ({
      %run_scoped3A = tpu.sem_alloc : memref<!tpu.dma_semaphore, #tpu.memory_space<semaphore_mem>>
      %dma_start3A_48 = tpu.memref_slice %arg3[%add3A_22] : memref<655360xi32, #tpu.memory_space<hbm>> -> memref<64xi32, #tpu.memory_space<hbm>>
      %dma_start3A_49 = tpu.memref_slice %arg3[%add3A_22] : memref<655360xi32, #tpu.memory_space<hbm>> -> memref<64xi32, #tpu.memory_space<hbm>>
      tpu.enqueue_dma source(%dma_start3A_49 : memref<64xi32, #tpu.memory_space<hbm>>) target(%arg10 : memref<64xi32, #tpu.memory_space<vmem>>) target_semaphore(%run_scoped3A : memref<!tpu.dma_semaphore, #tpu.memory_space<semaphore_mem>>)
      %dma_wait3A_50 = tpu.memref_slice %arg3[%add3A_22] : memref<655360xi32, #tpu.memory_space<hbm>> -> memref<64xi32, #tpu.memory_space<hbm>>
      %dma_wait3A_51 = tpu.memref_slice %arg3[%add3A_22] : memref<655360xi32, #tpu.memory_space<hbm>> -> memref<64xi32, #tpu.memory_space<hbm>>
      tpu.wait_dma2 semaphore(%run_scoped3A : memref<!tpu.dma_semaphore, #tpu.memory_space<semaphore_mem>>) src(%dma_wait3A_51 : memref<64xi32, #tpu.memory_space<hbm>>) dst(%arg10 : memref<64xi32, #tpu.memory_space<vmem>>)
      tpu.yield
    }) : () -> ()
    "tpu.region"() ({
      %run_scoped3A = tpu.sem_alloc : memref<!tpu.dma_semaphore, #tpu.memory_space<semaphore_mem>>
      %dma_start3A_48 = tpu.memref_slice %arg4[%add3A_22] : memref<655360xi32, #tpu.memory_space<hbm>> -> memref<64xi32, #tpu.memory_space<hbm>>
      %dma_start3A_49 = tpu.memref_slice %arg4[%add3A_22] : memref<655360xi32, #tpu.memory_space<hbm>> -> memref<64xi32, #tpu.memory_space<hbm>>
      tpu.enqueue_dma source(%dma_start3A_49 : memref<64xi32, #tpu.memory_space<hbm>>) target(%arg14 : memref<64xi32, #tpu.memory_space<vmem>>) target_semaphore(%run_scoped3A : memref<!tpu.dma_semaphore, #tpu.memory_space<semaphore_mem>>)
      %dma_wait3A_50 = tpu.memref_slice %arg4[%add3A_22] : memref<655360xi32, #tpu.memory_space<hbm>> -> memref<64xi32, #tpu.memory_space<hbm>>
      %dma_wait3A_51 = tpu.memref_slice %arg4[%add3A_22] : memref<655360xi32, #tpu.memory_space<hbm>> -> memref<64xi32, #tpu.memory_space<hbm>>
      tpu.wait_dma2 semaphore(%run_scoped3A : memref<!tpu.dma_semaphore, #tpu.memory_space<semaphore_mem>>) src(%dma_wait3A_51 : memref<64xi32, #tpu.memory_space<hbm>>) dst(%arg14 : memref<64xi32, #tpu.memory_space<vmem>>)
      tpu.yield
    }) : () -> ()
    %dma_start3A_23 = arith.constant 0 : i32
    %dma_start3A_24 = arith.constant 0 : i32
    %dma_start3A_25 = tpu.memref_slice %arg2[%dma_start3A_23, %dma_start3A_24] : memref<40000x128xf32, #tpu.memory_space<hbm>> -> memref<40000x128xf32, #tpu.memory_space<hbm>>
    tpu.enqueue_indirect_dma source(%dma_start3A_25 : memref<40000x128xf32, #tpu.memory_space<hbm>>) target(%arg18 : memref<64x128xf32, #tpu.memory_space<vmem>>) offsets(%arg10 : memref<64xi32, #tpu.memory_space<vmem>>) semaphore(%arg23 : memref<!tpu.dma_semaphore, #tpu.memory_space<semaphore_mem>>)
    %scan3A = arith.constant 0 : i32
    %scan3A_26 = arith.constant 0 : i32
    %scan3A_27 = arith.constant 80 : i32
    %scan3A_28 = arith.addi %scan3A_26, %scan3A_27 : i32
    %scan3A_29 = arith.constant 1 : i32
    scf.for %scan3A_48 = %scan3A_26 to %scan3A_28 step %scan3A_29  : i32 {
      %dma_wait3A_49 = arith.constant 0 : i32
      %dma_wait3A_50 = arith.constant 0 : i32
      %dma_wait3A_51 = tpu.memref_slice %arg2[%dma_wait3A_49, %dma_wait3A_50] : memref<40000x128xf32, #tpu.memory_space<hbm>> -> memref<40000x128xf32, #tpu.memory_space<hbm>>
      tpu.wait_indirect_dma semaphore(%arg20 : memref<!tpu.dma_semaphore, #tpu.memory_space<semaphore_mem>>) src(%dma_wait3A_51 : memref<40000x128xf32, #tpu.memory_space<hbm>>) dst(%arg15 : memref<64x128xf32, #tpu.memory_space<vmem>>)
      %dma_start3A_52 = arith.constant 0 : i32
      %dma_start3A_53 = arith.constant 0 : i32
      %dma_start3A_54 = tpu.memref_slice %arg19[%dma_start3A_52, %dma_start3A_53] : memref<10016x128xf32, #tpu.memory_space<vmem_shared>> -> memref<10016x128xf32, #tpu.memory_space<vmem_shared>>
      tpu.enqueue_indirect_dma source(%arg15 : memref<64x128xf32, #tpu.memory_space<vmem>>) target(%dma_start3A_54 : memref<10016x128xf32, #tpu.memory_space<vmem_shared>>) offsets(%arg11 : memref<64xi32, #tpu.memory_space<vmem>>) semaphore(%arg24 : memref<!tpu.dma_semaphore, #tpu.memory_space<semaphore_mem>>) {add = true}
      %dma_wait3A_55 = arith.constant 0 : i32
      %dma_wait3A_56 = arith.constant 0 : i32
      %dma_wait3A_57 = tpu.memref_slice %arg2[%dma_wait3A_55, %dma_wait3A_56] : memref<40000x128xf32, #tpu.memory_space<hbm>> -> memref<40000x128xf32, #tpu.memory_space<hbm>>
      tpu.wait_indirect_dma semaphore(%arg21 : memref<!tpu.dma_semaphore, #tpu.memory_space<semaphore_mem>>) src(%dma_wait3A_57 : memref<40000x128xf32, #tpu.memory_space<hbm>>) dst(%arg16 : memref<64x128xf32, #tpu.memory_space<vmem>>)
      %dma_start3A_58 = arith.constant 0 : i32
      %dma_start3A_59 = arith.constant 0 : i32
      %dma_start3A_60 = tpu.memref_slice %arg19[%dma_start3A_58, %dma_start3A_59] : memref<10016x128xf32, #tpu.memory_space<vmem_shared>> -> memref<10016x128xf32, #tpu.memory_space<vmem_shared>>
      tpu.enqueue_indirect_dma source(%arg16 : memref<64x128xf32, #tpu.memory_space<vmem>>) target(%dma_start3A_60 : memref<10016x128xf32, #tpu.memory_space<vmem_shared>>) offsets(%arg12 : memref<64xi32, #tpu.memory_space<vmem>>) semaphore(%arg25 : memref<!tpu.dma_semaphore, #tpu.memory_space<semaphore_mem>>) {add = true}
      %dma_wait3A_61 = arith.constant 0 : i32
      %dma_wait3A_62 = arith.constant 0 : i32
      %dma_wait3A_63 = tpu.memref_slice %arg2[%dma_wait3A_61, %dma_wait3A_62] : memref<40000x128xf32, #tpu.memory_space<hbm>> -> memref<40000x128xf32, #tpu.memory_space<hbm>>
      tpu.wait_indirect_dma semaphore(%arg22 : memref<!tpu.dma_semaphore, #tpu.memory_space<semaphore_mem>>) src(%dma_wait3A_63 : memref<40000x128xf32, #tpu.memory_space<hbm>>) dst(%arg17 : memref<64x128xf32, #tpu.memory_space<vmem>>)
      %dma_start3A_64 = arith.constant 0 : i32
      %dma_start3A_65 = arith.constant 0 : i32
      %dma_start3A_66 = tpu.memref_slice %arg19[%dma_start3A_64, %dma_start3A_65] : memref<10016x128xf32, #tpu.memory_space<vmem_shared>> -> memref<10016x128xf32, #tpu.memory_space<vmem_shared>>
      tpu.enqueue_indirect_dma source(%arg17 : memref<64x128xf32, #tpu.memory_space<vmem>>) target(%dma_start3A_66 : memref<10016x128xf32, #tpu.memory_space<vmem_shared>>) offsets(%arg13 : memref<64xi32, #tpu.memory_space<vmem>>) semaphore(%arg26 : memref<!tpu.dma_semaphore, #tpu.memory_space<semaphore_mem>>) {add = true}
      %dma_wait3A_67 = arith.constant 0 : i32
      %dma_wait3A_68 = arith.constant 0 : i32
      %dma_wait3A_69 = tpu.memref_slice %arg2[%dma_wait3A_67, %dma_wait3A_68] : memref<40000x128xf32, #tpu.memory_space<hbm>> -> memref<40000x128xf32, #tpu.memory_space<hbm>>
      tpu.wait_indirect_dma semaphore(%arg23 : memref<!tpu.dma_semaphore, #tpu.memory_space<semaphore_mem>>) src(%dma_wait3A_69 : memref<40000x128xf32, #tpu.memory_space<hbm>>) dst(%arg18 : memref<64x128xf32, #tpu.memory_space<vmem>>)
      %dma_start3A_70 = arith.constant 0 : i32
      %dma_start3A_71 = arith.constant 0 : i32
      %dma_start3A_72 = tpu.memref_slice %arg19[%dma_start3A_70, %dma_start3A_71] : memref<10016x128xf32, #tpu.memory_space<vmem_shared>> -> memref<10016x128xf32, #tpu.memory_space<vmem_shared>>
      tpu.enqueue_indirect_dma source(%arg18 : memref<64x128xf32, #tpu.memory_space<vmem>>) target(%dma_start3A_72 : memref<10016x128xf32, #tpu.memory_space<vmem_shared>>) offsets(%arg14 : memref<64xi32, #tpu.memory_space<vmem>>) semaphore(%arg27 : memref<!tpu.dma_semaphore, #tpu.memory_space<semaphore_mem>>) {add = true}
      %lt3A = arith.constant 79 : i32
      %lt3A_73 = arith.cmpi slt, %scan3A_48, %lt3A : i32
      %convert_element_type3A_74 = arith.extui %lt3A_73 : i1 to i32
      %cond3A_75 = arith.constant 0 : i32
      %cond3A_76 = arith.cmpi ne, %convert_element_type3A_74, %cond3A_75 : i32
      scf.if %cond3A_76 {
        %dma_wait3A_92 = arith.constant 0 : i32
        %dma_wait3A_93 = arith.constant 0 : i32
        %dma_wait3A_94 = tpu.memref_slice %arg19[%dma_wait3A_92, %dma_wait3A_93] : memref<10016x128xf32, #tpu.memory_space<vmem_shared>> -> memref<10016x128xf32, #tpu.memory_space<vmem_shared>>
        tpu.wait_indirect_dma semaphore(%arg24 : memref<!tpu.dma_semaphore, #tpu.memory_space<semaphore_mem>>) src(%arg15 : memref<64x128xf32, #tpu.memory_space<vmem>>) dst(%dma_wait3A_94 : memref<10016x128xf32, #tpu.memory_space<vmem_shared>>)
        %add3A_95 = arith.constant 1 : i32
        %add3A_96 = arith.addi %scan3A_48, %add3A_95 : i32
        %mul3A_97 = arith.constant 4 : i32
        %mul3A_98 = arith.muli %add3A_96, %mul3A_97 : i32
        %add3A_99 = arith.constant 0 : i32
        %add3A_100 = arith.addi %mul3A_98, %add3A_99 : i32
        %mul3A_101 = arith.constant 64 : i32
        %mul3A_102 = arith.muli %add3A_100, %mul3A_101 : i32
        %add3A_103 = arith.addi %mul3A_2, %mul3A_102 : i32
        "tpu.region"() ({
          %run_scoped3A = tpu.sem_alloc : memref<!tpu.dma_semaphore, #tpu.memory_space<semaphore_mem>>
          %dma_start3A_107 = tpu.memref_slice %arg3[%add3A_103] : memref<655360xi32, #tpu.memory_space<hbm>> -> memref<64xi32, #tpu.memory_space<hbm>>
          %dma_start3A_108 = tpu.memref_slice %arg3[%add3A_103] : memref<655360xi32, #tpu.memory_space<hbm>> -> memref<64xi32, #tpu.memory_space<hbm>>
          tpu.enqueue_dma source(%dma_start3A_108 : memref<64xi32, #tpu.memory_space<hbm>>) target(%arg7 : memref<64xi32, #tpu.memory_space<vmem>>) target_semaphore(%run_scoped3A : memref<!tpu.dma_semaphore, #tpu.memory_space<semaphore_mem>>)
          %dma_wait3A_109 = tpu.memref_slice %arg3[%add3A_103] : memref<655360xi32, #tpu.memory_space<hbm>> -> memref<64xi32, #tpu.memory_space<hbm>>
          %dma_wait3A_110 = tpu.memref_slice %arg3[%add3A_103] : memref<655360xi32, #tpu.memory_space<hbm>> -> memref<64xi32, #tpu.memory_space<hbm>>
          tpu.wait_dma2 semaphore(%run_scoped3A : memref<!tpu.dma_semaphore, #tpu.memory_space<semaphore_mem>>) src(%dma_wait3A_110 : memref<64xi32, #tpu.memory_space<hbm>>) dst(%arg7 : memref<64xi32, #tpu.memory_space<vmem>>)
          tpu.yield
        }) : () -> ()
        "tpu.region"() ({
          %run_scoped3A = tpu.sem_alloc : memref<!tpu.dma_semaphore, #tpu.memory_space<semaphore_mem>>
          %dma_start3A_107 = tpu.memref_slice %arg4[%add3A_103] : memref<655360xi32, #tpu.memory_space<hbm>> -> memref<64xi32, #tpu.memory_space<hbm>>
          %dma_start3A_108 = tpu.memref_slice %arg4[%add3A_103] : memref<655360xi32, #tpu.memory_space<hbm>> -> memref<64xi32, #tpu.memory_space<hbm>>
          tpu.enqueue_dma source(%dma_start3A_108 : memref<64xi32, #tpu.memory_space<hbm>>) target(%arg11 : memref<64xi32, #tpu.memory_space<vmem>>) target_semaphore(%run_scoped3A : memref<!tpu.dma_semaphore, #tpu.memory_space<semaphore_mem>>)
          %dma_wait3A_109 = tpu.memref_slice %arg4[%add3A_103] : memref<655360xi32, #tpu.memory_space<hbm>> -> memref<64xi32, #tpu.memory_space<hbm>>
          %dma_wait3A_110 = tpu.memref_slice %arg4[%add3A_103] : memref<655360xi32, #tpu.memory_space<hbm>> -> memref<64xi32, #tpu.memory_space<hbm>>
          tpu.wait_dma2 semaphore(%run_scoped3A : memref<!tpu.dma_semaphore, #tpu.memory_space<semaphore_mem>>) src(%dma_wait3A_110 : memref<64xi32, #tpu.memory_space<hbm>>) dst(%arg11 : memref<64xi32, #tpu.memory_space<vmem>>)
          tpu.yield
        }) : () -> ()
        %dma_start3A_104 = arith.constant 0 : i32
        %dma_start3A_105 = arith.constant 0 : i32
        %dma_start3A_106 = tpu.memref_slice %arg2[%dma_start3A_104, %dma_start3A_105] : memref<40000x128xf32, #tpu.memory_space<hbm>> -> memref<40000x128xf32, #tpu.memory_space<hbm>>
        tpu.enqueue_indirect_dma source(%dma_start3A_106 : memref<40000x128xf32, #tpu.memory_space<hbm>>) target(%arg15 : memref<64x128xf32, #tpu.memory_space<vmem>>) offsets(%arg7 : memref<64xi32, #tpu.memory_space<vmem>>) semaphore(%arg20 : memref<!tpu.dma_semaphore, #tpu.memory_space<semaphore_mem>>)
      } else {
      }
      %lt3A_77 = arith.constant 79 : i32
      %lt3A_78 = arith.cmpi slt, %scan3A_48, %lt3A_77 : i32
      %convert_element_type3A_79 = arith.extui %lt3A_78 : i1 to i32
      %cond3A_80 = arith.constant 0 : i32
      %cond3A_81 = arith.cmpi ne, %convert_element_type3A_79, %cond3A_80 : i32
      scf.if %cond3A_81 {
        %dma_wait3A_92 = arith.constant 0 : i32
        %dma_wait3A_93 = arith.constant 0 : i32
        %dma_wait3A_94 = tpu.memref_slice %arg19[%dma_wait3A_92, %dma_wait3A_93] : memref<10016x128xf32, #tpu.memory_space<vmem_shared>> -> memref<10016x128xf32, #tpu.memory_space<vmem_shared>>
        tpu.wait_indirect_dma semaphore(%arg25 : memref<!tpu.dma_semaphore, #tpu.memory_space<semaphore_mem>>) src(%arg16 : memref<64x128xf32, #tpu.memory_space<vmem>>) dst(%dma_wait3A_94 : memref<10016x128xf32, #tpu.memory_space<vmem_shared>>)
        %add3A_95 = arith.constant 1 : i32
        %add3A_96 = arith.addi %scan3A_48, %add3A_95 : i32
        %mul3A_97 = arith.constant 4 : i32
        %mul3A_98 = arith.muli %add3A_96, %mul3A_97 : i32
        %add3A_99 = arith.constant 1 : i32
        %add3A_100 = arith.addi %mul3A_98, %add3A_99 : i32
        %mul3A_101 = arith.constant 64 : i32
        %mul3A_102 = arith.muli %add3A_100, %mul3A_101 : i32
        %add3A_103 = arith.addi %mul3A_2, %mul3A_102 : i32
        "tpu.region"() ({
          %run_scoped3A = tpu.sem_alloc : memref<!tpu.dma_semaphore, #tpu.memory_space<semaphore_mem>>
          %dma_start3A_107 = tpu.memref_slice %arg3[%add3A_103] : memref<655360xi32, #tpu.memory_space<hbm>> -> memref<64xi32, #tpu.memory_space<hbm>>
          %dma_start3A_108 = tpu.memref_slice %arg3[%add3A_103] : memref<655360xi32, #tpu.memory_space<hbm>> -> memref<64xi32, #tpu.memory_space<hbm>>
          tpu.enqueue_dma source(%dma_start3A_108 : memref<64xi32, #tpu.memory_space<hbm>>) target(%arg8 : memref<64xi32, #tpu.memory_space<vmem>>) target_semaphore(%run_scoped3A : memref<!tpu.dma_semaphore, #tpu.memory_space<semaphore_mem>>)
          %dma_wait3A_109 = tpu.memref_slice %arg3[%add3A_103] : memref<655360xi32, #tpu.memory_space<hbm>> -> memref<64xi32, #tpu.memory_space<hbm>>
          %dma_wait3A_110 = tpu.memref_slice %arg3[%add3A_103] : memref<655360xi32, #tpu.memory_space<hbm>> -> memref<64xi32, #tpu.memory_space<hbm>>
          tpu.wait_dma2 semaphore(%run_scoped3A : memref<!tpu.dma_semaphore, #tpu.memory_space<semaphore_mem>>) src(%dma_wait3A_110 : memref<64xi32, #tpu.memory_space<hbm>>) dst(%arg8 : memref<64xi32, #tpu.memory_space<vmem>>)
          tpu.yield
        }) : () -> ()
        "tpu.region"() ({
          %run_scoped3A = tpu.sem_alloc : memref<!tpu.dma_semaphore, #tpu.memory_space<semaphore_mem>>
          %dma_start3A_107 = tpu.memref_slice %arg4[%add3A_103] : memref<655360xi32, #tpu.memory_space<hbm>> -> memref<64xi32, #tpu.memory_space<hbm>>
          %dma_start3A_108 = tpu.memref_slice %arg4[%add3A_103] : memref<655360xi32, #tpu.memory_space<hbm>> -> memref<64xi32, #tpu.memory_space<hbm>>
          tpu.enqueue_dma source(%dma_start3A_108 : memref<64xi32, #tpu.memory_space<hbm>>) target(%arg12 : memref<64xi32, #tpu.memory_space<vmem>>) target_semaphore(%run_scoped3A : memref<!tpu.dma_semaphore, #tpu.memory_space<semaphore_mem>>)
          %dma_wait3A_109 = tpu.memref_slice %arg4[%add3A_103] : memref<655360xi32, #tpu.memory_space<hbm>> -> memref<64xi32, #tpu.memory_space<hbm>>
          %dma_wait3A_110 = tpu.memref_slice %arg4[%add3A_103] : memref<655360xi32, #tpu.memory_space<hbm>> -> memref<64xi32, #tpu.memory_space<hbm>>
          tpu.wait_dma2 semaphore(%run_scoped3A : memref<!tpu.dma_semaphore, #tpu.memory_space<semaphore_mem>>) src(%dma_wait3A_110 : memref<64xi32, #tpu.memory_space<hbm>>) dst(%arg12 : memref<64xi32, #tpu.memory_space<vmem>>)
          tpu.yield
        }) : () -> ()
        %dma_start3A_104 = arith.constant 0 : i32
        %dma_start3A_105 = arith.constant 0 : i32
        %dma_start3A_106 = tpu.memref_slice %arg2[%dma_start3A_104, %dma_start3A_105] : memref<40000x128xf32, #tpu.memory_space<hbm>> -> memref<40000x128xf32, #tpu.memory_space<hbm>>
        tpu.enqueue_indirect_dma source(%dma_start3A_106 : memref<40000x128xf32, #tpu.memory_space<hbm>>) target(%arg16 : memref<64x128xf32, #tpu.memory_space<vmem>>) offsets(%arg8 : memref<64xi32, #tpu.memory_space<vmem>>) semaphore(%arg21 : memref<!tpu.dma_semaphore, #tpu.memory_space<semaphore_mem>>)
      } else {
      }
      %lt3A_82 = arith.constant 79 : i32
      %lt3A_83 = arith.cmpi slt, %scan3A_48, %lt3A_82 : i32
      %convert_element_type3A_84 = arith.extui %lt3A_83 : i1 to i32
      %cond3A_85 = arith.constant 0 : i32
      %cond3A_86 = arith.cmpi ne, %convert_element_type3A_84, %cond3A_85 : i32
      scf.if %cond3A_86 {
        %dma_wait3A_92 = arith.constant 0 : i32
        %dma_wait3A_93 = arith.constant 0 : i32
        %dma_wait3A_94 = tpu.memref_slice %arg19[%dma_wait3A_92, %dma_wait3A_93] : memref<10016x128xf32, #tpu.memory_space<vmem_shared>> -> memref<10016x128xf32, #tpu.memory_space<vmem_shared>>
        tpu.wait_indirect_dma semaphore(%arg26 : memref<!tpu.dma_semaphore, #tpu.memory_space<semaphore_mem>>) src(%arg17 : memref<64x128xf32, #tpu.memory_space<vmem>>) dst(%dma_wait3A_94 : memref<10016x128xf32, #tpu.memory_space<vmem_shared>>)
        %add3A_95 = arith.constant 1 : i32
        %add3A_96 = arith.addi %scan3A_48, %add3A_95 : i32
        %mul3A_97 = arith.constant 4 : i32
        %mul3A_98 = arith.muli %add3A_96, %mul3A_97 : i32
        %add3A_99 = arith.constant 2 : i32
        %add3A_100 = arith.addi %mul3A_98, %add3A_99 : i32
        %mul3A_101 = arith.constant 64 : i32
        %mul3A_102 = arith.muli %add3A_100, %mul3A_101 : i32
        %add3A_103 = arith.addi %mul3A_2, %mul3A_102 : i32
        "tpu.region"() ({
          %run_scoped3A = tpu.sem_alloc : memref<!tpu.dma_semaphore, #tpu.memory_space<semaphore_mem>>
          %dma_start3A_107 = tpu.memref_slice %arg3[%add3A_103] : memref<655360xi32, #tpu.memory_space<hbm>> -> memref<64xi32, #tpu.memory_space<hbm>>
          %dma_start3A_108 = tpu.memref_slice %arg3[%add3A_103] : memref<655360xi32, #tpu.memory_space<hbm>> -> memref<64xi32, #tpu.memory_space<hbm>>
          tpu.enqueue_dma source(%dma_start3A_108 : memref<64xi32, #tpu.memory_space<hbm>>) target(%arg9 : memref<64xi32, #tpu.memory_space<vmem>>) target_semaphore(%run_scoped3A : memref<!tpu.dma_semaphore, #tpu.memory_space<semaphore_mem>>)
          %dma_wait3A_109 = tpu.memref_slice %arg3[%add3A_103] : memref<655360xi32, #tpu.memory_space<hbm>> -> memref<64xi32, #tpu.memory_space<hbm>>
          %dma_wait3A_110 = tpu.memref_slice %arg3[%add3A_103] : memref<655360xi32, #tpu.memory_space<hbm>> -> memref<64xi32, #tpu.memory_space<hbm>>
          tpu.wait_dma2 semaphore(%run_scoped3A : memref<!tpu.dma_semaphore, #tpu.memory_space<semaphore_mem>>) src(%dma_wait3A_110 : memref<64xi32, #tpu.memory_space<hbm>>) dst(%arg9 : memref<64xi32, #tpu.memory_space<vmem>>)
          tpu.yield
        }) : () -> ()
        "tpu.region"() ({
          %run_scoped3A = tpu.sem_alloc : memref<!tpu.dma_semaphore, #tpu.memory_space<semaphore_mem>>
          %dma_start3A_107 = tpu.memref_slice %arg4[%add3A_103] : memref<655360xi32, #tpu.memory_space<hbm>> -> memref<64xi32, #tpu.memory_space<hbm>>
          %dma_start3A_108 = tpu.memref_slice %arg4[%add3A_103] : memref<655360xi32, #tpu.memory_space<hbm>> -> memref<64xi32, #tpu.memory_space<hbm>>
          tpu.enqueue_dma source(%dma_start3A_108 : memref<64xi32, #tpu.memory_space<hbm>>) target(%arg13 : memref<64xi32, #tpu.memory_space<vmem>>) target_semaphore(%run_scoped3A : memref<!tpu.dma_semaphore, #tpu.memory_space<semaphore_mem>>)
          %dma_wait3A_109 = tpu.memref_slice %arg4[%add3A_103] : memref<655360xi32, #tpu.memory_space<hbm>> -> memref<64xi32, #tpu.memory_space<hbm>>
          %dma_wait3A_110 = tpu.memref_slice %arg4[%add3A_103] : memref<655360xi32, #tpu.memory_space<hbm>> -> memref<64xi32, #tpu.memory_space<hbm>>
          tpu.wait_dma2 semaphore(%run_scoped3A : memref<!tpu.dma_semaphore, #tpu.memory_space<semaphore_mem>>) src(%dma_wait3A_110 : memref<64xi32, #tpu.memory_space<hbm>>) dst(%arg13 : memref<64xi32, #tpu.memory_space<vmem>>)
          tpu.yield
        }) : () -> ()
        %dma_start3A_104 = arith.constant 0 : i32
        %dma_start3A_105 = arith.constant 0 : i32
        %dma_start3A_106 = tpu.memref_slice %arg2[%dma_start3A_104, %dma_start3A_105] : memref<40000x128xf32, #tpu.memory_space<hbm>> -> memref<40000x128xf32, #tpu.memory_space<hbm>>
        tpu.enqueue_indirect_dma source(%dma_start3A_106 : memref<40000x128xf32, #tpu.memory_space<hbm>>) target(%arg17 : memref<64x128xf32, #tpu.memory_space<vmem>>) offsets(%arg9 : memref<64xi32, #tpu.memory_space<vmem>>) semaphore(%arg22 : memref<!tpu.dma_semaphore, #tpu.memory_space<semaphore_mem>>)
      } else {
      }
      %lt3A_87 = arith.constant 79 : i32
      %lt3A_88 = arith.cmpi slt, %scan3A_48, %lt3A_87 : i32
      %convert_element_type3A_89 = arith.extui %lt3A_88 : i1 to i32
      %cond3A_90 = arith.constant 0 : i32
      %cond3A_91 = arith.cmpi ne, %convert_element_type3A_89, %cond3A_90 : i32
      scf.if %cond3A_91 {
        %dma_wait3A_92 = arith.constant 0 : i32
        %dma_wait3A_93 = arith.constant 0 : i32
        %dma_wait3A_94 = tpu.memref_slice %arg19[%dma_wait3A_92, %dma_wait3A_93] : memref<10016x128xf32, #tpu.memory_space<vmem_shared>> -> memref<10016x128xf32, #tpu.memory_space<vmem_shared>>
        tpu.wait_indirect_dma semaphore(%arg27 : memref<!tpu.dma_semaphore, #tpu.memory_space<semaphore_mem>>) src(%arg18 : memref<64x128xf32, #tpu.memory_space<vmem>>) dst(%dma_wait3A_94 : memref<10016x128xf32, #tpu.memory_space<vmem_shared>>)
        %add3A_95 = arith.constant 1 : i32
        %add3A_96 = arith.addi %scan3A_48, %add3A_95 : i32
        %mul3A_97 = arith.constant 4 : i32
        %mul3A_98 = arith.muli %add3A_96, %mul3A_97 : i32
        %add3A_99 = arith.constant 3 : i32
        %add3A_100 = arith.addi %mul3A_98, %add3A_99 : i32
        %mul3A_101 = arith.constant 64 : i32
        %mul3A_102 = arith.muli %add3A_100, %mul3A_101 : i32
        %add3A_103 = arith.addi %mul3A_2, %mul3A_102 : i32
        "tpu.region"() ({
          %run_scoped3A = tpu.sem_alloc : memref<!tpu.dma_semaphore, #tpu.memory_space<semaphore_mem>>
          %dma_start3A_107 = tpu.memref_slice %arg3[%add3A_103] : memref<655360xi32, #tpu.memory_space<hbm>> -> memref<64xi32, #tpu.memory_space<hbm>>
          %dma_start3A_108 = tpu.memref_slice %arg3[%add3A_103] : memref<655360xi32, #tpu.memory_space<hbm>> -> memref<64xi32, #tpu.memory_space<hbm>>
          tpu.enqueue_dma source(%dma_start3A_108 : memref<64xi32, #tpu.memory_space<hbm>>) target(%arg10 : memref<64xi32, #tpu.memory_space<vmem>>) target_semaphore(%run_scoped3A : memref<!tpu.dma_semaphore, #tpu.memory_space<semaphore_mem>>)
          %dma_wait3A_109 = tpu.memref_slice %arg3[%add3A_103] : memref<655360xi32, #tpu.memory_space<hbm>> -> memref<64xi32, #tpu.memory_space<hbm>>
          %dma_wait3A_110 = tpu.memref_slice %arg3[%add3A_103] : memref<655360xi32, #tpu.memory_space<hbm>> -> memref<64xi32, #tpu.memory_space<hbm>>
          tpu.wait_dma2 semaphore(%run_scoped3A : memref<!tpu.dma_semaphore, #tpu.memory_space<semaphore_mem>>) src(%dma_wait3A_110 : memref<64xi32, #tpu.memory_space<hbm>>) dst(%arg10 : memref<64xi32, #tpu.memory_space<vmem>>)
          tpu.yield
        }) : () -> ()
        "tpu.region"() ({
          %run_scoped3A = tpu.sem_alloc : memref<!tpu.dma_semaphore, #tpu.memory_space<semaphore_mem>>
          %dma_start3A_107 = tpu.memref_slice %arg4[%add3A_103] : memref<655360xi32, #tpu.memory_space<hbm>> -> memref<64xi32, #tpu.memory_space<hbm>>
          %dma_start3A_108 = tpu.memref_slice %arg4[%add3A_103] : memref<655360xi32, #tpu.memory_space<hbm>> -> memref<64xi32, #tpu.memory_space<hbm>>
          tpu.enqueue_dma source(%dma_start3A_108 : memref<64xi32, #tpu.memory_space<hbm>>) target(%arg14 : memref<64xi32, #tpu.memory_space<vmem>>) target_semaphore(%run_scoped3A : memref<!tpu.dma_semaphore, #tpu.memory_space<semaphore_mem>>)
          %dma_wait3A_109 = tpu.memref_slice %arg4[%add3A_103] : memref<655360xi32, #tpu.memory_space<hbm>> -> memref<64xi32, #tpu.memory_space<hbm>>
          %dma_wait3A_110 = tpu.memref_slice %arg4[%add3A_103] : memref<655360xi32, #tpu.memory_space<hbm>> -> memref<64xi32, #tpu.memory_space<hbm>>
          tpu.wait_dma2 semaphore(%run_scoped3A : memref<!tpu.dma_semaphore, #tpu.memory_space<semaphore_mem>>) src(%dma_wait3A_110 : memref<64xi32, #tpu.memory_space<hbm>>) dst(%arg14 : memref<64xi32, #tpu.memory_space<vmem>>)
          tpu.yield
        }) : () -> ()
        %dma_start3A_104 = arith.constant 0 : i32
        %dma_start3A_105 = arith.constant 0 : i32
        %dma_start3A_106 = tpu.memref_slice %arg2[%dma_start3A_104, %dma_start3A_105] : memref<40000x128xf32, #tpu.memory_space<hbm>> -> memref<40000x128xf32, #tpu.memory_space<hbm>>
        tpu.enqueue_indirect_dma source(%dma_start3A_106 : memref<40000x128xf32, #tpu.memory_space<hbm>>) target(%arg18 : memref<64x128xf32, #tpu.memory_space<vmem>>) offsets(%arg10 : memref<64xi32, #tpu.memory_space<vmem>>) semaphore(%arg23 : memref<!tpu.dma_semaphore, #tpu.memory_space<semaphore_mem>>)
      } else {
      }
    }
    %scan3A_30 = arith.constant 80 : i32
    %dma_wait3A = arith.constant 0 : i32
    %dma_wait3A_31 = arith.constant 0 : i32
    %dma_wait3A_32 = tpu.memref_slice %arg19[%dma_wait3A, %dma_wait3A_31] : memref<10016x128xf32, #tpu.memory_space<vmem_shared>> -> memref<10016x128xf32, #tpu.memory_space<vmem_shared>>
    tpu.wait_indirect_dma semaphore(%arg24 : memref<!tpu.dma_semaphore, #tpu.memory_space<semaphore_mem>>) src(%arg15 : memref<64x128xf32, #tpu.memory_space<vmem>>) dst(%dma_wait3A_32 : memref<10016x128xf32, #tpu.memory_space<vmem_shared>>)
    %dma_wait3A_33 = arith.constant 0 : i32
    %dma_wait3A_34 = arith.constant 0 : i32
    %dma_wait3A_35 = tpu.memref_slice %arg19[%dma_wait3A_33, %dma_wait3A_34] : memref<10016x128xf32, #tpu.memory_space<vmem_shared>> -> memref<10016x128xf32, #tpu.memory_space<vmem_shared>>
    tpu.wait_indirect_dma semaphore(%arg25 : memref<!tpu.dma_semaphore, #tpu.memory_space<semaphore_mem>>) src(%arg16 : memref<64x128xf32, #tpu.memory_space<vmem>>) dst(%dma_wait3A_35 : memref<10016x128xf32, #tpu.memory_space<vmem_shared>>)
    %dma_wait3A_36 = arith.constant 0 : i32
    %dma_wait3A_37 = arith.constant 0 : i32
    %dma_wait3A_38 = tpu.memref_slice %arg19[%dma_wait3A_36, %dma_wait3A_37] : memref<10016x128xf32, #tpu.memory_space<vmem_shared>> -> memref<10016x128xf32, #tpu.memory_space<vmem_shared>>
    tpu.wait_indirect_dma semaphore(%arg26 : memref<!tpu.dma_semaphore, #tpu.memory_space<semaphore_mem>>) src(%arg17 : memref<64x128xf32, #tpu.memory_space<vmem>>) dst(%dma_wait3A_38 : memref<10016x128xf32, #tpu.memory_space<vmem_shared>>)
    %dma_wait3A_39 = arith.constant 0 : i32
    %dma_wait3A_40 = arith.constant 0 : i32
    %dma_wait3A_41 = tpu.memref_slice %arg19[%dma_wait3A_39, %dma_wait3A_40] : memref<10016x128xf32, #tpu.memory_space<vmem_shared>> -> memref<10016x128xf32, #tpu.memory_space<vmem_shared>>
    tpu.wait_indirect_dma semaphore(%arg27 : memref<!tpu.dma_semaphore, #tpu.memory_space<semaphore_mem>>) src(%arg18 : memref<64x128xf32, #tpu.memory_space<vmem>>) dst(%dma_wait3A_41 : memref<10016x128xf32, #tpu.memory_space<vmem_shared>>)
    %barrier3A_42 = arith.constant 0 : index
    tpu.barrier barrier_id(%barrier3A_42)
    "tpu.region"() ({
      %run_scoped3A = tpu.sem_alloc : memref<!tpu.dma_semaphore, #tpu.memory_space<semaphore_mem>>
      %dma_start3A_48 = arith.constant 0 : i32
      %dma_start3A_49 = tpu.memref_slice %arg6[%arg0, %mul3A_4, %dma_start3A_48] : memref<2x10000x128xf32, #tpu.memory_space<hbm>> -> memref<1x624x128xf32, #tpu.memory_space<hbm>>
      %dma_start3A_50 = tpu.memref_squeeze %dma_start3A_49 : memref<1x624x128xf32, #tpu.memory_space<hbm>> -> memref<624x128xf32, #tpu.memory_space<hbm>>
      %dma_start3A_51 = arith.constant 0 : i32
      %dma_start3A_52 = tpu.memref_slice %arg19[%mul3A_4, %dma_start3A_51] : memref<10016x128xf32, #tpu.memory_space<vmem_shared>> -> memref<624x128xf32, #tpu.memory_space<vmem_shared>>
      tpu.enqueue_dma source(%dma_start3A_52 : memref<624x128xf32, #tpu.memory_space<vmem_shared>>) target(%dma_start3A_50 : memref<624x128xf32, #tpu.memory_space<hbm>>) target_semaphore(%run_scoped3A : memref<!tpu.dma_semaphore, #tpu.memory_space<semaphore_mem>>)
      %dma_wait3A_53 = arith.constant 0 : i32
      %dma_wait3A_54 = tpu.memref_slice %arg6[%arg0, %mul3A_4, %dma_wait3A_53] : memref<2x10000x128xf32, #tpu.memory_space<hbm>> -> memref<1x624x128xf32, #tpu.memory_space<hbm>>
      %dma_wait3A_55 = tpu.memref_squeeze %dma_wait3A_54 : memref<1x624x128xf32, #tpu.memory_space<hbm>> -> memref<624x128xf32, #tpu.memory_space<hbm>>
      %dma_wait3A_56 = arith.constant 0 : i32
      %dma_wait3A_57 = tpu.memref_slice %arg19[%mul3A_4, %dma_wait3A_56] : memref<10016x128xf32, #tpu.memory_space<vmem_shared>> -> memref<624x128xf32, #tpu.memory_space<vmem_shared>>
      tpu.wait_dma2 semaphore(%run_scoped3A : memref<!tpu.dma_semaphore, #tpu.memory_space<semaphore_mem>>) src(%dma_wait3A_57 : memref<624x128xf32, #tpu.memory_space<vmem_shared>>) dst(%dma_wait3A_55 : memref<624x128xf32, #tpu.memory_space<hbm>>)
      tpu.yield
    }) : () -> ()
    %eq3A_43 = arith.constant 15 : i32
    %eq3A_44 = arith.cmpi eq, %arg1, %eq3A_43 : i32
    %convert_element_type3A_45 = arith.extui %eq3A_44 : i1 to i32
    %cond3A_46 = arith.constant 0 : i32
    %cond3A_47 = arith.cmpi ne, %convert_element_type3A_45, %cond3A_46 : i32
    scf.if %cond3A_47 {
      "tpu.region"() ({
        %run_scoped3A = tpu.sem_alloc : memref<!tpu.dma_semaphore, #tpu.memory_space<semaphore_mem>>
        %dma_start3A_48 = arith.constant 9984 : i32
        %dma_start3A_49 = arith.constant 0 : i32
        %dma_start3A_50 = tpu.memref_slice %arg6[%arg0, %dma_start3A_48, %dma_start3A_49] : memref<2x10000x128xf32, #tpu.memory_space<hbm>> -> memref<1x16x128xf32, #tpu.memory_space<hbm>>
        %dma_start3A_51 = tpu.memref_squeeze %dma_start3A_50 : memref<1x16x128xf32, #tpu.memory_space<hbm>> -> memref<16x128xf32, #tpu.memory_space<hbm>>
        %dma_start3A_52 = arith.constant 9984 : i32
        %dma_start3A_53 = arith.constant 0 : i32
        %dma_start3A_54 = tpu.memref_slice %arg19[%dma_start3A_52, %dma_start3A_53] : memref<10016x128xf32, #tpu.memory_space<vmem_shared>> -> memref<16x128xf32, #tpu.memory_space<vmem_shared>>
        tpu.enqueue_dma source(%dma_start3A_54 : memref<16x128xf32, #tpu.memory_space<vmem_shared>>) target(%dma_start3A_51 : memref<16x128xf32, #tpu.memory_space<hbm>>) target_semaphore(%run_scoped3A : memref<!tpu.dma_semaphore, #tpu.memory_space<semaphore_mem>>)
        %dma_wait3A_55 = arith.constant 9984 : i32
        %dma_wait3A_56 = arith.constant 0 : i32
        %dma_wait3A_57 = tpu.memref_slice %arg6[%arg0, %dma_wait3A_55, %dma_wait3A_56] : memref<2x10000x128xf32, #tpu.memory_space<hbm>> -> memref<1x16x128xf32, #tpu.memory_space<hbm>>
        %dma_wait3A_58 = tpu.memref_squeeze %dma_wait3A_57 : memref<1x16x128xf32, #tpu.memory_space<hbm>> -> memref<16x128xf32, #tpu.memory_space<hbm>>
        %dma_wait3A_59 = arith.constant 9984 : i32
        %dma_wait3A_60 = arith.constant 0 : i32
        %dma_wait3A_61 = tpu.memref_slice %arg19[%dma_wait3A_59, %dma_wait3A_60] : memref<10016x128xf32, #tpu.memory_space<vmem_shared>> -> memref<16x128xf32, #tpu.memory_space<vmem_shared>>
        tpu.wait_dma2 semaphore(%run_scoped3A : memref<!tpu.dma_semaphore, #tpu.memory_space<semaphore_mem>>) src(%dma_wait3A_61 : memref<16x128xf32, #tpu.memory_space<vmem_shared>>) dst(%dma_wait3A_58 : memref<16x128xf32, #tpu.memory_space<hbm>>)
        tpu.yield
      }) : () -> ()
    } else {
    }
    return
  }
}

#map = affine_map<(d0, d1) -> (0, 0)>
#map1 = affine_map<(d0, d1) -> (0)>
#map2 = affine_map<(d0, d1) -> (0, 0, 0)>
module attributes {stable_mosaic.version = 14 : i64} {
  func.func @_sc_scatter(%arg0: i32, %arg1: i32, %arg2: memref<40000x128xf32, #tpu.memory_space<hbm>>, %arg3: memref<655360xi32, #tpu.memory_space<hbm>>, %arg4: memref<655360xi32, #tpu.memory_space<hbm>>, %arg5: memref<10000x128xf32, #tpu.memory_space<hbm>>, %arg6: memref<2x10000x128xf32, #tpu.memory_space<hbm>>, %arg7: memref<64xi32, #tpu.memory_space<vmem>>, %arg8: memref<64xi32, #tpu.memory_space<vmem>>, %arg9: memref<64xi32, #tpu.memory_space<vmem>>, %arg10: memref<64xi32, #tpu.memory_space<vmem>>, %arg11: memref<64xi32, #tpu.memory_space<vmem>>, %arg12: memref<64xi32, #tpu.memory_space<vmem>>, %arg13: memref<64xi32, #tpu.memory_space<vmem>>, %arg14: memref<64xi32, #tpu.memory_space<vmem>>, %arg15: memref<64x128xf32, #tpu.memory_space<vmem>>, %arg16: memref<64x128xf32, #tpu.memory_space<vmem>>, %arg17: memref<64x128xf32, #tpu.memory_space<vmem>>, %arg18: memref<64x128xf32, #tpu.memory_space<vmem>>, %arg19: memref<10016x128xf32, #tpu.memory_space<vmem_shared>>, %arg20: memref<!tpu.dma_semaphore, #tpu.memory_space<semaphore_mem>>, %arg21: memref<!tpu.dma_semaphore, #tpu.memory_space<semaphore_mem>>, %arg22: memref<!tpu.dma_semaphore, #tpu.memory_space<semaphore_mem>>, %arg23: memref<!tpu.dma_semaphore, #tpu.memory_space<semaphore_mem>>, %arg24: memref<!tpu.dma_semaphore, #tpu.memory_space<semaphore_mem>>, %arg25: memref<!tpu.dma_semaphore, #tpu.memory_space<semaphore_mem>>, %arg26: memref<!tpu.dma_semaphore, #tpu.memory_space<semaphore_mem>>, %arg27: memref<!tpu.dma_semaphore, #tpu.memory_space<semaphore_mem>>) attributes {dimension_semantics = [#tpu.dimension_semantics<core_parallel>, #tpu.dimension_semantics<subcore_parallel>], iteration_bounds = array<i64: 2, 16>, scalar_prefetch = 0 : i64, scratch_operands = 21 : i64, tpu.core_type = #tpu.core_type<sc_vector_subcore>, window_params = [{transform_indices = #map}, {transform_indices = #map1}, {transform_indices = #map1}, {transform_indices = #map}, {transform_indices = #map2}]} {
    %mul3A = arith.constant 16 : i32
    %mul3A_0 = arith.muli %arg0, %mul3A : i32
    %add3A = arith.addi %mul3A_0, %arg1 : i32
    %mul3A_1 = arith.constant 20480 : i32
    %mul3A_2 = arith.muli %add3A, %mul3A_1 : i32
    %mul3A_3 = arith.constant 624 : i32
    %mul3A_4 = arith.muli %arg1, %mul3A_3 : i32
    "tpu.region"() ({
      %run_scoped3A = tpu.sem_alloc : memref<!tpu.dma_semaphore, #tpu.memory_space<semaphore_mem>>
      %dma_start3A_48 = arith.constant 0 : i32
      %dma_start3A_49 = tpu.memref_slice %arg19[%mul3A_4, %dma_start3A_48] : memref<10016x128xf32, #tpu.memory_space<vmem_shared>> -> memref<624x128xf32, #tpu.memory_space<vmem_shared>>
      %dma_start3A_50 = arith.constant 0 : i32
      %dma_start3A_51 = tpu.memref_slice %arg5[%mul3A_4, %dma_start3A_50] : memref<10000x128xf32, #tpu.memory_space<hbm>> -> memref<624x128xf32, #tpu.memory_space<hbm>>
      tpu.enqueue_dma source(%dma_start3A_51 : memref<624x128xf32, #tpu.memory_space<hbm>>) target(%dma_start3A_49 : memref<624x128xf32, #tpu.memory_space<vmem_shared>>) target_semaphore(%run_scoped3A : memref<!tpu.dma_semaphore, #tpu.memory_space<semaphore_mem>>)
      %dma_wait3A_52 = arith.constant 0 : i32
      %dma_wait3A_53 = tpu.memref_slice %arg19[%mul3A_4, %dma_wait3A_52] : memref<10016x128xf32, #tpu.memory_space<vmem_shared>> -> memref<624x128xf32, #tpu.memory_space<vmem_shared>>
      %dma_wait3A_54 = arith.constant 0 : i32
      %dma_wait3A_55 = tpu.memref_slice %arg5[%mul3A_4, %dma_wait3A_54] : memref<10000x128xf32, #tpu.memory_space<hbm>> -> memref<624x128xf32, #tpu.memory_space<hbm>>
      tpu.wait_dma2 semaphore(%run_scoped3A : memref<!tpu.dma_semaphore, #tpu.memory_space<semaphore_mem>>) src(%dma_wait3A_55 : memref<624x128xf32, #tpu.memory_space<hbm>>) dst(%dma_wait3A_53 : memref<624x128xf32, #tpu.memory_space<vmem_shared>>)
      tpu.yield
    }) : () -> ()
    %eq3A = arith.constant 15 : i32
    %eq3A_5 = arith.cmpi eq, %arg1, %eq3A : i32
    %convert_element_type3A = arith.extui %eq3A_5 : i1 to i32
    %cond3A = arith.constant 0 : i32
    %cond3A_6 = arith.cmpi ne, %convert_element_type3A, %cond3A : i32
    scf.if %cond3A_6 {
      "tpu.region"() ({
        %run_scoped3A = tpu.sem_alloc : memref<!tpu.dma_semaphore, #tpu.memory_space<semaphore_mem>>
        %dma_start3A_48 = arith.constant 9984 : i32
        %dma_start3A_49 = arith.constant 0 : i32
        %dma_start3A_50 = tpu.memref_slice %arg19[%dma_start3A_48, %dma_start3A_49] : memref<10016x128xf32, #tpu.memory_space<vmem_shared>> -> memref<16x128xf32, #tpu.memory_space<vmem_shared>>
        %dma_start3A_51 = arith.constant 9984 : i32
        %dma_start3A_52 = arith.constant 0 : i32
        %dma_start3A_53 = tpu.memref_slice %arg5[%dma_start3A_51, %dma_start3A_52] : memref<10000x128xf32, #tpu.memory_space<hbm>> -> memref<16x128xf32, #tpu.memory_space<hbm>>
        tpu.enqueue_dma source(%dma_start3A_53 : memref<16x128xf32, #tpu.memory_space<hbm>>) target(%dma_start3A_50 : memref<16x128xf32, #tpu.memory_space<vmem_shared>>) target_semaphore(%run_scoped3A : memref<!tpu.dma_semaphore, #tpu.memory_space<semaphore_mem>>)
        %dma_wait3A_54 = arith.constant 9984 : i32
        %dma_wait3A_55 = arith.constant 0 : i32
        %dma_wait3A_56 = tpu.memref_slice %arg19[%dma_wait3A_54, %dma_wait3A_55] : memref<10016x128xf32, #tpu.memory_space<vmem_shared>> -> memref<16x128xf32, #tpu.memory_space<vmem_shared>>
        %dma_wait3A_57 = arith.constant 9984 : i32
        %dma_wait3A_58 = arith.constant 0 : i32
        %dma_wait3A_59 = tpu.memref_slice %arg5[%dma_wait3A_57, %dma_wait3A_58] : memref<10000x128xf32, #tpu.memory_space<hbm>> -> memref<16x128xf32, #tpu.memory_space<hbm>>
        tpu.wait_dma2 semaphore(%run_scoped3A : memref<!tpu.dma_semaphore, #tpu.memory_space<semaphore_mem>>) src(%dma_wait3A_59 : memref<16x128xf32, #tpu.memory_space<hbm>>) dst(%dma_wait3A_56 : memref<16x128xf32, #tpu.memory_space<vmem_shared>>)
        tpu.yield
      }) : () -> ()
    } else {
    }
    %barrier3A = arith.constant 0 : index
    tpu.barrier barrier_id(%barrier3A)
    %add3A_7 = arith.constant 0 : i32
    %add3A_8 = arith.addi %mul3A_2, %add3A_7 : i32
    "tpu.region"() ({
      %run_scoped3A = tpu.sem_alloc : memref<!tpu.dma_semaphore, #tpu.memory_space<semaphore_mem>>
      %dma_start3A_48 = tpu.memref_slice %arg3[%add3A_8] : memref<655360xi32, #tpu.memory_space<hbm>> -> memref<64xi32, #tpu.memory_space<hbm>>
      %dma_start3A_49 = tpu.memref_slice %arg3[%add3A_8] : memref<655360xi32, #tpu.memory_space<hbm>> -> memref<64xi32, #tpu.memory_space<hbm>>
      tpu.enqueue_dma source(%dma_start3A_49 : memref<64xi32, #tpu.memory_space<hbm>>) target(%arg7 : memref<64xi32, #tpu.memory_space<vmem>>) target_semaphore(%run_scoped3A : memref<!tpu.dma_semaphore, #tpu.memory_space<semaphore_mem>>)
      %dma_wait3A_50 = tpu.memref_slice %arg3[%add3A_8] : memref<655360xi32, #tpu.memory_space<hbm>> -> memref<64xi32, #tpu.memory_space<hbm>>
      %dma_wait3A_51 = tpu.memref_slice %arg3[%add3A_8] : memref<655360xi32, #tpu.memory_space<hbm>> -> memref<64xi32, #tpu.memory_space<hbm>>
      tpu.wait_dma2 semaphore(%run_scoped3A : memref<!tpu.dma_semaphore, #tpu.memory_space<semaphore_mem>>) src(%dma_wait3A_51 : memref<64xi32, #tpu.memory_space<hbm>>) dst(%arg7 : memref<64xi32, #tpu.memory_space<vmem>>)
      tpu.yield
    }) : () -> ()
    "tpu.region"() ({
      %run_scoped3A = tpu.sem_alloc : memref<!tpu.dma_semaphore, #tpu.memory_space<semaphore_mem>>
      %dma_start3A_48 = tpu.memref_slice %arg4[%add3A_8] : memref<655360xi32, #tpu.memory_space<hbm>> -> memref<64xi32, #tpu.memory_space<hbm>>
      %dma_start3A_49 = tpu.memref_slice %arg4[%add3A_8] : memref<655360xi32, #tpu.memory_space<hbm>> -> memref<64xi32, #tpu.memory_space<hbm>>
      tpu.enqueue_dma source(%dma_start3A_49 : memref<64xi32, #tpu.memory_space<hbm>>) target(%arg11 : memref<64xi32, #tpu.memory_space<vmem>>) target_semaphore(%run_scoped3A : memref<!tpu.dma_semaphore, #tpu.memory_space<semaphore_mem>>)
      %dma_wait3A_50 = tpu.memref_slice %arg4[%add3A_8] : memref<655360xi32, #tpu.memory_space<hbm>> -> memref<64xi32, #tpu.memory_space<hbm>>
      %dma_wait3A_51 = tpu.memref_slice %arg4[%add3A_8] : memref<655360xi32, #tpu.memory_space<hbm>> -> memref<64xi32, #tpu.memory_space<hbm>>
      tpu.wait_dma2 semaphore(%run_scoped3A : memref<!tpu.dma_semaphore, #tpu.memory_space<semaphore_mem>>) src(%dma_wait3A_51 : memref<64xi32, #tpu.memory_space<hbm>>) dst(%arg11 : memref<64xi32, #tpu.memory_space<vmem>>)
      tpu.yield
    }) : () -> ()
    %dma_start3A = arith.constant 0 : i32
    %dma_start3A_9 = arith.constant 0 : i32
    %dma_start3A_10 = tpu.memref_slice %arg2[%dma_start3A, %dma_start3A_9] : memref<40000x128xf32, #tpu.memory_space<hbm>> -> memref<40000x128xf32, #tpu.memory_space<hbm>>
    tpu.enqueue_indirect_dma source(%dma_start3A_10 : memref<40000x128xf32, #tpu.memory_space<hbm>>) target(%arg15 : memref<64x128xf32, #tpu.memory_space<vmem>>) offsets(%arg7 : memref<64xi32, #tpu.memory_space<vmem>>) semaphore(%arg20 : memref<!tpu.dma_semaphore, #tpu.memory_space<semaphore_mem>>)
    %add3A_11 = arith.constant 64 : i32
    %add3A_12 = arith.addi %mul3A_2, %add3A_11 : i32
    "tpu.region"() ({
      %run_scoped3A = tpu.sem_alloc : memref<!tpu.dma_semaphore, #tpu.memory_space<semaphore_mem>>
      %dma_start3A_48 = tpu.memref_slice %arg3[%add3A_12] : memref<655360xi32, #tpu.memory_space<hbm>> -> memref<64xi32, #tpu.memory_space<hbm>>
      %dma_start3A_49 = tpu.memref_slice %arg3[%add3A_12] : memref<655360xi32, #tpu.memory_space<hbm>> -> memref<64xi32, #tpu.memory_space<hbm>>
      tpu.enqueue_dma source(%dma_start3A_49 : memref<64xi32, #tpu.memory_space<hbm>>) target(%arg8 : memref<64xi32, #tpu.memory_space<vmem>>) target_semaphore(%run_scoped3A : memref<!tpu.dma_semaphore, #tpu.memory_space<semaphore_mem>>)
      %dma_wait3A_50 = tpu.memref_slice %arg3[%add3A_12] : memref<655360xi32, #tpu.memory_space<hbm>> -> memref<64xi32, #tpu.memory_space<hbm>>
      %dma_wait3A_51 = tpu.memref_slice %arg3[%add3A_12] : memref<655360xi32, #tpu.memory_space<hbm>> -> memref<64xi32, #tpu.memory_space<hbm>>
      tpu.wait_dma2 semaphore(%run_scoped3A : memref<!tpu.dma_semaphore, #tpu.memory_space<semaphore_mem>>) src(%dma_wait3A_51 : memref<64xi32, #tpu.memory_space<hbm>>) dst(%arg8 : memref<64xi32, #tpu.memory_space<vmem>>)
      tpu.yield
    }) : () -> ()
    "tpu.region"() ({
      %run_scoped3A = tpu.sem_alloc : memref<!tpu.dma_semaphore, #tpu.memory_space<semaphore_mem>>
      %dma_start3A_48 = tpu.memref_slice %arg4[%add3A_12] : memref<655360xi32, #tpu.memory_space<hbm>> -> memref<64xi32, #tpu.memory_space<hbm>>
      %dma_start3A_49 = tpu.memref_slice %arg4[%add3A_12] : memref<655360xi32, #tpu.memory_space<hbm>> -> memref<64xi32, #tpu.memory_space<hbm>>
      tpu.enqueue_dma source(%dma_start3A_49 : memref<64xi32, #tpu.memory_space<hbm>>) target(%arg12 : memref<64xi32, #tpu.memory_space<vmem>>) target_semaphore(%run_scoped3A : memref<!tpu.dma_semaphore, #tpu.memory_space<semaphore_mem>>)
      %dma_wait3A_50 = tpu.memref_slice %arg4[%add3A_12] : memref<655360xi32, #tpu.memory_space<hbm>> -> memref<64xi32, #tpu.memory_space<hbm>>
      %dma_wait3A_51 = tpu.memref_slice %arg4[%add3A_12] : memref<655360xi32, #tpu.memory_space<hbm>> -> memref<64xi32, #tpu.memory_space<hbm>>
      tpu.wait_dma2 semaphore(%run_scoped3A : memref<!tpu.dma_semaphore, #tpu.memory_space<semaphore_mem>>) src(%dma_wait3A_51 : memref<64xi32, #tpu.memory_space<hbm>>) dst(%arg12 : memref<64xi32, #tpu.memory_space<vmem>>)
      tpu.yield
    }) : () -> ()
    %dma_start3A_13 = arith.constant 0 : i32
    %dma_start3A_14 = arith.constant 0 : i32
    %dma_start3A_15 = tpu.memref_slice %arg2[%dma_start3A_13, %dma_start3A_14] : memref<40000x128xf32, #tpu.memory_space<hbm>> -> memref<40000x128xf32, #tpu.memory_space<hbm>>
    tpu.enqueue_indirect_dma source(%dma_start3A_15 : memref<40000x128xf32, #tpu.memory_space<hbm>>) target(%arg16 : memref<64x128xf32, #tpu.memory_space<vmem>>) offsets(%arg8 : memref<64xi32, #tpu.memory_space<vmem>>) semaphore(%arg21 : memref<!tpu.dma_semaphore, #tpu.memory_space<semaphore_mem>>)
    %add3A_16 = arith.constant 128 : i32
    %add3A_17 = arith.addi %mul3A_2, %add3A_16 : i32
    "tpu.region"() ({
      %run_scoped3A = tpu.sem_alloc : memref<!tpu.dma_semaphore, #tpu.memory_space<semaphore_mem>>
      %dma_start3A_48 = tpu.memref_slice %arg3[%add3A_17] : memref<655360xi32, #tpu.memory_space<hbm>> -> memref<64xi32, #tpu.memory_space<hbm>>
      %dma_start3A_49 = tpu.memref_slice %arg3[%add3A_17] : memref<655360xi32, #tpu.memory_space<hbm>> -> memref<64xi32, #tpu.memory_space<hbm>>
      tpu.enqueue_dma source(%dma_start3A_49 : memref<64xi32, #tpu.memory_space<hbm>>) target(%arg9 : memref<64xi32, #tpu.memory_space<vmem>>) target_semaphore(%run_scoped3A : memref<!tpu.dma_semaphore, #tpu.memory_space<semaphore_mem>>)
      %dma_wait3A_50 = tpu.memref_slice %arg3[%add3A_17] : memref<655360xi32, #tpu.memory_space<hbm>> -> memref<64xi32, #tpu.memory_space<hbm>>
      %dma_wait3A_51 = tpu.memref_slice %arg3[%add3A_17] : memref<655360xi32, #tpu.memory_space<hbm>> -> memref<64xi32, #tpu.memory_space<hbm>>
      tpu.wait_dma2 semaphore(%run_scoped3A : memref<!tpu.dma_semaphore, #tpu.memory_space<semaphore_mem>>) src(%dma_wait3A_51 : memref<64xi32, #tpu.memory_space<hbm>>) dst(%arg9 : memref<64xi32, #tpu.memory_space<vmem>>)
      tpu.yield
    }) : () -> ()
    "tpu.region"() ({
      %run_scoped3A = tpu.sem_alloc : memref<!tpu.dma_semaphore, #tpu.memory_space<semaphore_mem>>
      %dma_start3A_48 = tpu.memref_slice %arg4[%add3A_17] : memref<655360xi32, #tpu.memory_space<hbm>> -> memref<64xi32, #tpu.memory_space<hbm>>
      %dma_start3A_49 = tpu.memref_slice %arg4[%add3A_17] : memref<655360xi32, #tpu.memory_space<hbm>> -> memref<64xi32, #tpu.memory_space<hbm>>
      tpu.enqueue_dma source(%dma_start3A_49 : memref<64xi32, #tpu.memory_space<hbm>>) target(%arg13 : memref<64xi32, #tpu.memory_space<vmem>>) target_semaphore(%run_scoped3A : memref<!tpu.dma_semaphore, #tpu.memory_space<semaphore_mem>>)
      %dma_wait3A_50 = tpu.memref_slice %arg4[%add3A_17] : memref<655360xi32, #tpu.memory_space<hbm>> -> memref<64xi32, #tpu.memory_space<hbm>>
      %dma_wait3A_51 = tpu.memref_slice %arg4[%add3A_17] : memref<655360xi32, #tpu.memory_space<hbm>> -> memref<64xi32, #tpu.memory_space<hbm>>
      tpu.wait_dma2 semaphore(%run_scoped3A : memref<!tpu.dma_semaphore, #tpu.memory_space<semaphore_mem>>) src(%dma_wait3A_51 : memref<64xi32, #tpu.memory_space<hbm>>) dst(%arg13 : memref<64xi32, #tpu.memory_space<vmem>>)
      tpu.yield
    }) : () -> ()
    %dma_start3A_18 = arith.constant 0 : i32
    %dma_start3A_19 = arith.constant 0 : i32
    %dma_start3A_20 = tpu.memref_slice %arg2[%dma_start3A_18, %dma_start3A_19] : memref<40000x128xf32, #tpu.memory_space<hbm>> -> memref<40000x128xf32, #tpu.memory_space<hbm>>
    tpu.enqueue_indirect_dma source(%dma_start3A_20 : memref<40000x128xf32, #tpu.memory_space<hbm>>) target(%arg17 : memref<64x128xf32, #tpu.memory_space<vmem>>) offsets(%arg9 : memref<64xi32, #tpu.memory_space<vmem>>) semaphore(%arg22 : memref<!tpu.dma_semaphore, #tpu.memory_space<semaphore_mem>>)
    %add3A_21 = arith.constant 192 : i32
    %add3A_22 = arith.addi %mul3A_2, %add3A_21 : i32
    "tpu.region"() ({
      %run_scoped3A = tpu.sem_alloc : memref<!tpu.dma_semaphore, #tpu.memory_space<semaphore_mem>>
      %dma_start3A_48 = tpu.memref_slice %arg3[%add3A_22] : memref<655360xi32, #tpu.memory_space<hbm>> -> memref<64xi32, #tpu.memory_space<hbm>>
      %dma_start3A_49 = tpu.memref_slice %arg3[%add3A_22] : memref<655360xi32, #tpu.memory_space<hbm>> -> memref<64xi32, #tpu.memory_space<hbm>>
      tpu.enqueue_dma source(%dma_start3A_49 : memref<64xi32, #tpu.memory_space<hbm>>) target(%arg10 : memref<64xi32, #tpu.memory_space<vmem>>) target_semaphore(%run_scoped3A : memref<!tpu.dma_semaphore, #tpu.memory_space<semaphore_mem>>)
      %dma_wait3A_50 = tpu.memref_slice %arg3[%add3A_22] : memref<655360xi32, #tpu.memory_space<hbm>> -> memref<64xi32, #tpu.memory_space<hbm>>
      %dma_wait3A_51 = tpu.memref_slice %arg3[%add3A_22] : memref<655360xi32, #tpu.memory_space<hbm>> -> memref<64xi32, #tpu.memory_space<hbm>>
      tpu.wait_dma2 semaphore(%run_scoped3A : memref<!tpu.dma_semaphore, #tpu.memory_space<semaphore_mem>>) src(%dma_wait3A_51 : memref<64xi32, #tpu.memory_space<hbm>>) dst(%arg10 : memref<64xi32, #tpu.memory_space<vmem>>)
      tpu.yield
    }) : () -> ()
    "tpu.region"() ({
      %run_scoped3A = tpu.sem_alloc : memref<!tpu.dma_semaphore, #tpu.memory_space<semaphore_mem>>
      %dma_start3A_48 = tpu.memref_slice %arg4[%add3A_22] : memref<655360xi32, #tpu.memory_space<hbm>> -> memref<64xi32, #tpu.memory_space<hbm>>
      %dma_start3A_49 = tpu.memref_slice %arg4[%add3A_22] : memref<655360xi32, #tpu.memory_space<hbm>> -> memref<64xi32, #tpu.memory_space<hbm>>
      tpu.enqueue_dma source(%dma_start3A_49 : memref<64xi32, #tpu.memory_space<hbm>>) target(%arg14 : memref<64xi32, #tpu.memory_space<vmem>>) target_semaphore(%run_scoped3A : memref<!tpu.dma_semaphore, #tpu.memory_space<semaphore_mem>>)
      %dma_wait3A_50 = tpu.memref_slice %arg4[%add3A_22] : memref<655360xi32, #tpu.memory_space<hbm>> -> memref<64xi32, #tpu.memory_space<hbm>>
      %dma_wait3A_51 = tpu.memref_slice %arg4[%add3A_22] : memref<655360xi32, #tpu.memory_space<hbm>> -> memref<64xi32, #tpu.memory_space<hbm>>
      tpu.wait_dma2 semaphore(%run_scoped3A : memref<!tpu.dma_semaphore, #tpu.memory_space<semaphore_mem>>) src(%dma_wait3A_51 : memref<64xi32, #tpu.memory_space<hbm>>) dst(%arg14 : memref<64xi32, #tpu.memory_space<vmem>>)
      tpu.yield
    }) : () -> ()
    %dma_start3A_23 = arith.constant 0 : i32
    %dma_start3A_24 = arith.constant 0 : i32
    %dma_start3A_25 = tpu.memref_slice %arg2[%dma_start3A_23, %dma_start3A_24] : memref<40000x128xf32, #tpu.memory_space<hbm>> -> memref<40000x128xf32, #tpu.memory_space<hbm>>
    tpu.enqueue_indirect_dma source(%dma_start3A_25 : memref<40000x128xf32, #tpu.memory_space<hbm>>) target(%arg18 : memref<64x128xf32, #tpu.memory_space<vmem>>) offsets(%arg10 : memref<64xi32, #tpu.memory_space<vmem>>) semaphore(%arg23 : memref<!tpu.dma_semaphore, #tpu.memory_space<semaphore_mem>>)
    %scan3A = arith.constant 0 : i32
    %scan3A_26 = arith.constant 0 : i32
    %scan3A_27 = arith.constant 80 : i32
    %scan3A_28 = arith.addi %scan3A_26, %scan3A_27 : i32
    %scan3A_29 = arith.constant 1 : i32
    scf.for %scan3A_48 = %scan3A_26 to %scan3A_28 step %scan3A_29  : i32 {
      %dma_wait3A_49 = arith.constant 0 : i32
      %dma_wait3A_50 = arith.constant 0 : i32
      %dma_wait3A_51 = tpu.memref_slice %arg2[%dma_wait3A_49, %dma_wait3A_50] : memref<40000x128xf32, #tpu.memory_space<hbm>> -> memref<40000x128xf32, #tpu.memory_space<hbm>>
      tpu.wait_indirect_dma semaphore(%arg20 : memref<!tpu.dma_semaphore, #tpu.memory_space<semaphore_mem>>) src(%dma_wait3A_51 : memref<40000x128xf32, #tpu.memory_space<hbm>>) dst(%arg15 : memref<64x128xf32, #tpu.memory_space<vmem>>)
      %dma_start3A_52 = arith.constant 0 : i32
      %dma_start3A_53 = arith.constant 0 : i32
      %dma_start3A_54 = tpu.memref_slice %arg19[%dma_start3A_52, %dma_start3A_53] : memref<10016x128xf32, #tpu.memory_space<vmem_shared>> -> memref<10016x128xf32, #tpu.memory_space<vmem_shared>>
      tpu.enqueue_indirect_dma source(%arg15 : memref<64x128xf32, #tpu.memory_space<vmem>>) target(%dma_start3A_54 : memref<10016x128xf32, #tpu.memory_space<vmem_shared>>) offsets(%arg11 : memref<64xi32, #tpu.memory_space<vmem>>) semaphore(%arg24 : memref<!tpu.dma_semaphore, #tpu.memory_space<semaphore_mem>>) {add = true}
      %dma_wait3A_55 = arith.constant 0 : i32
      %dma_wait3A_56 = arith.constant 0 : i32
      %dma_wait3A_57 = tpu.memref_slice %arg2[%dma_wait3A_55, %dma_wait3A_56] : memref<40000x128xf32, #tpu.memory_space<hbm>> -> memref<40000x128xf32, #tpu.memory_space<hbm>>
      tpu.wait_indirect_dma semaphore(%arg21 : memref<!tpu.dma_semaphore, #tpu.memory_space<semaphore_mem>>) src(%dma_wait3A_57 : memref<40000x128xf32, #tpu.memory_space<hbm>>) dst(%arg16 : memref<64x128xf32, #tpu.memory_space<vmem>>)
      %dma_start3A_58 = arith.constant 0 : i32
      %dma_start3A_59 = arith.constant 0 : i32
      %dma_start3A_60 = tpu.memref_slice %arg19[%dma_start3A_58, %dma_start3A_59] : memref<10016x128xf32, #tpu.memory_space<vmem_shared>> -> memref<10016x128xf32, #tpu.memory_space<vmem_shared>>
      tpu.enqueue_indirect_dma source(%arg16 : memref<64x128xf32, #tpu.memory_space<vmem>>) target(%dma_start3A_60 : memref<10016x128xf32, #tpu.memory_space<vmem_shared>>) offsets(%arg12 : memref<64xi32, #tpu.memory_space<vmem>>) semaphore(%arg25 : memref<!tpu.dma_semaphore, #tpu.memory_space<semaphore_mem>>) {add = true}
      %dma_wait3A_61 = arith.constant 0 : i32
      %dma_wait3A_62 = arith.constant 0 : i32
      %dma_wait3A_63 = tpu.memref_slice %arg2[%dma_wait3A_61, %dma_wait3A_62] : memref<40000x128xf32, #tpu.memory_space<hbm>> -> memref<40000x128xf32, #tpu.memory_space<hbm>>
      tpu.wait_indirect_dma semaphore(%arg22 : memref<!tpu.dma_semaphore, #tpu.memory_space<semaphore_mem>>) src(%dma_wait3A_63 : memref<40000x128xf32, #tpu.memory_space<hbm>>) dst(%arg17 : memref<64x128xf32, #tpu.memory_space<vmem>>)
      %dma_start3A_64 = arith.constant 0 : i32
      %dma_start3A_65 = arith.constant 0 : i32
      %dma_start3A_66 = tpu.memref_slice %arg19[%dma_start3A_64, %dma_start3A_65] : memref<10016x128xf32, #tpu.memory_space<vmem_shared>> -> memref<10016x128xf32, #tpu.memory_space<vmem_shared>>
      tpu.enqueue_indirect_dma source(%arg17 : memref<64x128xf32, #tpu.memory_space<vmem>>) target(%dma_start3A_66 : memref<10016x128xf32, #tpu.memory_space<vmem_shared>>) offsets(%arg13 : memref<64xi32, #tpu.memory_space<vmem>>) semaphore(%arg26 : memref<!tpu.dma_semaphore, #tpu.memory_space<semaphore_mem>>) {add = true}
      %dma_wait3A_67 = arith.constant 0 : i32
      %dma_wait3A_68 = arith.constant 0 : i32
      %dma_wait3A_69 = tpu.memref_slice %arg2[%dma_wait3A_67, %dma_wait3A_68] : memref<40000x128xf32, #tpu.memory_space<hbm>> -> memref<40000x128xf32, #tpu.memory_space<hbm>>
      tpu.wait_indirect_dma semaphore(%arg23 : memref<!tpu.dma_semaphore, #tpu.memory_space<semaphore_mem>>) src(%dma_wait3A_69 : memref<40000x128xf32, #tpu.memory_space<hbm>>) dst(%arg18 : memref<64x128xf32, #tpu.memory_space<vmem>>)
      %dma_start3A_70 = arith.constant 0 : i32
      %dma_start3A_71 = arith.constant 0 : i32
      %dma_start3A_72 = tpu.memref_slice %arg19[%dma_start3A_70, %dma_start3A_71] : memref<10016x128xf32, #tpu.memory_space<vmem_shared>> -> memref<10016x128xf32, #tpu.memory_space<vmem_shared>>
      tpu.enqueue_indirect_dma source(%arg18 : memref<64x128xf32, #tpu.memory_space<vmem>>) target(%dma_start3A_72 : memref<10016x128xf32, #tpu.memory_space<vmem_shared>>) offsets(%arg14 : memref<64xi32, #tpu.memory_space<vmem>>) semaphore(%arg27 : memref<!tpu.dma_semaphore, #tpu.memory_space<semaphore_mem>>) {add = true}
      %lt3A = arith.constant 79 : i32
      %lt3A_73 = arith.cmpi slt, %scan3A_48, %lt3A : i32
      %convert_element_type3A_74 = arith.extui %lt3A_73 : i1 to i32
      %cond3A_75 = arith.constant 0 : i32
      %cond3A_76 = arith.cmpi ne, %convert_element_type3A_74, %cond3A_75 : i32
      scf.if %cond3A_76 {
        %dma_wait3A_92 = arith.constant 0 : i32
        %dma_wait3A_93 = arith.constant 0 : i32
        %dma_wait3A_94 = tpu.memref_slice %arg19[%dma_wait3A_92, %dma_wait3A_93] : memref<10016x128xf32, #tpu.memory_space<vmem_shared>> -> memref<10016x128xf32, #tpu.memory_space<vmem_shared>>
        tpu.wait_indirect_dma semaphore(%arg24 : memref<!tpu.dma_semaphore, #tpu.memory_space<semaphore_mem>>) src(%arg15 : memref<64x128xf32, #tpu.memory_space<vmem>>) dst(%dma_wait3A_94 : memref<10016x128xf32, #tpu.memory_space<vmem_shared>>)
        %add3A_95 = arith.constant 1 : i32
        %add3A_96 = arith.addi %scan3A_48, %add3A_95 : i32
        %mul3A_97 = arith.constant 4 : i32
        %mul3A_98 = arith.muli %add3A_96, %mul3A_97 : i32
        %add3A_99 = arith.constant 0 : i32
        %add3A_100 = arith.addi %mul3A_98, %add3A_99 : i32
        %mul3A_101 = arith.constant 64 : i32
        %mul3A_102 = arith.muli %add3A_100, %mul3A_101 : i32
        %add3A_103 = arith.addi %mul3A_2, %mul3A_102 : i32
        "tpu.region"() ({
          %run_scoped3A = tpu.sem_alloc : memref<!tpu.dma_semaphore, #tpu.memory_space<semaphore_mem>>
          %dma_start3A_107 = tpu.memref_slice %arg3[%add3A_103] : memref<655360xi32, #tpu.memory_space<hbm>> -> memref<64xi32, #tpu.memory_space<hbm>>
          %dma_start3A_108 = tpu.memref_slice %arg3[%add3A_103] : memref<655360xi32, #tpu.memory_space<hbm>> -> memref<64xi32, #tpu.memory_space<hbm>>
          tpu.enqueue_dma source(%dma_start3A_108 : memref<64xi32, #tpu.memory_space<hbm>>) target(%arg7 : memref<64xi32, #tpu.memory_space<vmem>>) target_semaphore(%run_scoped3A : memref<!tpu.dma_semaphore, #tpu.memory_space<semaphore_mem>>)
          %dma_wait3A_109 = tpu.memref_slice %arg3[%add3A_103] : memref<655360xi32, #tpu.memory_space<hbm>> -> memref<64xi32, #tpu.memory_space<hbm>>
          %dma_wait3A_110 = tpu.memref_slice %arg3[%add3A_103] : memref<655360xi32, #tpu.memory_space<hbm>> -> memref<64xi32, #tpu.memory_space<hbm>>
          tpu.wait_dma2 semaphore(%run_scoped3A : memref<!tpu.dma_semaphore, #tpu.memory_space<semaphore_mem>>) src(%dma_wait3A_110 : memref<64xi32, #tpu.memory_space<hbm>>) dst(%arg7 : memref<64xi32, #tpu.memory_space<vmem>>)
          tpu.yield
        }) : () -> ()
        "tpu.region"() ({
          %run_scoped3A = tpu.sem_alloc : memref<!tpu.dma_semaphore, #tpu.memory_space<semaphore_mem>>
          %dma_start3A_107 = tpu.memref_slice %arg4[%add3A_103] : memref<655360xi32, #tpu.memory_space<hbm>> -> memref<64xi32, #tpu.memory_space<hbm>>
          %dma_start3A_108 = tpu.memref_slice %arg4[%add3A_103] : memref<655360xi32, #tpu.memory_space<hbm>> -> memref<64xi32, #tpu.memory_space<hbm>>
          tpu.enqueue_dma source(%dma_start3A_108 : memref<64xi32, #tpu.memory_space<hbm>>) target(%arg11 : memref<64xi32, #tpu.memory_space<vmem>>) target_semaphore(%run_scoped3A : memref<!tpu.dma_semaphore, #tpu.memory_space<semaphore_mem>>)
          %dma_wait3A_109 = tpu.memref_slice %arg4[%add3A_103] : memref<655360xi32, #tpu.memory_space<hbm>> -> memref<64xi32, #tpu.memory_space<hbm>>
          %dma_wait3A_110 = tpu.memref_slice %arg4[%add3A_103] : memref<655360xi32, #tpu.memory_space<hbm>> -> memref<64xi32, #tpu.memory_space<hbm>>
          tpu.wait_dma2 semaphore(%run_scoped3A : memref<!tpu.dma_semaphore, #tpu.memory_space<semaphore_mem>>) src(%dma_wait3A_110 : memref<64xi32, #tpu.memory_space<hbm>>) dst(%arg11 : memref<64xi32, #tpu.memory_space<vmem>>)
          tpu.yield
        }) : () -> ()
        %dma_start3A_104 = arith.constant 0 : i32
        %dma_start3A_105 = arith.constant 0 : i32
        %dma_start3A_106 = tpu.memref_slice %arg2[%dma_start3A_104, %dma_start3A_105] : memref<40000x128xf32, #tpu.memory_space<hbm>> -> memref<40000x128xf32, #tpu.memory_space<hbm>>
        tpu.enqueue_indirect_dma source(%dma_start3A_106 : memref<40000x128xf32, #tpu.memory_space<hbm>>) target(%arg15 : memref<64x128xf32, #tpu.memory_space<vmem>>) offsets(%arg7 : memref<64xi32, #tpu.memory_space<vmem>>) semaphore(%arg20 : memref<!tpu.dma_semaphore, #tpu.memory_space<semaphore_mem>>)
      } else {
      }
      %lt3A_77 = arith.constant 79 : i32
      %lt3A_78 = arith.cmpi slt, %scan3A_48, %lt3A_77 : i32
      %convert_element_type3A_79 = arith.extui %lt3A_78 : i1 to i32
      %cond3A_80 = arith.constant 0 : i32
      %cond3A_81 = arith.cmpi ne, %convert_element_type3A_79, %cond3A_80 : i32
      scf.if %cond3A_81 {
        %dma_wait3A_92 = arith.constant 0 : i32
        %dma_wait3A_93 = arith.constant 0 : i32
        %dma_wait3A_94 = tpu.memref_slice %arg19[%dma_wait3A_92, %dma_wait3A_93] : memref<10016x128xf32, #tpu.memory_space<vmem_shared>> -> memref<10016x128xf32, #tpu.memory_space<vmem_shared>>
        tpu.wait_indirect_dma semaphore(%arg25 : memref<!tpu.dma_semaphore, #tpu.memory_space<semaphore_mem>>) src(%arg16 : memref<64x128xf32, #tpu.memory_space<vmem>>) dst(%dma_wait3A_94 : memref<10016x128xf32, #tpu.memory_space<vmem_shared>>)
        %add3A_95 = arith.constant 1 : i32
        %add3A_96 = arith.addi %scan3A_48, %add3A_95 : i32
        %mul3A_97 = arith.constant 4 : i32
        %mul3A_98 = arith.muli %add3A_96, %mul3A_97 : i32
        %add3A_99 = arith.constant 1 : i32
        %add3A_100 = arith.addi %mul3A_98, %add3A_99 : i32
        %mul3A_101 = arith.constant 64 : i32
        %mul3A_102 = arith.muli %add3A_100, %mul3A_101 : i32
        %add3A_103 = arith.addi %mul3A_2, %mul3A_102 : i32
        "tpu.region"() ({
          %run_scoped3A = tpu.sem_alloc : memref<!tpu.dma_semaphore, #tpu.memory_space<semaphore_mem>>
          %dma_start3A_107 = tpu.memref_slice %arg3[%add3A_103] : memref<655360xi32, #tpu.memory_space<hbm>> -> memref<64xi32, #tpu.memory_space<hbm>>
          %dma_start3A_108 = tpu.memref_slice %arg3[%add3A_103] : memref<655360xi32, #tpu.memory_space<hbm>> -> memref<64xi32, #tpu.memory_space<hbm>>
          tpu.enqueue_dma source(%dma_start3A_108 : memref<64xi32, #tpu.memory_space<hbm>>) target(%arg8 : memref<64xi32, #tpu.memory_space<vmem>>) target_semaphore(%run_scoped3A : memref<!tpu.dma_semaphore, #tpu.memory_space<semaphore_mem>>)
          %dma_wait3A_109 = tpu.memref_slice %arg3[%add3A_103] : memref<655360xi32, #tpu.memory_space<hbm>> -> memref<64xi32, #tpu.memory_space<hbm>>
          %dma_wait3A_110 = tpu.memref_slice %arg3[%add3A_103] : memref<655360xi32, #tpu.memory_space<hbm>> -> memref<64xi32, #tpu.memory_space<hbm>>
          tpu.wait_dma2 semaphore(%run_scoped3A : memref<!tpu.dma_semaphore, #tpu.memory_space<semaphore_mem>>) src(%dma_wait3A_110 : memref<64xi32, #tpu.memory_space<hbm>>) dst(%arg8 : memref<64xi32, #tpu.memory_space<vmem>>)
          tpu.yield
        }) : () -> ()
        "tpu.region"() ({
          %run_scoped3A = tpu.sem_alloc : memref<!tpu.dma_semaphore, #tpu.memory_space<semaphore_mem>>
          %dma_start3A_107 = tpu.memref_slice %arg4[%add3A_103] : memref<655360xi32, #tpu.memory_space<hbm>> -> memref<64xi32, #tpu.memory_space<hbm>>
          %dma_start3A_108 = tpu.memref_slice %arg4[%add3A_103] : memref<655360xi32, #tpu.memory_space<hbm>> -> memref<64xi32, #tpu.memory_space<hbm>>
          tpu.enqueue_dma source(%dma_start3A_108 : memref<64xi32, #tpu.memory_space<hbm>>) target(%arg12 : memref<64xi32, #tpu.memory_space<vmem>>) target_semaphore(%run_scoped3A : memref<!tpu.dma_semaphore, #tpu.memory_space<semaphore_mem>>)
          %dma_wait3A_109 = tpu.memref_slice %arg4[%add3A_103] : memref<655360xi32, #tpu.memory_space<hbm>> -> memref<64xi32, #tpu.memory_space<hbm>>
          %dma_wait3A_110 = tpu.memref_slice %arg4[%add3A_103] : memref<655360xi32, #tpu.memory_space<hbm>> -> memref<64xi32, #tpu.memory_space<hbm>>
          tpu.wait_dma2 semaphore(%run_scoped3A : memref<!tpu.dma_semaphore, #tpu.memory_space<semaphore_mem>>) src(%dma_wait3A_110 : memref<64xi32, #tpu.memory_space<hbm>>) dst(%arg12 : memref<64xi32, #tpu.memory_space<vmem>>)
          tpu.yield
        }) : () -> ()
        %dma_start3A_104 = arith.constant 0 : i32
        %dma_start3A_105 = arith.constant 0 : i32
        %dma_start3A_106 = tpu.memref_slice %arg2[%dma_start3A_104, %dma_start3A_105] : memref<40000x128xf32, #tpu.memory_space<hbm>> -> memref<40000x128xf32, #tpu.memory_space<hbm>>
        tpu.enqueue_indirect_dma source(%dma_start3A_106 : memref<40000x128xf32, #tpu.memory_space<hbm>>) target(%arg16 : memref<64x128xf32, #tpu.memory_space<vmem>>) offsets(%arg8 : memref<64xi32, #tpu.memory_space<vmem>>) semaphore(%arg21 : memref<!tpu.dma_semaphore, #tpu.memory_space<semaphore_mem>>)
      } else {
      }
      %lt3A_82 = arith.constant 79 : i32
      %lt3A_83 = arith.cmpi slt, %scan3A_48, %lt3A_82 : i32
      %convert_element_type3A_84 = arith.extui %lt3A_83 : i1 to i32
      %cond3A_85 = arith.constant 0 : i32
      %cond3A_86 = arith.cmpi ne, %convert_element_type3A_84, %cond3A_85 : i32
      scf.if %cond3A_86 {
        %dma_wait3A_92 = arith.constant 0 : i32
        %dma_wait3A_93 = arith.constant 0 : i32
        %dma_wait3A_94 = tpu.memref_slice %arg19[%dma_wait3A_92, %dma_wait3A_93] : memref<10016x128xf32, #tpu.memory_space<vmem_shared>> -> memref<10016x128xf32, #tpu.memory_space<vmem_shared>>
        tpu.wait_indirect_dma semaphore(%arg26 : memref<!tpu.dma_semaphore, #tpu.memory_space<semaphore_mem>>) src(%arg17 : memref<64x128xf32, #tpu.memory_space<vmem>>) dst(%dma_wait3A_94 : memref<10016x128xf32, #tpu.memory_space<vmem_shared>>)
        %add3A_95 = arith.constant 1 : i32
        %add3A_96 = arith.addi %scan3A_48, %add3A_95 : i32
        %mul3A_97 = arith.constant 4 : i32
        %mul3A_98 = arith.muli %add3A_96, %mul3A_97 : i32
        %add3A_99 = arith.constant 2 : i32
        %add3A_100 = arith.addi %mul3A_98, %add3A_99 : i32
        %mul3A_101 = arith.constant 64 : i32
        %mul3A_102 = arith.muli %add3A_100, %mul3A_101 : i32
        %add3A_103 = arith.addi %mul3A_2, %mul3A_102 : i32
        "tpu.region"() ({
          %run_scoped3A = tpu.sem_alloc : memref<!tpu.dma_semaphore, #tpu.memory_space<semaphore_mem>>
          %dma_start3A_107 = tpu.memref_slice %arg3[%add3A_103] : memref<655360xi32, #tpu.memory_space<hbm>> -> memref<64xi32, #tpu.memory_space<hbm>>
          %dma_start3A_108 = tpu.memref_slice %arg3[%add3A_103] : memref<655360xi32, #tpu.memory_space<hbm>> -> memref<64xi32, #tpu.memory_space<hbm>>
          tpu.enqueue_dma source(%dma_start3A_108 : memref<64xi32, #tpu.memory_space<hbm>>) target(%arg9 : memref<64xi32, #tpu.memory_space<vmem>>) target_semaphore(%run_scoped3A : memref<!tpu.dma_semaphore, #tpu.memory_space<semaphore_mem>>)
          %dma_wait3A_109 = tpu.memref_slice %arg3[%add3A_103] : memref<655360xi32, #tpu.memory_space<hbm>> -> memref<64xi32, #tpu.memory_space<hbm>>
          %dma_wait3A_110 = tpu.memref_slice %arg3[%add3A_103] : memref<655360xi32, #tpu.memory_space<hbm>> -> memref<64xi32, #tpu.memory_space<hbm>>
          tpu.wait_dma2 semaphore(%run_scoped3A : memref<!tpu.dma_semaphore, #tpu.memory_space<semaphore_mem>>) src(%dma_wait3A_110 : memref<64xi32, #tpu.memory_space<hbm>>) dst(%arg9 : memref<64xi32, #tpu.memory_space<vmem>>)
          tpu.yield
        }) : () -> ()
        "tpu.region"() ({
          %run_scoped3A = tpu.sem_alloc : memref<!tpu.dma_semaphore, #tpu.memory_space<semaphore_mem>>
          %dma_start3A_107 = tpu.memref_slice %arg4[%add3A_103] : memref<655360xi32, #tpu.memory_space<hbm>> -> memref<64xi32, #tpu.memory_space<hbm>>
          %dma_start3A_108 = tpu.memref_slice %arg4[%add3A_103] : memref<655360xi32, #tpu.memory_space<hbm>> -> memref<64xi32, #tpu.memory_space<hbm>>
          tpu.enqueue_dma source(%dma_start3A_108 : memref<64xi32, #tpu.memory_space<hbm>>) target(%arg13 : memref<64xi32, #tpu.memory_space<vmem>>) target_semaphore(%run_scoped3A : memref<!tpu.dma_semaphore, #tpu.memory_space<semaphore_mem>>)
          %dma_wait3A_109 = tpu.memref_slice %arg4[%add3A_103] : memref<655360xi32, #tpu.memory_space<hbm>> -> memref<64xi32, #tpu.memory_space<hbm>>
          %dma_wait3A_110 = tpu.memref_slice %arg4[%add3A_103] : memref<655360xi32, #tpu.memory_space<hbm>> -> memref<64xi32, #tpu.memory_space<hbm>>
          tpu.wait_dma2 semaphore(%run_scoped3A : memref<!tpu.dma_semaphore, #tpu.memory_space<semaphore_mem>>) src(%dma_wait3A_110 : memref<64xi32, #tpu.memory_space<hbm>>) dst(%arg13 : memref<64xi32, #tpu.memory_space<vmem>>)
          tpu.yield
        }) : () -> ()
        %dma_start3A_104 = arith.constant 0 : i32
        %dma_start3A_105 = arith.constant 0 : i32
        %dma_start3A_106 = tpu.memref_slice %arg2[%dma_start3A_104, %dma_start3A_105] : memref<40000x128xf32, #tpu.memory_space<hbm>> -> memref<40000x128xf32, #tpu.memory_space<hbm>>
        tpu.enqueue_indirect_dma source(%dma_start3A_106 : memref<40000x128xf32, #tpu.memory_space<hbm>>) target(%arg17 : memref<64x128xf32, #tpu.memory_space<vmem>>) offsets(%arg9 : memref<64xi32, #tpu.memory_space<vmem>>) semaphore(%arg22 : memref<!tpu.dma_semaphore, #tpu.memory_space<semaphore_mem>>)
      } else {
      }
      %lt3A_87 = arith.constant 79 : i32
      %lt3A_88 = arith.cmpi slt, %scan3A_48, %lt3A_87 : i32
      %convert_element_type3A_89 = arith.extui %lt3A_88 : i1 to i32
      %cond3A_90 = arith.constant 0 : i32
      %cond3A_91 = arith.cmpi ne, %convert_element_type3A_89, %cond3A_90 : i32
      scf.if %cond3A_91 {
        %dma_wait3A_92 = arith.constant 0 : i32
        %dma_wait3A_93 = arith.constant 0 : i32
        %dma_wait3A_94 = tpu.memref_slice %arg19[%dma_wait3A_92, %dma_wait3A_93] : memref<10016x128xf32, #tpu.memory_space<vmem_shared>> -> memref<10016x128xf32, #tpu.memory_space<vmem_shared>>
        tpu.wait_indirect_dma semaphore(%arg27 : memref<!tpu.dma_semaphore, #tpu.memory_space<semaphore_mem>>) src(%arg18 : memref<64x128xf32, #tpu.memory_space<vmem>>) dst(%dma_wait3A_94 : memref<10016x128xf32, #tpu.memory_space<vmem_shared>>)
        %add3A_95 = arith.constant 1 : i32
        %add3A_96 = arith.addi %scan3A_48, %add3A_95 : i32
        %mul3A_97 = arith.constant 4 : i32
        %mul3A_98 = arith.muli %add3A_96, %mul3A_97 : i32
        %add3A_99 = arith.constant 3 : i32
        %add3A_100 = arith.addi %mul3A_98, %add3A_99 : i32
        %mul3A_101 = arith.constant 64 : i32
        %mul3A_102 = arith.muli %add3A_100, %mul3A_101 : i32
        %add3A_103 = arith.addi %mul3A_2, %mul3A_102 : i32
        "tpu.region"() ({
          %run_scoped3A = tpu.sem_alloc : memref<!tpu.dma_semaphore, #tpu.memory_space<semaphore_mem>>
          %dma_start3A_107 = tpu.memref_slice %arg3[%add3A_103] : memref<655360xi32, #tpu.memory_space<hbm>> -> memref<64xi32, #tpu.memory_space<hbm>>
          %dma_start3A_108 = tpu.memref_slice %arg3[%add3A_103] : memref<655360xi32, #tpu.memory_space<hbm>> -> memref<64xi32, #tpu.memory_space<hbm>>
          tpu.enqueue_dma source(%dma_start3A_108 : memref<64xi32, #tpu.memory_space<hbm>>) target(%arg10 : memref<64xi32, #tpu.memory_space<vmem>>) target_semaphore(%run_scoped3A : memref<!tpu.dma_semaphore, #tpu.memory_space<semaphore_mem>>)
          %dma_wait3A_109 = tpu.memref_slice %arg3[%add3A_103] : memref<655360xi32, #tpu.memory_space<hbm>> -> memref<64xi32, #tpu.memory_space<hbm>>
          %dma_wait3A_110 = tpu.memref_slice %arg3[%add3A_103] : memref<655360xi32, #tpu.memory_space<hbm>> -> memref<64xi32, #tpu.memory_space<hbm>>
          tpu.wait_dma2 semaphore(%run_scoped3A : memref<!tpu.dma_semaphore, #tpu.memory_space<semaphore_mem>>) src(%dma_wait3A_110 : memref<64xi32, #tpu.memory_space<hbm>>) dst(%arg10 : memref<64xi32, #tpu.memory_space<vmem>>)
          tpu.yield
        }) : () -> ()
        "tpu.region"() ({
          %run_scoped3A = tpu.sem_alloc : memref<!tpu.dma_semaphore, #tpu.memory_space<semaphore_mem>>
          %dma_start3A_107 = tpu.memref_slice %arg4[%add3A_103] : memref<655360xi32, #tpu.memory_space<hbm>> -> memref<64xi32, #tpu.memory_space<hbm>>
          %dma_start3A_108 = tpu.memref_slice %arg4[%add3A_103] : memref<655360xi32, #tpu.memory_space<hbm>> -> memref<64xi32, #tpu.memory_space<hbm>>
          tpu.enqueue_dma source(%dma_start3A_108 : memref<64xi32, #tpu.memory_space<hbm>>) target(%arg14 : memref<64xi32, #tpu.memory_space<vmem>>) target_semaphore(%run_scoped3A : memref<!tpu.dma_semaphore, #tpu.memory_space<semaphore_mem>>)
          %dma_wait3A_109 = tpu.memref_slice %arg4[%add3A_103] : memref<655360xi32, #tpu.memory_space<hbm>> -> memref<64xi32, #tpu.memory_space<hbm>>
          %dma_wait3A_110 = tpu.memref_slice %arg4[%add3A_103] : memref<655360xi32, #tpu.memory_space<hbm>> -> memref<64xi32, #tpu.memory_space<hbm>>
          tpu.wait_dma2 semaphore(%run_scoped3A : memref<!tpu.dma_semaphore, #tpu.memory_space<semaphore_mem>>) src(%dma_wait3A_110 : memref<64xi32, #tpu.memory_space<hbm>>) dst(%arg14 : memref<64xi32, #tpu.memory_space<vmem>>)
          tpu.yield
        }) : () -> ()
        %dma_start3A_104 = arith.constant 0 : i32
        %dma_start3A_105 = arith.constant 0 : i32
        %dma_start3A_106 = tpu.memref_slice %arg2[%dma_start3A_104, %dma_start3A_105] : memref<40000x128xf32, #tpu.memory_space<hbm>> -> memref<40000x128xf32, #tpu.memory_space<hbm>>
        tpu.enqueue_indirect_dma source(%dma_start3A_106 : memref<40000x128xf32, #tpu.memory_space<hbm>>) target(%arg18 : memref<64x128xf32, #tpu.memory_space<vmem>>) offsets(%arg10 : memref<64xi32, #tpu.memory_space<vmem>>) semaphore(%arg23 : memref<!tpu.dma_semaphore, #tpu.memory_space<semaphore_mem>>)
      } else {
      }
    }
    %scan3A_30 = arith.constant 80 : i32
    %dma_wait3A = arith.constant 0 : i32
    %dma_wait3A_31 = arith.constant 0 : i32
    %dma_wait3A_32 = tpu.memref_slice %arg19[%dma_wait3A, %dma_wait3A_31] : memref<10016x128xf32, #tpu.memory_space<vmem_shared>> -> memref<10016x128xf32, #tpu.memory_space<vmem_shared>>
    tpu.wait_indirect_dma semaphore(%arg24 : memref<!tpu.dma_semaphore, #tpu.memory_space<semaphore_mem>>) src(%arg15 : memref<64x128xf32, #tpu.memory_space<vmem>>) dst(%dma_wait3A_32 : memref<10016x128xf32, #tpu.memory_space<vmem_shared>>)
    %dma_wait3A_33 = arith.constant 0 : i32
    %dma_wait3A_34 = arith.constant 0 : i32
    %dma_wait3A_35 = tpu.memref_slice %arg19[%dma_wait3A_33, %dma_wait3A_34] : memref<10016x128xf32, #tpu.memory_space<vmem_shared>> -> memref<10016x128xf32, #tpu.memory_space<vmem_shared>>
    tpu.wait_indirect_dma semaphore(%arg25 : memref<!tpu.dma_semaphore, #tpu.memory_space<semaphore_mem>>) src(%arg16 : memref<64x128xf32, #tpu.memory_space<vmem>>) dst(%dma_wait3A_35 : memref<10016x128xf32, #tpu.memory_space<vmem_shared>>)
    %dma_wait3A_36 = arith.constant 0 : i32
    %dma_wait3A_37 = arith.constant 0 : i32
    %dma_wait3A_38 = tpu.memref_slice %arg19[%dma_wait3A_36, %dma_wait3A_37] : memref<10016x128xf32, #tpu.memory_space<vmem_shared>> -> memref<10016x128xf32, #tpu.memory_space<vmem_shared>>
    tpu.wait_indirect_dma semaphore(%arg26 : memref<!tpu.dma_semaphore, #tpu.memory_space<semaphore_mem>>) src(%arg17 : memref<64x128xf32, #tpu.memory_space<vmem>>) dst(%dma_wait3A_38 : memref<10016x128xf32, #tpu.memory_space<vmem_shared>>)
    %dma_wait3A_39 = arith.constant 0 : i32
    %dma_wait3A_40 = arith.constant 0 : i32
    %dma_wait3A_41 = tpu.memref_slice %arg19[%dma_wait3A_39, %dma_wait3A_40] : memref<10016x128xf32, #tpu.memory_space<vmem_shared>> -> memref<10016x128xf32, #tpu.memory_space<vmem_shared>>
    tpu.wait_indirect_dma semaphore(%arg27 : memref<!tpu.dma_semaphore, #tpu.memory_space<semaphore_mem>>) src(%arg18 : memref<64x128xf32, #tpu.memory_space<vmem>>) dst(%dma_wait3A_41 : memref<10016x128xf32, #tpu.memory_space<vmem_shared>>)
    %barrier3A_42 = arith.constant 0 : index
    tpu.barrier barrier_id(%barrier3A_42)
    "tpu.region"() ({
      %run_scoped3A = tpu.sem_alloc : memref<!tpu.dma_semaphore, #tpu.memory_space<semaphore_mem>>
      %dma_start3A_48 = arith.constant 0 : i32
      %dma_start3A_49 = tpu.memref_slice %arg6[%arg0, %mul3A_4, %dma_start3A_48] : memref<2x10000x128xf32, #tpu.memory_space<hbm>> -> memref<1x624x128xf32, #tpu.memory_space<hbm>>
      %dma_start3A_50 = tpu.memref_squeeze %dma_start3A_49 : memref<1x624x128xf32, #tpu.memory_space<hbm>> -> memref<624x128xf32, #tpu.memory_space<hbm>>
      %dma_start3A_51 = arith.constant 0 : i32
      %dma_start3A_52 = tpu.memref_slice %arg19[%mul3A_4, %dma_start3A_51] : memref<10016x128xf32, #tpu.memory_space<vmem_shared>> -> memref<624x128xf32, #tpu.memory_space<vmem_shared>>
      tpu.enqueue_dma source(%dma_start3A_52 : memref<624x128xf32, #tpu.memory_space<vmem_shared>>) target(%dma_start3A_50 : memref<624x128xf32, #tpu.memory_space<hbm>>) target_semaphore(%run_scoped3A : memref<!tpu.dma_semaphore, #tpu.memory_space<semaphore_mem>>)
      %dma_wait3A_53 = arith.constant 0 : i32
      %dma_wait3A_54 = tpu.memref_slice %arg6[%arg0, %mul3A_4, %dma_wait3A_53] : memref<2x10000x128xf32, #tpu.memory_space<hbm>> -> memref<1x624x128xf32, #tpu.memory_space<hbm>>
      %dma_wait3A_55 = tpu.memref_squeeze %dma_wait3A_54 : memref<1x624x128xf32, #tpu.memory_space<hbm>> -> memref<624x128xf32, #tpu.memory_space<hbm>>
      %dma_wait3A_56 = arith.constant 0 : i32
      %dma_wait3A_57 = tpu.memref_slice %arg19[%mul3A_4, %dma_wait3A_56] : memref<10016x128xf32, #tpu.memory_space<vmem_shared>> -> memref<624x128xf32, #tpu.memory_space<vmem_shared>>
      tpu.wait_dma2 semaphore(%run_scoped3A : memref<!tpu.dma_semaphore, #tpu.memory_space<semaphore_mem>>) src(%dma_wait3A_57 : memref<624x128xf32, #tpu.memory_space<vmem_shared>>) dst(%dma_wait3A_55 : memref<624x128xf32, #tpu.memory_space<hbm>>)
      tpu.yield
    }) : () -> ()
    %eq3A_43 = arith.constant 15 : i32
    %eq3A_44 = arith.cmpi eq, %arg1, %eq3A_43 : i32
    %convert_element_type3A_45 = arith.extui %eq3A_44 : i1 to i32
    %cond3A_46 = arith.constant 0 : i32
    %cond3A_47 = arith.cmpi ne, %convert_element_type3A_45, %cond3A_46 : i32
    scf.if %cond3A_47 {
      "tpu.region"() ({
        %run_scoped3A = tpu.sem_alloc : memref<!tpu.dma_semaphore, #tpu.memory_space<semaphore_mem>>
        %dma_start3A_48 = arith.constant 9984 : i32
        %dma_start3A_49 = arith.constant 0 : i32
        %dma_start3A_50 = tpu.memref_slice %arg6[%arg0, %dma_start3A_48, %dma_start3A_49] : memref<2x10000x128xf32, #tpu.memory_space<hbm>> -> memref<1x16x128xf32, #tpu.memory_space<hbm>>
        %dma_start3A_51 = tpu.memref_squeeze %dma_start3A_50 : memref<1x16x128xf32, #tpu.memory_space<hbm>> -> memref<16x128xf32, #tpu.memory_space<hbm>>
        %dma_start3A_52 = arith.constant 9984 : i32
        %dma_start3A_53 = arith.constant 0 : i32
        %dma_start3A_54 = tpu.memref_slice %arg19[%dma_start3A_52, %dma_start3A_53] : memref<10016x128xf32, #tpu.memory_space<vmem_shared>> -> memref<16x128xf32, #tpu.memory_space<vmem_shared>>
        tpu.enqueue_dma source(%dma_start3A_54 : memref<16x128xf32, #tpu.memory_space<vmem_shared>>) target(%dma_start3A_51 : memref<16x128xf32, #tpu.memory_space<hbm>>) target_semaphore(%run_scoped3A : memref<!tpu.dma_semaphore, #tpu.memory_space<semaphore_mem>>)
        %dma_wait3A_55 = arith.constant 9984 : i32
        %dma_wait3A_56 = arith.constant 0 : i32
        %dma_wait3A_57 = tpu.memref_slice %arg6[%arg0, %dma_wait3A_55, %dma_wait3A_56] : memref<2x10000x128xf32, #tpu.memory_space<hbm>> -> memref<1x16x128xf32, #tpu.memory_space<hbm>>
        %dma_wait3A_58 = tpu.memref_squeeze %dma_wait3A_57 : memref<1x16x128xf32, #tpu.memory_space<hbm>> -> memref<16x128xf32, #tpu.memory_space<hbm>>
        %dma_wait3A_59 = arith.constant 9984 : i32
        %dma_wait3A_60 = arith.constant 0 : i32
        %dma_wait3A_61 = tpu.memref_slice %arg19[%dma_wait3A_59, %dma_wait3A_60] : memref<10016x128xf32, #tpu.memory_space<vmem_shared>> -> memref<16x128xf32, #tpu.memory_space<vmem_shared>>
        tpu.wait_dma2 semaphore(%run_scoped3A : memref<!tpu.dma_semaphore, #tpu.memory_space<semaphore_mem>>) src(%dma_wait3A_61 : memref<16x128xf32, #tpu.memory_space<vmem_shared>>) dst(%dma_wait3A_58 : memref<16x128xf32, #tpu.memory_space<hbm>>)
        tpu.yield
      }) : () -> ()
    } else {
    }
    return
  }
}

#map = affine_map<(d0, d1) -> (0, 0)>
#map1 = affine_map<(d0, d1) -> (0)>
#map2 = affine_map<(d0, d1) -> (0, 0, 0)>
module attributes {stable_mosaic.version = 14 : i64} {
  func.func @_sc_scatter(%arg0: i32, %arg1: i32, %arg2: memref<40000x128xf32, #tpu.memory_space<hbm>>, %arg3: memref<655360xi32, #tpu.memory_space<hbm>>, %arg4: memref<655360xi32, #tpu.memory_space<hbm>>, %arg5: memref<10000x128xf32, #tpu.memory_space<hbm>>, %arg6: memref<2x10000x128xf32, #tpu.memory_space<hbm>>, %arg7: memref<64xi32, #tpu.memory_space<vmem>>, %arg8: memref<64xi32, #tpu.memory_space<vmem>>, %arg9: memref<64xi32, #tpu.memory_space<vmem>>, %arg10: memref<64xi32, #tpu.memory_space<vmem>>, %arg11: memref<64xi32, #tpu.memory_space<vmem>>, %arg12: memref<64xi32, #tpu.memory_space<vmem>>, %arg13: memref<64xi32, #tpu.memory_space<vmem>>, %arg14: memref<64xi32, #tpu.memory_space<vmem>>, %arg15: memref<64x128xf32, #tpu.memory_space<vmem>>, %arg16: memref<64x128xf32, #tpu.memory_space<vmem>>, %arg17: memref<64x128xf32, #tpu.memory_space<vmem>>, %arg18: memref<64x128xf32, #tpu.memory_space<vmem>>, %arg19: memref<10016x128xf32, #tpu.memory_space<vmem_shared>>, %arg20: memref<!tpu.dma_semaphore, #tpu.memory_space<semaphore_mem>>, %arg21: memref<!tpu.dma_semaphore, #tpu.memory_space<semaphore_mem>>, %arg22: memref<!tpu.dma_semaphore, #tpu.memory_space<semaphore_mem>>, %arg23: memref<!tpu.dma_semaphore, #tpu.memory_space<semaphore_mem>>, %arg24: memref<!tpu.dma_semaphore, #tpu.memory_space<semaphore_mem>>, %arg25: memref<!tpu.dma_semaphore, #tpu.memory_space<semaphore_mem>>, %arg26: memref<!tpu.dma_semaphore, #tpu.memory_space<semaphore_mem>>, %arg27: memref<!tpu.dma_semaphore, #tpu.memory_space<semaphore_mem>>) attributes {dimension_semantics = [#tpu.dimension_semantics<core_parallel>, #tpu.dimension_semantics<subcore_parallel>], iteration_bounds = array<i64: 2, 16>, scalar_prefetch = 0 : i64, scratch_operands = 21 : i64, tpu.core_type = #tpu.core_type<sc_vector_subcore>, window_params = [{transform_indices = #map}, {transform_indices = #map1}, {transform_indices = #map1}, {transform_indices = #map}, {transform_indices = #map2}]} {
    %mul3A = arith.constant 16 : i32
    %mul3A_0 = arith.muli %arg0, %mul3A : i32
    %add3A = arith.addi %mul3A_0, %arg1 : i32
    %mul3A_1 = arith.constant 20480 : i32
    %mul3A_2 = arith.muli %add3A, %mul3A_1 : i32
    %mul3A_3 = arith.constant 624 : i32
    %mul3A_4 = arith.muli %arg1, %mul3A_3 : i32
    "tpu.region"() ({
      %run_scoped3A = tpu.sem_alloc : memref<!tpu.dma_semaphore, #tpu.memory_space<semaphore_mem>>
      %dma_start3A_48 = arith.constant 0 : i32
      %dma_start3A_49 = tpu.memref_slice %arg19[%mul3A_4, %dma_start3A_48] : memref<10016x128xf32, #tpu.memory_space<vmem_shared>> -> memref<624x128xf32, #tpu.memory_space<vmem_shared>>
      %dma_start3A_50 = arith.constant 0 : i32
      %dma_start3A_51 = tpu.memref_slice %arg5[%mul3A_4, %dma_start3A_50] : memref<10000x128xf32, #tpu.memory_space<hbm>> -> memref<624x128xf32, #tpu.memory_space<hbm>>
      tpu.enqueue_dma source(%dma_start3A_51 : memref<624x128xf32, #tpu.memory_space<hbm>>) target(%dma_start3A_49 : memref<624x128xf32, #tpu.memory_space<vmem_shared>>) target_semaphore(%run_scoped3A : memref<!tpu.dma_semaphore, #tpu.memory_space<semaphore_mem>>)
      %dma_wait3A_52 = arith.constant 0 : i32
      %dma_wait3A_53 = tpu.memref_slice %arg19[%mul3A_4, %dma_wait3A_52] : memref<10016x128xf32, #tpu.memory_space<vmem_shared>> -> memref<624x128xf32, #tpu.memory_space<vmem_shared>>
      %dma_wait3A_54 = arith.constant 0 : i32
      %dma_wait3A_55 = tpu.memref_slice %arg5[%mul3A_4, %dma_wait3A_54] : memref<10000x128xf32, #tpu.memory_space<hbm>> -> memref<624x128xf32, #tpu.memory_space<hbm>>
      tpu.wait_dma2 semaphore(%run_scoped3A : memref<!tpu.dma_semaphore, #tpu.memory_space<semaphore_mem>>) src(%dma_wait3A_55 : memref<624x128xf32, #tpu.memory_space<hbm>>) dst(%dma_wait3A_53 : memref<624x128xf32, #tpu.memory_space<vmem_shared>>)
      tpu.yield
    }) : () -> ()
    %eq3A = arith.constant 15 : i32
    %eq3A_5 = arith.cmpi eq, %arg1, %eq3A : i32
    %convert_element_type3A = arith.extui %eq3A_5 : i1 to i32
    %cond3A = arith.constant 0 : i32
    %cond3A_6 = arith.cmpi ne, %convert_element_type3A, %cond3A : i32
    scf.if %cond3A_6 {
      "tpu.region"() ({
        %run_scoped3A = tpu.sem_alloc : memref<!tpu.dma_semaphore, #tpu.memory_space<semaphore_mem>>
        %dma_start3A_48 = arith.constant 9984 : i32
        %dma_start3A_49 = arith.constant 0 : i32
        %dma_start3A_50 = tpu.memref_slice %arg19[%dma_start3A_48, %dma_start3A_49] : memref<10016x128xf32, #tpu.memory_space<vmem_shared>> -> memref<16x128xf32, #tpu.memory_space<vmem_shared>>
        %dma_start3A_51 = arith.constant 9984 : i32
        %dma_start3A_52 = arith.constant 0 : i32
        %dma_start3A_53 = tpu.memref_slice %arg5[%dma_start3A_51, %dma_start3A_52] : memref<10000x128xf32, #tpu.memory_space<hbm>> -> memref<16x128xf32, #tpu.memory_space<hbm>>
        tpu.enqueue_dma source(%dma_start3A_53 : memref<16x128xf32, #tpu.memory_space<hbm>>) target(%dma_start3A_50 : memref<16x128xf32, #tpu.memory_space<vmem_shared>>) target_semaphore(%run_scoped3A : memref<!tpu.dma_semaphore, #tpu.memory_space<semaphore_mem>>)
        %dma_wait3A_54 = arith.constant 9984 : i32
        %dma_wait3A_55 = arith.constant 0 : i32
        %dma_wait3A_56 = tpu.memref_slice %arg19[%dma_wait3A_54, %dma_wait3A_55] : memref<10016x128xf32, #tpu.memory_space<vmem_shared>> -> memref<16x128xf32, #tpu.memory_space<vmem_shared>>
        %dma_wait3A_57 = arith.constant 9984 : i32
        %dma_wait3A_58 = arith.constant 0 : i32
        %dma_wait3A_59 = tpu.memref_slice %arg5[%dma_wait3A_57, %dma_wait3A_58] : memref<10000x128xf32, #tpu.memory_space<hbm>> -> memref<16x128xf32, #tpu.memory_space<hbm>>
        tpu.wait_dma2 semaphore(%run_scoped3A : memref<!tpu.dma_semaphore, #tpu.memory_space<semaphore_mem>>) src(%dma_wait3A_59 : memref<16x128xf32, #tpu.memory_space<hbm>>) dst(%dma_wait3A_56 : memref<16x128xf32, #tpu.memory_space<vmem_shared>>)
        tpu.yield
      }) : () -> ()
    } else {
    }
    %barrier3A = arith.constant 0 : index
    tpu.barrier barrier_id(%barrier3A)
    %add3A_7 = arith.constant 0 : i32
    %add3A_8 = arith.addi %mul3A_2, %add3A_7 : i32
    "tpu.region"() ({
      %run_scoped3A = tpu.sem_alloc : memref<!tpu.dma_semaphore, #tpu.memory_space<semaphore_mem>>
      %dma_start3A_48 = tpu.memref_slice %arg3[%add3A_8] : memref<655360xi32, #tpu.memory_space<hbm>> -> memref<64xi32, #tpu.memory_space<hbm>>
      %dma_start3A_49 = tpu.memref_slice %arg3[%add3A_8] : memref<655360xi32, #tpu.memory_space<hbm>> -> memref<64xi32, #tpu.memory_space<hbm>>
      tpu.enqueue_dma source(%dma_start3A_49 : memref<64xi32, #tpu.memory_space<hbm>>) target(%arg7 : memref<64xi32, #tpu.memory_space<vmem>>) target_semaphore(%run_scoped3A : memref<!tpu.dma_semaphore, #tpu.memory_space<semaphore_mem>>)
      %dma_wait3A_50 = tpu.memref_slice %arg3[%add3A_8] : memref<655360xi32, #tpu.memory_space<hbm>> -> memref<64xi32, #tpu.memory_space<hbm>>
      %dma_wait3A_51 = tpu.memref_slice %arg3[%add3A_8] : memref<655360xi32, #tpu.memory_space<hbm>> -> memref<64xi32, #tpu.memory_space<hbm>>
      tpu.wait_dma2 semaphore(%run_scoped3A : memref<!tpu.dma_semaphore, #tpu.memory_space<semaphore_mem>>) src(%dma_wait3A_51 : memref<64xi32, #tpu.memory_space<hbm>>) dst(%arg7 : memref<64xi32, #tpu.memory_space<vmem>>)
      tpu.yield
    }) : () -> ()
    "tpu.region"() ({
      %run_scoped3A = tpu.sem_alloc : memref<!tpu.dma_semaphore, #tpu.memory_space<semaphore_mem>>
      %dma_start3A_48 = tpu.memref_slice %arg4[%add3A_8] : memref<655360xi32, #tpu.memory_space<hbm>> -> memref<64xi32, #tpu.memory_space<hbm>>
      %dma_start3A_49 = tpu.memref_slice %arg4[%add3A_8] : memref<655360xi32, #tpu.memory_space<hbm>> -> memref<64xi32, #tpu.memory_space<hbm>>
      tpu.enqueue_dma source(%dma_start3A_49 : memref<64xi32, #tpu.memory_space<hbm>>) target(%arg11 : memref<64xi32, #tpu.memory_space<vmem>>) target_semaphore(%run_scoped3A : memref<!tpu.dma_semaphore, #tpu.memory_space<semaphore_mem>>)
      %dma_wait3A_50 = tpu.memref_slice %arg4[%add3A_8] : memref<655360xi32, #tpu.memory_space<hbm>> -> memref<64xi32, #tpu.memory_space<hbm>>
      %dma_wait3A_51 = tpu.memref_slice %arg4[%add3A_8] : memref<655360xi32, #tpu.memory_space<hbm>> -> memref<64xi32, #tpu.memory_space<hbm>>
      tpu.wait_dma2 semaphore(%run_scoped3A : memref<!tpu.dma_semaphore, #tpu.memory_space<semaphore_mem>>) src(%dma_wait3A_51 : memref<64xi32, #tpu.memory_space<hbm>>) dst(%arg11 : memref<64xi32, #tpu.memory_space<vmem>>)
      tpu.yield
    }) : () -> ()
    %dma_start3A = arith.constant 0 : i32
    %dma_start3A_9 = arith.constant 0 : i32
    %dma_start3A_10 = tpu.memref_slice %arg2[%dma_start3A, %dma_start3A_9] : memref<40000x128xf32, #tpu.memory_space<hbm>> -> memref<40000x128xf32, #tpu.memory_space<hbm>>
    tpu.enqueue_indirect_dma source(%dma_start3A_10 : memref<40000x128xf32, #tpu.memory_space<hbm>>) target(%arg15 : memref<64x128xf32, #tpu.memory_space<vmem>>) offsets(%arg7 : memref<64xi32, #tpu.memory_space<vmem>>) semaphore(%arg20 : memref<!tpu.dma_semaphore, #tpu.memory_space<semaphore_mem>>)
    %add3A_11 = arith.constant 64 : i32
    %add3A_12 = arith.addi %mul3A_2, %add3A_11 : i32
    "tpu.region"() ({
      %run_scoped3A = tpu.sem_alloc : memref<!tpu.dma_semaphore, #tpu.memory_space<semaphore_mem>>
      %dma_start3A_48 = tpu.memref_slice %arg3[%add3A_12] : memref<655360xi32, #tpu.memory_space<hbm>> -> memref<64xi32, #tpu.memory_space<hbm>>
      %dma_start3A_49 = tpu.memref_slice %arg3[%add3A_12] : memref<655360xi32, #tpu.memory_space<hbm>> -> memref<64xi32, #tpu.memory_space<hbm>>
      tpu.enqueue_dma source(%dma_start3A_49 : memref<64xi32, #tpu.memory_space<hbm>>) target(%arg8 : memref<64xi32, #tpu.memory_space<vmem>>) target_semaphore(%run_scoped3A : memref<!tpu.dma_semaphore, #tpu.memory_space<semaphore_mem>>)
      %dma_wait3A_50 = tpu.memref_slice %arg3[%add3A_12] : memref<655360xi32, #tpu.memory_space<hbm>> -> memref<64xi32, #tpu.memory_space<hbm>>
      %dma_wait3A_51 = tpu.memref_slice %arg3[%add3A_12] : memref<655360xi32, #tpu.memory_space<hbm>> -> memref<64xi32, #tpu.memory_space<hbm>>
      tpu.wait_dma2 semaphore(%run_scoped3A : memref<!tpu.dma_semaphore, #tpu.memory_space<semaphore_mem>>) src(%dma_wait3A_51 : memref<64xi32, #tpu.memory_space<hbm>>) dst(%arg8 : memref<64xi32, #tpu.memory_space<vmem>>)
      tpu.yield
    }) : () -> ()
    "tpu.region"() ({
      %run_scoped3A = tpu.sem_alloc : memref<!tpu.dma_semaphore, #tpu.memory_space<semaphore_mem>>
      %dma_start3A_48 = tpu.memref_slice %arg4[%add3A_12] : memref<655360xi32, #tpu.memory_space<hbm>> -> memref<64xi32, #tpu.memory_space<hbm>>
      %dma_start3A_49 = tpu.memref_slice %arg4[%add3A_12] : memref<655360xi32, #tpu.memory_space<hbm>> -> memref<64xi32, #tpu.memory_space<hbm>>
      tpu.enqueue_dma source(%dma_start3A_49 : memref<64xi32, #tpu.memory_space<hbm>>) target(%arg12 : memref<64xi32, #tpu.memory_space<vmem>>) target_semaphore(%run_scoped3A : memref<!tpu.dma_semaphore, #tpu.memory_space<semaphore_mem>>)
      %dma_wait3A_50 = tpu.memref_slice %arg4[%add3A_12] : memref<655360xi32, #tpu.memory_space<hbm>> -> memref<64xi32, #tpu.memory_space<hbm>>
      %dma_wait3A_51 = tpu.memref_slice %arg4[%add3A_12] : memref<655360xi32, #tpu.memory_space<hbm>> -> memref<64xi32, #tpu.memory_space<hbm>>
      tpu.wait_dma2 semaphore(%run_scoped3A : memref<!tpu.dma_semaphore, #tpu.memory_space<semaphore_mem>>) src(%dma_wait3A_51 : memref<64xi32, #tpu.memory_space<hbm>>) dst(%arg12 : memref<64xi32, #tpu.memory_space<vmem>>)
      tpu.yield
    }) : () -> ()
    %dma_start3A_13 = arith.constant 0 : i32
    %dma_start3A_14 = arith.constant 0 : i32
    %dma_start3A_15 = tpu.memref_slice %arg2[%dma_start3A_13, %dma_start3A_14] : memref<40000x128xf32, #tpu.memory_space<hbm>> -> memref<40000x128xf32, #tpu.memory_space<hbm>>
    tpu.enqueue_indirect_dma source(%dma_start3A_15 : memref<40000x128xf32, #tpu.memory_space<hbm>>) target(%arg16 : memref<64x128xf32, #tpu.memory_space<vmem>>) offsets(%arg8 : memref<64xi32, #tpu.memory_space<vmem>>) semaphore(%arg21 : memref<!tpu.dma_semaphore, #tpu.memory_space<semaphore_mem>>)
    %add3A_16 = arith.constant 128 : i32
    %add3A_17 = arith.addi %mul3A_2, %add3A_16 : i32
    "tpu.region"() ({
      %run_scoped3A = tpu.sem_alloc : memref<!tpu.dma_semaphore, #tpu.memory_space<semaphore_mem>>
      %dma_start3A_48 = tpu.memref_slice %arg3[%add3A_17] : memref<655360xi32, #tpu.memory_space<hbm>> -> memref<64xi32, #tpu.memory_space<hbm>>
      %dma_start3A_49 = tpu.memref_slice %arg3[%add3A_17] : memref<655360xi32, #tpu.memory_space<hbm>> -> memref<64xi32, #tpu.memory_space<hbm>>
      tpu.enqueue_dma source(%dma_start3A_49 : memref<64xi32, #tpu.memory_space<hbm>>) target(%arg9 : memref<64xi32, #tpu.memory_space<vmem>>) target_semaphore(%run_scoped3A : memref<!tpu.dma_semaphore, #tpu.memory_space<semaphore_mem>>)
      %dma_wait3A_50 = tpu.memref_slice %arg3[%add3A_17] : memref<655360xi32, #tpu.memory_space<hbm>> -> memref<64xi32, #tpu.memory_space<hbm>>
      %dma_wait3A_51 = tpu.memref_slice %arg3[%add3A_17] : memref<655360xi32, #tpu.memory_space<hbm>> -> memref<64xi32, #tpu.memory_space<hbm>>
      tpu.wait_dma2 semaphore(%run_scoped3A : memref<!tpu.dma_semaphore, #tpu.memory_space<semaphore_mem>>) src(%dma_wait3A_51 : memref<64xi32, #tpu.memory_space<hbm>>) dst(%arg9 : memref<64xi32, #tpu.memory_space<vmem>>)
      tpu.yield
    }) : () -> ()
    "tpu.region"() ({
      %run_scoped3A = tpu.sem_alloc : memref<!tpu.dma_semaphore, #tpu.memory_space<semaphore_mem>>
      %dma_start3A_48 = tpu.memref_slice %arg4[%add3A_17] : memref<655360xi32, #tpu.memory_space<hbm>> -> memref<64xi32, #tpu.memory_space<hbm>>
      %dma_start3A_49 = tpu.memref_slice %arg4[%add3A_17] : memref<655360xi32, #tpu.memory_space<hbm>> -> memref<64xi32, #tpu.memory_space<hbm>>
      tpu.enqueue_dma source(%dma_start3A_49 : memref<64xi32, #tpu.memory_space<hbm>>) target(%arg13 : memref<64xi32, #tpu.memory_space<vmem>>) target_semaphore(%run_scoped3A : memref<!tpu.dma_semaphore, #tpu.memory_space<semaphore_mem>>)
      %dma_wait3A_50 = tpu.memref_slice %arg4[%add3A_17] : memref<655360xi32, #tpu.memory_space<hbm>> -> memref<64xi32, #tpu.memory_space<hbm>>
      %dma_wait3A_51 = tpu.memref_slice %arg4[%add3A_17] : memref<655360xi32, #tpu.memory_space<hbm>> -> memref<64xi32, #tpu.memory_space<hbm>>
      tpu.wait_dma2 semaphore(%run_scoped3A : memref<!tpu.dma_semaphore, #tpu.memory_space<semaphore_mem>>) src(%dma_wait3A_51 : memref<64xi32, #tpu.memory_space<hbm>>) dst(%arg13 : memref<64xi32, #tpu.memory_space<vmem>>)
      tpu.yield
    }) : () -> ()
    %dma_start3A_18 = arith.constant 0 : i32
    %dma_start3A_19 = arith.constant 0 : i32
    %dma_start3A_20 = tpu.memref_slice %arg2[%dma_start3A_18, %dma_start3A_19] : memref<40000x128xf32, #tpu.memory_space<hbm>> -> memref<40000x128xf32, #tpu.memory_space<hbm>>
    tpu.enqueue_indirect_dma source(%dma_start3A_20 : memref<40000x128xf32, #tpu.memory_space<hbm>>) target(%arg17 : memref<64x128xf32, #tpu.memory_space<vmem>>) offsets(%arg9 : memref<64xi32, #tpu.memory_space<vmem>>) semaphore(%arg22 : memref<!tpu.dma_semaphore, #tpu.memory_space<semaphore_mem>>)
    %add3A_21 = arith.constant 192 : i32
    %add3A_22 = arith.addi %mul3A_2, %add3A_21 : i32
    "tpu.region"() ({
      %run_scoped3A = tpu.sem_alloc : memref<!tpu.dma_semaphore, #tpu.memory_space<semaphore_mem>>
      %dma_start3A_48 = tpu.memref_slice %arg3[%add3A_22] : memref<655360xi32, #tpu.memory_space<hbm>> -> memref<64xi32, #tpu.memory_space<hbm>>
      %dma_start3A_49 = tpu.memref_slice %arg3[%add3A_22] : memref<655360xi32, #tpu.memory_space<hbm>> -> memref<64xi32, #tpu.memory_space<hbm>>
      tpu.enqueue_dma source(%dma_start3A_49 : memref<64xi32, #tpu.memory_space<hbm>>) target(%arg10 : memref<64xi32, #tpu.memory_space<vmem>>) target_semaphore(%run_scoped3A : memref<!tpu.dma_semaphore, #tpu.memory_space<semaphore_mem>>)
      %dma_wait3A_50 = tpu.memref_slice %arg3[%add3A_22] : memref<655360xi32, #tpu.memory_space<hbm>> -> memref<64xi32, #tpu.memory_space<hbm>>
      %dma_wait3A_51 = tpu.memref_slice %arg3[%add3A_22] : memref<655360xi32, #tpu.memory_space<hbm>> -> memref<64xi32, #tpu.memory_space<hbm>>
      tpu.wait_dma2 semaphore(%run_scoped3A : memref<!tpu.dma_semaphore, #tpu.memory_space<semaphore_mem>>) src(%dma_wait3A_51 : memref<64xi32, #tpu.memory_space<hbm>>) dst(%arg10 : memref<64xi32, #tpu.memory_space<vmem>>)
      tpu.yield
    }) : () -> ()
    "tpu.region"() ({
      %run_scoped3A = tpu.sem_alloc : memref<!tpu.dma_semaphore, #tpu.memory_space<semaphore_mem>>
      %dma_start3A_48 = tpu.memref_slice %arg4[%add3A_22] : memref<655360xi32, #tpu.memory_space<hbm>> -> memref<64xi32, #tpu.memory_space<hbm>>
      %dma_start3A_49 = tpu.memref_slice %arg4[%add3A_22] : memref<655360xi32, #tpu.memory_space<hbm>> -> memref<64xi32, #tpu.memory_space<hbm>>
      tpu.enqueue_dma source(%dma_start3A_49 : memref<64xi32, #tpu.memory_space<hbm>>) target(%arg14 : memref<64xi32, #tpu.memory_space<vmem>>) target_semaphore(%run_scoped3A : memref<!tpu.dma_semaphore, #tpu.memory_space<semaphore_mem>>)
      %dma_wait3A_50 = tpu.memref_slice %arg4[%add3A_22] : memref<655360xi32, #tpu.memory_space<hbm>> -> memref<64xi32, #tpu.memory_space<hbm>>
      %dma_wait3A_51 = tpu.memref_slice %arg4[%add3A_22] : memref<655360xi32, #tpu.memory_space<hbm>> -> memref<64xi32, #tpu.memory_space<hbm>>
      tpu.wait_dma2 semaphore(%run_scoped3A : memref<!tpu.dma_semaphore, #tpu.memory_space<semaphore_mem>>) src(%dma_wait3A_51 : memref<64xi32, #tpu.memory_space<hbm>>) dst(%arg14 : memref<64xi32, #tpu.memory_space<vmem>>)
      tpu.yield
    }) : () -> ()
    %dma_start3A_23 = arith.constant 0 : i32
    %dma_start3A_24 = arith.constant 0 : i32
    %dma_start3A_25 = tpu.memref_slice %arg2[%dma_start3A_23, %dma_start3A_24] : memref<40000x128xf32, #tpu.memory_space<hbm>> -> memref<40000x128xf32, #tpu.memory_space<hbm>>
    tpu.enqueue_indirect_dma source(%dma_start3A_25 : memref<40000x128xf32, #tpu.memory_space<hbm>>) target(%arg18 : memref<64x128xf32, #tpu.memory_space<vmem>>) offsets(%arg10 : memref<64xi32, #tpu.memory_space<vmem>>) semaphore(%arg23 : memref<!tpu.dma_semaphore, #tpu.memory_space<semaphore_mem>>)
    %scan3A = arith.constant 0 : i32
    %scan3A_26 = arith.constant 0 : i32
    %scan3A_27 = arith.constant 80 : i32
    %scan3A_28 = arith.addi %scan3A_26, %scan3A_27 : i32
    %scan3A_29 = arith.constant 1 : i32
    scf.for %scan3A_48 = %scan3A_26 to %scan3A_28 step %scan3A_29  : i32 {
      %dma_wait3A_49 = arith.constant 0 : i32
      %dma_wait3A_50 = arith.constant 0 : i32
      %dma_wait3A_51 = tpu.memref_slice %arg2[%dma_wait3A_49, %dma_wait3A_50] : memref<40000x128xf32, #tpu.memory_space<hbm>> -> memref<40000x128xf32, #tpu.memory_space<hbm>>
      tpu.wait_indirect_dma semaphore(%arg20 : memref<!tpu.dma_semaphore, #tpu.memory_space<semaphore_mem>>) src(%dma_wait3A_51 : memref<40000x128xf32, #tpu.memory_space<hbm>>) dst(%arg15 : memref<64x128xf32, #tpu.memory_space<vmem>>)
      %dma_start3A_52 = arith.constant 0 : i32
      %dma_start3A_53 = arith.constant 0 : i32
      %dma_start3A_54 = tpu.memref_slice %arg19[%dma_start3A_52, %dma_start3A_53] : memref<10016x128xf32, #tpu.memory_space<vmem_shared>> -> memref<10016x128xf32, #tpu.memory_space<vmem_shared>>
      tpu.enqueue_indirect_dma source(%arg15 : memref<64x128xf32, #tpu.memory_space<vmem>>) target(%dma_start3A_54 : memref<10016x128xf32, #tpu.memory_space<vmem_shared>>) offsets(%arg11 : memref<64xi32, #tpu.memory_space<vmem>>) semaphore(%arg24 : memref<!tpu.dma_semaphore, #tpu.memory_space<semaphore_mem>>) {add = true}
      %dma_wait3A_55 = arith.constant 0 : i32
      %dma_wait3A_56 = arith.constant 0 : i32
      %dma_wait3A_57 = tpu.memref_slice %arg2[%dma_wait3A_55, %dma_wait3A_56] : memref<40000x128xf32, #tpu.memory_space<hbm>> -> memref<40000x128xf32, #tpu.memory_space<hbm>>
      tpu.wait_indirect_dma semaphore(%arg21 : memref<!tpu.dma_semaphore, #tpu.memory_space<semaphore_mem>>) src(%dma_wait3A_57 : memref<40000x128xf32, #tpu.memory_space<hbm>>) dst(%arg16 : memref<64x128xf32, #tpu.memory_space<vmem>>)
      %dma_start3A_58 = arith.constant 0 : i32
      %dma_start3A_59 = arith.constant 0 : i32
      %dma_start3A_60 = tpu.memref_slice %arg19[%dma_start3A_58, %dma_start3A_59] : memref<10016x128xf32, #tpu.memory_space<vmem_shared>> -> memref<10016x128xf32, #tpu.memory_space<vmem_shared>>
      tpu.enqueue_indirect_dma source(%arg16 : memref<64x128xf32, #tpu.memory_space<vmem>>) target(%dma_start3A_60 : memref<10016x128xf32, #tpu.memory_space<vmem_shared>>) offsets(%arg12 : memref<64xi32, #tpu.memory_space<vmem>>) semaphore(%arg25 : memref<!tpu.dma_semaphore, #tpu.memory_space<semaphore_mem>>) {add = true}
      %dma_wait3A_61 = arith.constant 0 : i32
      %dma_wait3A_62 = arith.constant 0 : i32
      %dma_wait3A_63 = tpu.memref_slice %arg2[%dma_wait3A_61, %dma_wait3A_62] : memref<40000x128xf32, #tpu.memory_space<hbm>> -> memref<40000x128xf32, #tpu.memory_space<hbm>>
      tpu.wait_indirect_dma semaphore(%arg22 : memref<!tpu.dma_semaphore, #tpu.memory_space<semaphore_mem>>) src(%dma_wait3A_63 : memref<40000x128xf32, #tpu.memory_space<hbm>>) dst(%arg17 : memref<64x128xf32, #tpu.memory_space<vmem>>)
      %dma_start3A_64 = arith.constant 0 : i32
      %dma_start3A_65 = arith.constant 0 : i32
      %dma_start3A_66 = tpu.memref_slice %arg19[%dma_start3A_64, %dma_start3A_65] : memref<10016x128xf32, #tpu.memory_space<vmem_shared>> -> memref<10016x128xf32, #tpu.memory_space<vmem_shared>>
      tpu.enqueue_indirect_dma source(%arg17 : memref<64x128xf32, #tpu.memory_space<vmem>>) target(%dma_start3A_66 : memref<10016x128xf32, #tpu.memory_space<vmem_shared>>) offsets(%arg13 : memref<64xi32, #tpu.memory_space<vmem>>) semaphore(%arg26 : memref<!tpu.dma_semaphore, #tpu.memory_space<semaphore_mem>>) {add = true}
      %dma_wait3A_67 = arith.constant 0 : i32
      %dma_wait3A_68 = arith.constant 0 : i32
      %dma_wait3A_69 = tpu.memref_slice %arg2[%dma_wait3A_67, %dma_wait3A_68] : memref<40000x128xf32, #tpu.memory_space<hbm>> -> memref<40000x128xf32, #tpu.memory_space<hbm>>
      tpu.wait_indirect_dma semaphore(%arg23 : memref<!tpu.dma_semaphore, #tpu.memory_space<semaphore_mem>>) src(%dma_wait3A_69 : memref<40000x128xf32, #tpu.memory_space<hbm>>) dst(%arg18 : memref<64x128xf32, #tpu.memory_space<vmem>>)
      %dma_start3A_70 = arith.constant 0 : i32
      %dma_start3A_71 = arith.constant 0 : i32
      %dma_start3A_72 = tpu.memref_slice %arg19[%dma_start3A_70, %dma_start3A_71] : memref<10016x128xf32, #tpu.memory_space<vmem_shared>> -> memref<10016x128xf32, #tpu.memory_space<vmem_shared>>
      tpu.enqueue_indirect_dma source(%arg18 : memref<64x128xf32, #tpu.memory_space<vmem>>) target(%dma_start3A_72 : memref<10016x128xf32, #tpu.memory_space<vmem_shared>>) offsets(%arg14 : memref<64xi32, #tpu.memory_space<vmem>>) semaphore(%arg27 : memref<!tpu.dma_semaphore, #tpu.memory_space<semaphore_mem>>) {add = true}
      %lt3A = arith.constant 79 : i32
      %lt3A_73 = arith.cmpi slt, %scan3A_48, %lt3A : i32
      %convert_element_type3A_74 = arith.extui %lt3A_73 : i1 to i32
      %cond3A_75 = arith.constant 0 : i32
      %cond3A_76 = arith.cmpi ne, %convert_element_type3A_74, %cond3A_75 : i32
      scf.if %cond3A_76 {
        %dma_wait3A_92 = arith.constant 0 : i32
        %dma_wait3A_93 = arith.constant 0 : i32
        %dma_wait3A_94 = tpu.memref_slice %arg19[%dma_wait3A_92, %dma_wait3A_93] : memref<10016x128xf32, #tpu.memory_space<vmem_shared>> -> memref<10016x128xf32, #tpu.memory_space<vmem_shared>>
        tpu.wait_indirect_dma semaphore(%arg24 : memref<!tpu.dma_semaphore, #tpu.memory_space<semaphore_mem>>) src(%arg15 : memref<64x128xf32, #tpu.memory_space<vmem>>) dst(%dma_wait3A_94 : memref<10016x128xf32, #tpu.memory_space<vmem_shared>>)
        %add3A_95 = arith.constant 1 : i32
        %add3A_96 = arith.addi %scan3A_48, %add3A_95 : i32
        %mul3A_97 = arith.constant 4 : i32
        %mul3A_98 = arith.muli %add3A_96, %mul3A_97 : i32
        %add3A_99 = arith.constant 0 : i32
        %add3A_100 = arith.addi %mul3A_98, %add3A_99 : i32
        %mul3A_101 = arith.constant 64 : i32
        %mul3A_102 = arith.muli %add3A_100, %mul3A_101 : i32
        %add3A_103 = arith.addi %mul3A_2, %mul3A_102 : i32
        "tpu.region"() ({
          %run_scoped3A = tpu.sem_alloc : memref<!tpu.dma_semaphore, #tpu.memory_space<semaphore_mem>>
          %dma_start3A_107 = tpu.memref_slice %arg3[%add3A_103] : memref<655360xi32, #tpu.memory_space<hbm>> -> memref<64xi32, #tpu.memory_space<hbm>>
          %dma_start3A_108 = tpu.memref_slice %arg3[%add3A_103] : memref<655360xi32, #tpu.memory_space<hbm>> -> memref<64xi32, #tpu.memory_space<hbm>>
          tpu.enqueue_dma source(%dma_start3A_108 : memref<64xi32, #tpu.memory_space<hbm>>) target(%arg7 : memref<64xi32, #tpu.memory_space<vmem>>) target_semaphore(%run_scoped3A : memref<!tpu.dma_semaphore, #tpu.memory_space<semaphore_mem>>)
          %dma_wait3A_109 = tpu.memref_slice %arg3[%add3A_103] : memref<655360xi32, #tpu.memory_space<hbm>> -> memref<64xi32, #tpu.memory_space<hbm>>
          %dma_wait3A_110 = tpu.memref_slice %arg3[%add3A_103] : memref<655360xi32, #tpu.memory_space<hbm>> -> memref<64xi32, #tpu.memory_space<hbm>>
          tpu.wait_dma2 semaphore(%run_scoped3A : memref<!tpu.dma_semaphore, #tpu.memory_space<semaphore_mem>>) src(%dma_wait3A_110 : memref<64xi32, #tpu.memory_space<hbm>>) dst(%arg7 : memref<64xi32, #tpu.memory_space<vmem>>)
          tpu.yield
        }) : () -> ()
        "tpu.region"() ({
          %run_scoped3A = tpu.sem_alloc : memref<!tpu.dma_semaphore, #tpu.memory_space<semaphore_mem>>
          %dma_start3A_107 = tpu.memref_slice %arg4[%add3A_103] : memref<655360xi32, #tpu.memory_space<hbm>> -> memref<64xi32, #tpu.memory_space<hbm>>
          %dma_start3A_108 = tpu.memref_slice %arg4[%add3A_103] : memref<655360xi32, #tpu.memory_space<hbm>> -> memref<64xi32, #tpu.memory_space<hbm>>
          tpu.enqueue_dma source(%dma_start3A_108 : memref<64xi32, #tpu.memory_space<hbm>>) target(%arg11 : memref<64xi32, #tpu.memory_space<vmem>>) target_semaphore(%run_scoped3A : memref<!tpu.dma_semaphore, #tpu.memory_space<semaphore_mem>>)
          %dma_wait3A_109 = tpu.memref_slice %arg4[%add3A_103] : memref<655360xi32, #tpu.memory_space<hbm>> -> memref<64xi32, #tpu.memory_space<hbm>>
          %dma_wait3A_110 = tpu.memref_slice %arg4[%add3A_103] : memref<655360xi32, #tpu.memory_space<hbm>> -> memref<64xi32, #tpu.memory_space<hbm>>
          tpu.wait_dma2 semaphore(%run_scoped3A : memref<!tpu.dma_semaphore, #tpu.memory_space<semaphore_mem>>) src(%dma_wait3A_110 : memref<64xi32, #tpu.memory_space<hbm>>) dst(%arg11 : memref<64xi32, #tpu.memory_space<vmem>>)
          tpu.yield
        }) : () -> ()
        %dma_start3A_104 = arith.constant 0 : i32
        %dma_start3A_105 = arith.constant 0 : i32
        %dma_start3A_106 = tpu.memref_slice %arg2[%dma_start3A_104, %dma_start3A_105] : memref<40000x128xf32, #tpu.memory_space<hbm>> -> memref<40000x128xf32, #tpu.memory_space<hbm>>
        tpu.enqueue_indirect_dma source(%dma_start3A_106 : memref<40000x128xf32, #tpu.memory_space<hbm>>) target(%arg15 : memref<64x128xf32, #tpu.memory_space<vmem>>) offsets(%arg7 : memref<64xi32, #tpu.memory_space<vmem>>) semaphore(%arg20 : memref<!tpu.dma_semaphore, #tpu.memory_space<semaphore_mem>>)
      } else {
      }
      %lt3A_77 = arith.constant 79 : i32
      %lt3A_78 = arith.cmpi slt, %scan3A_48, %lt3A_77 : i32
      %convert_element_type3A_79 = arith.extui %lt3A_78 : i1 to i32
      %cond3A_80 = arith.constant 0 : i32
      %cond3A_81 = arith.cmpi ne, %convert_element_type3A_79, %cond3A_80 : i32
      scf.if %cond3A_81 {
        %dma_wait3A_92 = arith.constant 0 : i32
        %dma_wait3A_93 = arith.constant 0 : i32
        %dma_wait3A_94 = tpu.memref_slice %arg19[%dma_wait3A_92, %dma_wait3A_93] : memref<10016x128xf32, #tpu.memory_space<vmem_shared>> -> memref<10016x128xf32, #tpu.memory_space<vmem_shared>>
        tpu.wait_indirect_dma semaphore(%arg25 : memref<!tpu.dma_semaphore, #tpu.memory_space<semaphore_mem>>) src(%arg16 : memref<64x128xf32, #tpu.memory_space<vmem>>) dst(%dma_wait3A_94 : memref<10016x128xf32, #tpu.memory_space<vmem_shared>>)
        %add3A_95 = arith.constant 1 : i32
        %add3A_96 = arith.addi %scan3A_48, %add3A_95 : i32
        %mul3A_97 = arith.constant 4 : i32
        %mul3A_98 = arith.muli %add3A_96, %mul3A_97 : i32
        %add3A_99 = arith.constant 1 : i32
        %add3A_100 = arith.addi %mul3A_98, %add3A_99 : i32
        %mul3A_101 = arith.constant 64 : i32
        %mul3A_102 = arith.muli %add3A_100, %mul3A_101 : i32
        %add3A_103 = arith.addi %mul3A_2, %mul3A_102 : i32
        "tpu.region"() ({
          %run_scoped3A = tpu.sem_alloc : memref<!tpu.dma_semaphore, #tpu.memory_space<semaphore_mem>>
          %dma_start3A_107 = tpu.memref_slice %arg3[%add3A_103] : memref<655360xi32, #tpu.memory_space<hbm>> -> memref<64xi32, #tpu.memory_space<hbm>>
          %dma_start3A_108 = tpu.memref_slice %arg3[%add3A_103] : memref<655360xi32, #tpu.memory_space<hbm>> -> memref<64xi32, #tpu.memory_space<hbm>>
          tpu.enqueue_dma source(%dma_start3A_108 : memref<64xi32, #tpu.memory_space<hbm>>) target(%arg8 : memref<64xi32, #tpu.memory_space<vmem>>) target_semaphore(%run_scoped3A : memref<!tpu.dma_semaphore, #tpu.memory_space<semaphore_mem>>)
          %dma_wait3A_109 = tpu.memref_slice %arg3[%add3A_103] : memref<655360xi32, #tpu.memory_space<hbm>> -> memref<64xi32, #tpu.memory_space<hbm>>
          %dma_wait3A_110 = tpu.memref_slice %arg3[%add3A_103] : memref<655360xi32, #tpu.memory_space<hbm>> -> memref<64xi32, #tpu.memory_space<hbm>>
          tpu.wait_dma2 semaphore(%run_scoped3A : memref<!tpu.dma_semaphore, #tpu.memory_space<semaphore_mem>>) src(%dma_wait3A_110 : memref<64xi32, #tpu.memory_space<hbm>>) dst(%arg8 : memref<64xi32, #tpu.memory_space<vmem>>)
          tpu.yield
        }) : () -> ()
        "tpu.region"() ({
          %run_scoped3A = tpu.sem_alloc : memref<!tpu.dma_semaphore, #tpu.memory_space<semaphore_mem>>
          %dma_start3A_107 = tpu.memref_slice %arg4[%add3A_103] : memref<655360xi32, #tpu.memory_space<hbm>> -> memref<64xi32, #tpu.memory_space<hbm>>
          %dma_start3A_108 = tpu.memref_slice %arg4[%add3A_103] : memref<655360xi32, #tpu.memory_space<hbm>> -> memref<64xi32, #tpu.memory_space<hbm>>
          tpu.enqueue_dma source(%dma_start3A_108 : memref<64xi32, #tpu.memory_space<hbm>>) target(%arg12 : memref<64xi32, #tpu.memory_space<vmem>>) target_semaphore(%run_scoped3A : memref<!tpu.dma_semaphore, #tpu.memory_space<semaphore_mem>>)
          %dma_wait3A_109 = tpu.memref_slice %arg4[%add3A_103] : memref<655360xi32, #tpu.memory_space<hbm>> -> memref<64xi32, #tpu.memory_space<hbm>>
          %dma_wait3A_110 = tpu.memref_slice %arg4[%add3A_103] : memref<655360xi32, #tpu.memory_space<hbm>> -> memref<64xi32, #tpu.memory_space<hbm>>
          tpu.wait_dma2 semaphore(%run_scoped3A : memref<!tpu.dma_semaphore, #tpu.memory_space<semaphore_mem>>) src(%dma_wait3A_110 : memref<64xi32, #tpu.memory_space<hbm>>) dst(%arg12 : memref<64xi32, #tpu.memory_space<vmem>>)
          tpu.yield
        }) : () -> ()
        %dma_start3A_104 = arith.constant 0 : i32
        %dma_start3A_105 = arith.constant 0 : i32
        %dma_start3A_106 = tpu.memref_slice %arg2[%dma_start3A_104, %dma_start3A_105] : memref<40000x128xf32, #tpu.memory_space<hbm>> -> memref<40000x128xf32, #tpu.memory_space<hbm>>
        tpu.enqueue_indirect_dma source(%dma_start3A_106 : memref<40000x128xf32, #tpu.memory_space<hbm>>) target(%arg16 : memref<64x128xf32, #tpu.memory_space<vmem>>) offsets(%arg8 : memref<64xi32, #tpu.memory_space<vmem>>) semaphore(%arg21 : memref<!tpu.dma_semaphore, #tpu.memory_space<semaphore_mem>>)
      } else {
      }
      %lt3A_82 = arith.constant 79 : i32
      %lt3A_83 = arith.cmpi slt, %scan3A_48, %lt3A_82 : i32
      %convert_element_type3A_84 = arith.extui %lt3A_83 : i1 to i32
      %cond3A_85 = arith.constant 0 : i32
      %cond3A_86 = arith.cmpi ne, %convert_element_type3A_84, %cond3A_85 : i32
      scf.if %cond3A_86 {
        %dma_wait3A_92 = arith.constant 0 : i32
        %dma_wait3A_93 = arith.constant 0 : i32
        %dma_wait3A_94 = tpu.memref_slice %arg19[%dma_wait3A_92, %dma_wait3A_93] : memref<10016x128xf32, #tpu.memory_space<vmem_shared>> -> memref<10016x128xf32, #tpu.memory_space<vmem_shared>>
        tpu.wait_indirect_dma semaphore(%arg26 : memref<!tpu.dma_semaphore, #tpu.memory_space<semaphore_mem>>) src(%arg17 : memref<64x128xf32, #tpu.memory_space<vmem>>) dst(%dma_wait3A_94 : memref<10016x128xf32, #tpu.memory_space<vmem_shared>>)
        %add3A_95 = arith.constant 1 : i32
        %add3A_96 = arith.addi %scan3A_48, %add3A_95 : i32
        %mul3A_97 = arith.constant 4 : i32
        %mul3A_98 = arith.muli %add3A_96, %mul3A_97 : i32
        %add3A_99 = arith.constant 2 : i32
        %add3A_100 = arith.addi %mul3A_98, %add3A_99 : i32
        %mul3A_101 = arith.constant 64 : i32
        %mul3A_102 = arith.muli %add3A_100, %mul3A_101 : i32
        %add3A_103 = arith.addi %mul3A_2, %mul3A_102 : i32
        "tpu.region"() ({
          %run_scoped3A = tpu.sem_alloc : memref<!tpu.dma_semaphore, #tpu.memory_space<semaphore_mem>>
          %dma_start3A_107 = tpu.memref_slice %arg3[%add3A_103] : memref<655360xi32, #tpu.memory_space<hbm>> -> memref<64xi32, #tpu.memory_space<hbm>>
          %dma_start3A_108 = tpu.memref_slice %arg3[%add3A_103] : memref<655360xi32, #tpu.memory_space<hbm>> -> memref<64xi32, #tpu.memory_space<hbm>>
          tpu.enqueue_dma source(%dma_start3A_108 : memref<64xi32, #tpu.memory_space<hbm>>) target(%arg9 : memref<64xi32, #tpu.memory_space<vmem>>) target_semaphore(%run_scoped3A : memref<!tpu.dma_semaphore, #tpu.memory_space<semaphore_mem>>)
          %dma_wait3A_109 = tpu.memref_slice %arg3[%add3A_103] : memref<655360xi32, #tpu.memory_space<hbm>> -> memref<64xi32, #tpu.memory_space<hbm>>
          %dma_wait3A_110 = tpu.memref_slice %arg3[%add3A_103] : memref<655360xi32, #tpu.memory_space<hbm>> -> memref<64xi32, #tpu.memory_space<hbm>>
          tpu.wait_dma2 semaphore(%run_scoped3A : memref<!tpu.dma_semaphore, #tpu.memory_space<semaphore_mem>>) src(%dma_wait3A_110 : memref<64xi32, #tpu.memory_space<hbm>>) dst(%arg9 : memref<64xi32, #tpu.memory_space<vmem>>)
          tpu.yield
        }) : () -> ()
        "tpu.region"() ({
          %run_scoped3A = tpu.sem_alloc : memref<!tpu.dma_semaphore, #tpu.memory_space<semaphore_mem>>
          %dma_start3A_107 = tpu.memref_slice %arg4[%add3A_103] : memref<655360xi32, #tpu.memory_space<hbm>> -> memref<64xi32, #tpu.memory_space<hbm>>
          %dma_start3A_108 = tpu.memref_slice %arg4[%add3A_103] : memref<655360xi32, #tpu.memory_space<hbm>> -> memref<64xi32, #tpu.memory_space<hbm>>
          tpu.enqueue_dma source(%dma_start3A_108 : memref<64xi32, #tpu.memory_space<hbm>>) target(%arg13 : memref<64xi32, #tpu.memory_space<vmem>>) target_semaphore(%run_scoped3A : memref<!tpu.dma_semaphore, #tpu.memory_space<semaphore_mem>>)
          %dma_wait3A_109 = tpu.memref_slice %arg4[%add3A_103] : memref<655360xi32, #tpu.memory_space<hbm>> -> memref<64xi32, #tpu.memory_space<hbm>>
          %dma_wait3A_110 = tpu.memref_slice %arg4[%add3A_103] : memref<655360xi32, #tpu.memory_space<hbm>> -> memref<64xi32, #tpu.memory_space<hbm>>
          tpu.wait_dma2 semaphore(%run_scoped3A : memref<!tpu.dma_semaphore, #tpu.memory_space<semaphore_mem>>) src(%dma_wait3A_110 : memref<64xi32, #tpu.memory_space<hbm>>) dst(%arg13 : memref<64xi32, #tpu.memory_space<vmem>>)
          tpu.yield
        }) : () -> ()
        %dma_start3A_104 = arith.constant 0 : i32
        %dma_start3A_105 = arith.constant 0 : i32
        %dma_start3A_106 = tpu.memref_slice %arg2[%dma_start3A_104, %dma_start3A_105] : memref<40000x128xf32, #tpu.memory_space<hbm>> -> memref<40000x128xf32, #tpu.memory_space<hbm>>
        tpu.enqueue_indirect_dma source(%dma_start3A_106 : memref<40000x128xf32, #tpu.memory_space<hbm>>) target(%arg17 : memref<64x128xf32, #tpu.memory_space<vmem>>) offsets(%arg9 : memref<64xi32, #tpu.memory_space<vmem>>) semaphore(%arg22 : memref<!tpu.dma_semaphore, #tpu.memory_space<semaphore_mem>>)
      } else {
      }
      %lt3A_87 = arith.constant 79 : i32
      %lt3A_88 = arith.cmpi slt, %scan3A_48, %lt3A_87 : i32
      %convert_element_type3A_89 = arith.extui %lt3A_88 : i1 to i32
      %cond3A_90 = arith.constant 0 : i32
      %cond3A_91 = arith.cmpi ne, %convert_element_type3A_89, %cond3A_90 : i32
      scf.if %cond3A_91 {
        %dma_wait3A_92 = arith.constant 0 : i32
        %dma_wait3A_93 = arith.constant 0 : i32
        %dma_wait3A_94 = tpu.memref_slice %arg19[%dma_wait3A_92, %dma_wait3A_93] : memref<10016x128xf32, #tpu.memory_space<vmem_shared>> -> memref<10016x128xf32, #tpu.memory_space<vmem_shared>>
        tpu.wait_indirect_dma semaphore(%arg27 : memref<!tpu.dma_semaphore, #tpu.memory_space<semaphore_mem>>) src(%arg18 : memref<64x128xf32, #tpu.memory_space<vmem>>) dst(%dma_wait3A_94 : memref<10016x128xf32, #tpu.memory_space<vmem_shared>>)
        %add3A_95 = arith.constant 1 : i32
        %add3A_96 = arith.addi %scan3A_48, %add3A_95 : i32
        %mul3A_97 = arith.constant 4 : i32
        %mul3A_98 = arith.muli %add3A_96, %mul3A_97 : i32
        %add3A_99 = arith.constant 3 : i32
        %add3A_100 = arith.addi %mul3A_98, %add3A_99 : i32
        %mul3A_101 = arith.constant 64 : i32
        %mul3A_102 = arith.muli %add3A_100, %mul3A_101 : i32
        %add3A_103 = arith.addi %mul3A_2, %mul3A_102 : i32
        "tpu.region"() ({
          %run_scoped3A = tpu.sem_alloc : memref<!tpu.dma_semaphore, #tpu.memory_space<semaphore_mem>>
          %dma_start3A_107 = tpu.memref_slice %arg3[%add3A_103] : memref<655360xi32, #tpu.memory_space<hbm>> -> memref<64xi32, #tpu.memory_space<hbm>>
          %dma_start3A_108 = tpu.memref_slice %arg3[%add3A_103] : memref<655360xi32, #tpu.memory_space<hbm>> -> memref<64xi32, #tpu.memory_space<hbm>>
          tpu.enqueue_dma source(%dma_start3A_108 : memref<64xi32, #tpu.memory_space<hbm>>) target(%arg10 : memref<64xi32, #tpu.memory_space<vmem>>) target_semaphore(%run_scoped3A : memref<!tpu.dma_semaphore, #tpu.memory_space<semaphore_mem>>)
          %dma_wait3A_109 = tpu.memref_slice %arg3[%add3A_103] : memref<655360xi32, #tpu.memory_space<hbm>> -> memref<64xi32, #tpu.memory_space<hbm>>
          %dma_wait3A_110 = tpu.memref_slice %arg3[%add3A_103] : memref<655360xi32, #tpu.memory_space<hbm>> -> memref<64xi32, #tpu.memory_space<hbm>>
          tpu.wait_dma2 semaphore(%run_scoped3A : memref<!tpu.dma_semaphore, #tpu.memory_space<semaphore_mem>>) src(%dma_wait3A_110 : memref<64xi32, #tpu.memory_space<hbm>>) dst(%arg10 : memref<64xi32, #tpu.memory_space<vmem>>)
          tpu.yield
        }) : () -> ()
        "tpu.region"() ({
          %run_scoped3A = tpu.sem_alloc : memref<!tpu.dma_semaphore, #tpu.memory_space<semaphore_mem>>
          %dma_start3A_107 = tpu.memref_slice %arg4[%add3A_103] : memref<655360xi32, #tpu.memory_space<hbm>> -> memref<64xi32, #tpu.memory_space<hbm>>
          %dma_start3A_108 = tpu.memref_slice %arg4[%add3A_103] : memref<655360xi32, #tpu.memory_space<hbm>> -> memref<64xi32, #tpu.memory_space<hbm>>
          tpu.enqueue_dma source(%dma_start3A_108 : memref<64xi32, #tpu.memory_space<hbm>>) target(%arg14 : memref<64xi32, #tpu.memory_space<vmem>>) target_semaphore(%run_scoped3A : memref<!tpu.dma_semaphore, #tpu.memory_space<semaphore_mem>>)
          %dma_wait3A_109 = tpu.memref_slice %arg4[%add3A_103] : memref<655360xi32, #tpu.memory_space<hbm>> -> memref<64xi32, #tpu.memory_space<hbm>>
          %dma_wait3A_110 = tpu.memref_slice %arg4[%add3A_103] : memref<655360xi32, #tpu.memory_space<hbm>> -> memref<64xi32, #tpu.memory_space<hbm>>
          tpu.wait_dma2 semaphore(%run_scoped3A : memref<!tpu.dma_semaphore, #tpu.memory_space<semaphore_mem>>) src(%dma_wait3A_110 : memref<64xi32, #tpu.memory_space<hbm>>) dst(%arg14 : memref<64xi32, #tpu.memory_space<vmem>>)
          tpu.yield
        }) : () -> ()
        %dma_start3A_104 = arith.constant 0 : i32
        %dma_start3A_105 = arith.constant 0 : i32
        %dma_start3A_106 = tpu.memref_slice %arg2[%dma_start3A_104, %dma_start3A_105] : memref<40000x128xf32, #tpu.memory_space<hbm>> -> memref<40000x128xf32, #tpu.memory_space<hbm>>
        tpu.enqueue_indirect_dma source(%dma_start3A_106 : memref<40000x128xf32, #tpu.memory_space<hbm>>) target(%arg18 : memref<64x128xf32, #tpu.memory_space<vmem>>) offsets(%arg10 : memref<64xi32, #tpu.memory_space<vmem>>) semaphore(%arg23 : memref<!tpu.dma_semaphore, #tpu.memory_space<semaphore_mem>>)
      } else {
      }
    }
    %scan3A_30 = arith.constant 80 : i32
    %dma_wait3A = arith.constant 0 : i32
    %dma_wait3A_31 = arith.constant 0 : i32
    %dma_wait3A_32 = tpu.memref_slice %arg19[%dma_wait3A, %dma_wait3A_31] : memref<10016x128xf32, #tpu.memory_space<vmem_shared>> -> memref<10016x128xf32, #tpu.memory_space<vmem_shared>>
    tpu.wait_indirect_dma semaphore(%arg24 : memref<!tpu.dma_semaphore, #tpu.memory_space<semaphore_mem>>) src(%arg15 : memref<64x128xf32, #tpu.memory_space<vmem>>) dst(%dma_wait3A_32 : memref<10016x128xf32, #tpu.memory_space<vmem_shared>>)
    %dma_wait3A_33 = arith.constant 0 : i32
    %dma_wait3A_34 = arith.constant 0 : i32
    %dma_wait3A_35 = tpu.memref_slice %arg19[%dma_wait3A_33, %dma_wait3A_34] : memref<10016x128xf32, #tpu.memory_space<vmem_shared>> -> memref<10016x128xf32, #tpu.memory_space<vmem_shared>>
    tpu.wait_indirect_dma semaphore(%arg25 : memref<!tpu.dma_semaphore, #tpu.memory_space<semaphore_mem>>) src(%arg16 : memref<64x128xf32, #tpu.memory_space<vmem>>) dst(%dma_wait3A_35 : memref<10016x128xf32, #tpu.memory_space<vmem_shared>>)
    %dma_wait3A_36 = arith.constant 0 : i32
    %dma_wait3A_37 = arith.constant 0 : i32
    %dma_wait3A_38 = tpu.memref_slice %arg19[%dma_wait3A_36, %dma_wait3A_37] : memref<10016x128xf32, #tpu.memory_space<vmem_shared>> -> memref<10016x128xf32, #tpu.memory_space<vmem_shared>>
    tpu.wait_indirect_dma semaphore(%arg26 : memref<!tpu.dma_semaphore, #tpu.memory_space<semaphore_mem>>) src(%arg17 : memref<64x128xf32, #tpu.memory_space<vmem>>) dst(%dma_wait3A_38 : memref<10016x128xf32, #tpu.memory_space<vmem_shared>>)
    %dma_wait3A_39 = arith.constant 0 : i32
    %dma_wait3A_40 = arith.constant 0 : i32
    %dma_wait3A_41 = tpu.memref_slice %arg19[%dma_wait3A_39, %dma_wait3A_40] : memref<10016x128xf32, #tpu.memory_space<vmem_shared>> -> memref<10016x128xf32, #tpu.memory_space<vmem_shared>>
    tpu.wait_indirect_dma semaphore(%arg27 : memref<!tpu.dma_semaphore, #tpu.memory_space<semaphore_mem>>) src(%arg18 : memref<64x128xf32, #tpu.memory_space<vmem>>) dst(%dma_wait3A_41 : memref<10016x128xf32, #tpu.memory_space<vmem_shared>>)
    %barrier3A_42 = arith.constant 0 : index
    tpu.barrier barrier_id(%barrier3A_42)
    "tpu.region"() ({
      %run_scoped3A = tpu.sem_alloc : memref<!tpu.dma_semaphore, #tpu.memory_space<semaphore_mem>>
      %dma_start3A_48 = arith.constant 0 : i32
      %dma_start3A_49 = tpu.memref_slice %arg6[%arg0, %mul3A_4, %dma_start3A_48] : memref<2x10000x128xf32, #tpu.memory_space<hbm>> -> memref<1x624x128xf32, #tpu.memory_space<hbm>>
      %dma_start3A_50 = tpu.memref_squeeze %dma_start3A_49 : memref<1x624x128xf32, #tpu.memory_space<hbm>> -> memref<624x128xf32, #tpu.memory_space<hbm>>
      %dma_start3A_51 = arith.constant 0 : i32
      %dma_start3A_52 = tpu.memref_slice %arg19[%mul3A_4, %dma_start3A_51] : memref<10016x128xf32, #tpu.memory_space<vmem_shared>> -> memref<624x128xf32, #tpu.memory_space<vmem_shared>>
      tpu.enqueue_dma source(%dma_start3A_52 : memref<624x128xf32, #tpu.memory_space<vmem_shared>>) target(%dma_start3A_50 : memref<624x128xf32, #tpu.memory_space<hbm>>) target_semaphore(%run_scoped3A : memref<!tpu.dma_semaphore, #tpu.memory_space<semaphore_mem>>)
      %dma_wait3A_53 = arith.constant 0 : i32
      %dma_wait3A_54 = tpu.memref_slice %arg6[%arg0, %mul3A_4, %dma_wait3A_53] : memref<2x10000x128xf32, #tpu.memory_space<hbm>> -> memref<1x624x128xf32, #tpu.memory_space<hbm>>
      %dma_wait3A_55 = tpu.memref_squeeze %dma_wait3A_54 : memref<1x624x128xf32, #tpu.memory_space<hbm>> -> memref<624x128xf32, #tpu.memory_space<hbm>>
      %dma_wait3A_56 = arith.constant 0 : i32
      %dma_wait3A_57 = tpu.memref_slice %arg19[%mul3A_4, %dma_wait3A_56] : memref<10016x128xf32, #tpu.memory_space<vmem_shared>> -> memref<624x128xf32, #tpu.memory_space<vmem_shared>>
      tpu.wait_dma2 semaphore(%run_scoped3A : memref<!tpu.dma_semaphore, #tpu.memory_space<semaphore_mem>>) src(%dma_wait3A_57 : memref<624x128xf32, #tpu.memory_space<vmem_shared>>) dst(%dma_wait3A_55 : memref<624x128xf32, #tpu.memory_space<hbm>>)
      tpu.yield
    }) : () -> ()
    %eq3A_43 = arith.constant 15 : i32
    %eq3A_44 = arith.cmpi eq, %arg1, %eq3A_43 : i32
    %convert_element_type3A_45 = arith.extui %eq3A_44 : i1 to i32
    %cond3A_46 = arith.constant 0 : i32
    %cond3A_47 = arith.cmpi ne, %convert_element_type3A_45, %cond3A_46 : i32
    scf.if %cond3A_47 {
      "tpu.region"() ({
        %run_scoped3A = tpu.sem_alloc : memref<!tpu.dma_semaphore, #tpu.memory_space<semaphore_mem>>
        %dma_start3A_48 = arith.constant 9984 : i32
        %dma_start3A_49 = arith.constant 0 : i32
        %dma_start3A_50 = tpu.memref_slice %arg6[%arg0, %dma_start3A_48, %dma_start3A_49] : memref<2x10000x128xf32, #tpu.memory_space<hbm>> -> memref<1x16x128xf32, #tpu.memory_space<hbm>>
        %dma_start3A_51 = tpu.memref_squeeze %dma_start3A_50 : memref<1x16x128xf32, #tpu.memory_space<hbm>> -> memref<16x128xf32, #tpu.memory_space<hbm>>
        %dma_start3A_52 = arith.constant 9984 : i32
        %dma_start3A_53 = arith.constant 0 : i32
        %dma_start3A_54 = tpu.memref_slice %arg19[%dma_start3A_52, %dma_start3A_53] : memref<10016x128xf32, #tpu.memory_space<vmem_shared>> -> memref<16x128xf32, #tpu.memory_space<vmem_shared>>
        tpu.enqueue_dma source(%dma_start3A_54 : memref<16x128xf32, #tpu.memory_space<vmem_shared>>) target(%dma_start3A_51 : memref<16x128xf32, #tpu.memory_space<hbm>>) target_semaphore(%run_scoped3A : memref<!tpu.dma_semaphore, #tpu.memory_space<semaphore_mem>>)
        %dma_wait3A_55 = arith.constant 9984 : i32
        %dma_wait3A_56 = arith.constant 0 : i32
        %dma_wait3A_57 = tpu.memref_slice %arg6[%arg0, %dma_wait3A_55, %dma_wait3A_56] : memref<2x10000x128xf32, #tpu.memory_space<hbm>> -> memref<1x16x128xf32, #tpu.memory_space<hbm>>
        %dma_wait3A_58 = tpu.memref_squeeze %dma_wait3A_57 : memref<1x16x128xf32, #tpu.memory_space<hbm>> -> memref<16x128xf32, #tpu.memory_space<hbm>>
        %dma_wait3A_59 = arith.constant 9984 : i32
        %dma_wait3A_60 = arith.constant 0 : i32
        %dma_wait3A_61 = tpu.memref_slice %arg19[%dma_wait3A_59, %dma_wait3A_60] : memref<10016x128xf32, #tpu.memory_space<vmem_shared>> -> memref<16x128xf32, #tpu.memory_space<vmem_shared>>
        tpu.wait_dma2 semaphore(%run_scoped3A : memref<!tpu.dma_semaphore, #tpu.memory_space<semaphore_mem>>) src(%dma_wait3A_61 : memref<16x128xf32, #tpu.memory_space<vmem_shared>>) dst(%dma_wait3A_58 : memref<16x128xf32, #tpu.memory_space<hbm>>)
        tpu.yield
      }) : () -> ()
    } else {
    }
    return
  }
}

module attributes {stable_mosaic.version = 14 : i64} {
  func.func @_mm_body1(%arg0: i32, %arg1: memref<2000x128xf32, #tpu.memory_space<vmem>>, %arg2: memref<128x512xf32, #tpu.memory_space<vmem>>, %arg3: memref<128x128xf32, #tpu.memory_space<vmem>>, %arg4: memref<2000x512xf32, #tpu.memory_space<vmem>>, %arg5: memref<2000x128xf32, #tpu.memory_space<vmem>>) attributes {dimension_semantics = [#tpu.dimension_semantics<arbitrary>], iteration_bounds = array<i64: 5>, scalar_prefetch = 0 : i64, scratch_operands = 0 : i64, tpu.core_type = #tpu.core_type<tc>, window_params = [{transform_indices = @transform_0, window_bounds = array<i64: 2000, 128>}, {pipeline_mode = #tpu.pipeline_mode<synchronous>, transform_indices = @transform_1, window_bounds = array<i64: 128, 512>}, {pipeline_mode = #tpu.pipeline_mode<synchronous>, transform_indices = @transform_2, window_bounds = array<i64: 128, 128>}, {transform_indices = @transform_3, window_bounds = array<i64: 2000, 512>}, {transform_indices = @transform_4, window_bounds = array<i64: 2000, 128>}]} {
    %get3A = arith.constant 0 : index
    %get3A_0 = arith.constant 0 : index
    %get3A_1 = vector.load %arg1[%get3A, %get3A_0] : memref<2000x128xf32, #tpu.memory_space<vmem>>, vector<2000x128xf32>
    %get3A_2 = arith.constant 0 : index
    %get3A_3 = arith.constant 0 : index
    %get3A_4 = vector.load %arg2[%get3A_2, %get3A_3] : memref<128x512xf32, #tpu.memory_space<vmem>>, vector<128x512xf32>
    %dot_general3A = arith.constant dense<0.000000e+00> : vector<2000x512xf32>
    %dot_general3A_5 = tpu.matmul %get3A_1, %get3A_4, %dot_general3A {dimension_numbers = #tpu.dot_dimension_numbers<[1], [0], [0], [1], [0, 0, 1, 1], [], []>, transpose_lhs_hint = false} : vector<2000x128xf32>, vector<128x512xf32>, vector<2000x512xf32> -> vector<2000x512xf32>
    %swap3A = arith.constant 0 : index
    %swap3A_6 = arith.constant 0 : index
    %swap3A_7 = vector.load %arg4[%swap3A, %swap3A_6] : memref<2000x512xf32, #tpu.memory_space<vmem>>, vector<2000x512xf32>
    tpu.vector_store %arg4[%swap3A, %swap3A_6], %dot_general3A_5 {strides = array<i32>} : memref<2000x512xf32, #tpu.memory_space<vmem>>, vector<2000x512xf32>,
    %get3A_8 = arith.constant 0 : index
    %get3A_9 = arith.constant 0 : index
    %get3A_10 = vector.load %arg3[%get3A_8, %get3A_9] : memref<128x128xf32, #tpu.memory_space<vmem>>, vector<128x128xf32>
    %dot_general3A_11 = arith.constant dense<0.000000e+00> : vector<2000x128xf32>
    %dot_general3A_12 = tpu.matmul %get3A_1, %get3A_10, %dot_general3A_11 {dimension_numbers = #tpu.dot_dimension_numbers<[1], [0], [0], [1], [0, 0, 1, 1], [], []>, transpose_lhs_hint = false} : vector<2000x128xf32>, vector<128x128xf32>, vector<2000x128xf32> -> vector<2000x128xf32>
    %swap3A_13 = arith.constant 0 : index
    %swap3A_14 = arith.constant 0 : index
    %swap3A_15 = vector.load %arg5[%swap3A_13, %swap3A_14] : memref<2000x128xf32, #tpu.memory_space<vmem>>, vector<2000x128xf32>
    tpu.vector_store %arg5[%swap3A_13, %swap3A_14], %dot_general3A_12 {strides = array<i32>} : memref<2000x128xf32, #tpu.memory_space<vmem>>, vector<2000x128xf32>,
    return
  }
  func.func @transform_0(%arg0: i32) -> (i32, i32) {
    %c0_i32 = arith.constant 0 : i32
    %c0_i32_0 = arith.constant 0 : i32
    return %arg0, %c0_i32 : i32, i32
  }
  func.func @transform_1(%arg0: i32) -> (i32, i32) {
    %c0_i32 = arith.constant 0 : i32
    %c0_i32_0 = arith.constant 0 : i32
    %c0_i32_1 = arith.constant 0 : i32
    return %c0_i32, %c0_i32_0 : i32, i32
  }
  func.func @transform_2(%arg0: i32) -> (i32, i32) {
    %c0_i32 = arith.constant 0 : i32
    %c0_i32_0 = arith.constant 0 : i32
    %c0_i32_1 = arith.constant 0 : i32
    return %c0_i32, %c0_i32_0 : i32, i32
  }
  func.func @transform_3(%arg0: i32) -> (i32, i32) {
    %c0_i32 = arith.constant 0 : i32
    %c0_i32_0 = arith.constant 0 : i32
    return %arg0, %c0_i32 : i32, i32
  }
  func.func @transform_4(%arg0: i32) -> (i32, i32) {
    %c0_i32 = arith.constant 0 : i32
    %c0_i32_0 = arith.constant 0 : i32
    return %arg0, %c0_i32 : i32, i32
  }
}

module attributes {stable_mosaic.version = 14 : i64} {
  func.func @_idx_body(%arg0: memref<2500x128xi32, #tpu.memory_space<vmem>>, %arg1: memref<2500x128xf32, #tpu.memory_space<vmem>>, %arg2: memref<2500x128xi32, #tpu.memory_space<vmem>>, %arg3: memref<2500x128xi32, #tpu.memory_space<vmem>>, %arg4: memref<2500x128xf32, #tpu.memory_space<vmem>>, %arg5: memref<2500x128xi32, #tpu.memory_space<vmem>>, %arg6: memref<5120x128xi32, #tpu.memory_space<vmem>>, %arg7: memref<5120x128xi32, #tpu.memory_space<vmem>>) attributes {dimension_semantics = [], scalar_prefetch = 0 : i64, scratch_operands = 0 : i64, tpu.core_type = #tpu.core_type<tc>} {
    %get3A = arith.constant 0 : index
    %get3A_0 = arith.constant 0 : index
    %get3A_1 = vector.load %arg0[%get3A, %get3A_0] : memref<2500x128xi32, #tpu.memory_space<vmem>>, vector<2500x128xi32>
    %mul3A = arith.constant 4 : i32
    %mul3A_2 = vector.broadcast %mul3A : i32 to vector<2500x128xi32>
    %mul3A_3 = arith.muli %get3A_1, %mul3A_2 : vector<2500x128xi32>
    %get3A_4 = arith.constant 0 : index
    %get3A_5 = arith.constant 0 : index
    %get3A_6 = vector.load %arg1[%get3A_4, %get3A_5] : memref<2500x128xf32, #tpu.memory_space<vmem>>, vector<2500x128xf32>
    %lt3A = arith.constant 0.000000e+00 : f32
    %lt3A_7 = vector.broadcast %lt3A : f32 to vector<2500x128xf32>
    %lt3A_8 = arith.cmpf olt, %get3A_6, %lt3A_7 : vector<2500x128xf32>
    %convert_element_type3A = arith.extui %lt3A_8 : vector<2500x128xi1> to vector<2500x128xi32>
    %add3A = arith.addi %mul3A_3, %convert_element_type3A : vector<2500x128xi32>
    %get3A_9 = arith.constant 0 : index
    %get3A_10 = arith.constant 0 : index
    %get3A_11 = vector.load %arg3[%get3A_9, %get3A_10] : memref<2500x128xi32, #tpu.memory_space<vmem>>, vector<2500x128xi32>
    %mul3A_12 = arith.constant 4 : i32
    %mul3A_13 = vector.broadcast %mul3A_12 : i32 to vector<2500x128xi32>
    %mul3A_14 = arith.muli %get3A_11, %mul3A_13 : vector<2500x128xi32>
    %add3A_15 = arith.constant 2 : i32
    %add3A_16 = vector.broadcast %add3A_15 : i32 to vector<2500x128xi32>
    %add3A_17 = arith.addi %mul3A_14, %add3A_16 : vector<2500x128xi32>
    %get3A_18 = arith.constant 0 : index
    %get3A_19 = arith.constant 0 : index
    %get3A_20 = vector.load %arg4[%get3A_18, %get3A_19] : memref<2500x128xf32, #tpu.memory_space<vmem>>, vector<2500x128xf32>
    %lt3A_21 = arith.constant 0.000000e+00 : f32
    %lt3A_22 = vector.broadcast %lt3A_21 : f32 to vector<2500x128xf32>
    %lt3A_23 = arith.cmpf olt, %get3A_20, %lt3A_22 : vector<2500x128xf32>
    %convert_element_type3A_24 = arith.extui %lt3A_23 : vector<2500x128xi1> to vector<2500x128xi32>
    %add3A_25 = arith.addi %add3A_17, %convert_element_type3A_24 : vector<2500x128xi32>
    %broadcast_in_dim3A = arith.constant 0 : i32
    %broadcast_in_dim3A_26 = vector.broadcast %broadcast_in_dim3A : i32 to vector<120x128xi32>
    %concatenate3A = tpu.concatenate %add3A, %add3A_25, %broadcast_in_dim3A_26 in 0 : vector<2500x128xi32>, vector<2500x128xi32>, vector<120x128xi32> -> vector<5120x128xi32>
    %swap3A = arith.constant 0 : index
    %swap3A_27 = arith.constant 0 : index
    %swap3A_28 = vector.load %arg6[%swap3A, %swap3A_27] : memref<5120x128xi32, #tpu.memory_space<vmem>>, vector<5120x128xi32>
    tpu.vector_store %arg6[%swap3A, %swap3A_27], %concatenate3A {strides = array<i32>} : memref<5120x128xi32, #tpu.memory_space<vmem>>, vector<5120x128xi32>,
    %broadcast_in_dim3A_29 = arith.constant 10000 : i32
    %broadcast_in_dim3A_30 = vector.broadcast %broadcast_in_dim3A_29 : i32 to vector<120x128xi32>
    %get3A_31 = arith.constant 0 : index
    %get3A_32 = arith.constant 0 : index
    %get3A_33 = vector.load %arg2[%get3A_31, %get3A_32] : memref<2500x128xi32, #tpu.memory_space<vmem>>, vector<2500x128xi32>
    %get3A_34 = arith.constant 0 : index
    %get3A_35 = arith.constant 0 : index
    %get3A_36 = vector.load %arg5[%get3A_34, %get3A_35] : memref<2500x128xi32, #tpu.memory_space<vmem>>, vector<2500x128xi32>
    %concatenate3A_37 = tpu.concatenate %get3A_33, %get3A_36, %broadcast_in_dim3A_30 in 0 : vector<2500x128xi32>, vector<2500x128xi32>, vector<120x128xi32> -> vector<5120x128xi32>
    %swap3A_38 = arith.constant 0 : index
    %swap3A_39 = arith.constant 0 : index
    %swap3A_40 = vector.load %arg7[%swap3A_38, %swap3A_39] : memref<5120x128xi32, #tpu.memory_space<vmem>>, vector<5120x128xi32>
    tpu.vector_store %arg7[%swap3A_38, %swap3A_39], %concatenate3A_37 {strides = array<i32>} : memref<5120x128xi32, #tpu.memory_space<vmem>>, vector<5120x128xi32>,
    return
  }
}

module attributes {stable_mosaic.version = 14 : i64} {
  func.func @_mm_body3(%arg0: i32, %arg1: memref<2000x128xf32, #tpu.memory_space<vmem>>, %arg2: memref<2000x128xf32, #tpu.memory_space<vmem>>, %arg3: memref<2000x128xf32, #tpu.memory_space<vmem>>, %arg4: memref<128x512xf32, #tpu.memory_space<vmem>>, %arg5: memref<128x128xf32, #tpu.memory_space<vmem>>, %arg6: memref<2000x512xf32, #tpu.memory_space<vmem>>, %arg7: memref<2000x128xf32, #tpu.memory_space<vmem>>) attributes {dimension_semantics = [#tpu.dimension_semantics<arbitrary>], iteration_bounds = array<i64: 5>, scalar_prefetch = 0 : i64, scratch_operands = 0 : i64, tpu.core_type = #tpu.core_type<tc>, window_params = [{transform_indices = @transform_0, window_bounds = array<i64: 2000, 128>}, {transform_indices = @transform_1, window_bounds = array<i64: 2000, 128>}, {transform_indices = @transform_2, window_bounds = array<i64: 2000, 128>}, {pipeline_mode = #tpu.pipeline_mode<synchronous>, transform_indices = @transform_3, window_bounds = array<i64: 128, 512>}, {pipeline_mode = #tpu.pipeline_mode<synchronous>, transform_indices = @transform_4, window_bounds = array<i64: 128, 128>}, {transform_indices = @transform_5, window_bounds = array<i64: 2000, 512>}, {transform_indices = @transform_6, window_bounds = array<i64: 2000, 128>}]} {
    %get3A = arith.constant 0 : index
    %get3A_0 = arith.constant 0 : index
    %get3A_1 = vector.load %arg1[%get3A, %get3A_0] : memref<2000x128xf32, #tpu.memory_space<vmem>>, vector<2000x128xf32>
    %get3A_2 = arith.constant 0 : index
    %get3A_3 = arith.constant 0 : index
    %get3A_4 = vector.load %arg2[%get3A_2, %get3A_3] : memref<2000x128xf32, #tpu.memory_space<vmem>>, vector<2000x128xf32>
    %add3A = arith.addf %get3A_1, %get3A_4 : vector<2000x128xf32>
    %get3A_5 = arith.constant 0 : index
    %get3A_6 = arith.constant 0 : index
    %get3A_7 = vector.load %arg3[%get3A_5, %get3A_6] : memref<2000x128xf32, #tpu.memory_space<vmem>>, vector<2000x128xf32>
    %add3A_8 = arith.addf %add3A, %get3A_7 : vector<2000x128xf32>
    %get3A_9 = arith.constant 0 : index
    %get3A_10 = arith.constant 0 : index
    %get3A_11 = vector.load %arg4[%get3A_9, %get3A_10] : memref<128x512xf32, #tpu.memory_space<vmem>>, vector<128x512xf32>
    %dot_general3A = arith.constant dense<0.000000e+00> : vector<2000x512xf32>
    %dot_general3A_12 = tpu.matmul %add3A_8, %get3A_11, %dot_general3A {dimension_numbers = #tpu.dot_dimension_numbers<[1], [0], [0], [1], [0, 0, 1, 1], [], []>, transpose_lhs_hint = false} : vector<2000x128xf32>, vector<128x512xf32>, vector<2000x512xf32> -> vector<2000x512xf32>
    %swap3A = arith.constant 0 : index
    %swap3A_13 = arith.constant 0 : index
    %swap3A_14 = vector.load %arg6[%swap3A, %swap3A_13] : memref<2000x512xf32, #tpu.memory_space<vmem>>, vector<2000x512xf32>
    tpu.vector_store %arg6[%swap3A, %swap3A_13], %dot_general3A_12 {strides = array<i32>} : memref<2000x512xf32, #tpu.memory_space<vmem>>, vector<2000x512xf32>,
    %get3A_15 = arith.constant 0 : index
    %get3A_16 = arith.constant 0 : index
    %get3A_17 = vector.load %arg5[%get3A_15, %get3A_16] : memref<128x128xf32, #tpu.memory_space<vmem>>, vector<128x128xf32>
    %dot_general3A_18 = arith.constant dense<0.000000e+00> : vector<2000x128xf32>
    %dot_general3A_19 = tpu.matmul %add3A_8, %get3A_17, %dot_general3A_18 {dimension_numbers = #tpu.dot_dimension_numbers<[1], [0], [0], [1], [0, 0, 1, 1], [], []>, transpose_lhs_hint = false} : vector<2000x128xf32>, vector<128x128xf32>, vector<2000x128xf32> -> vector<2000x128xf32>
    %swap3A_20 = arith.constant 0 : index
    %swap3A_21 = arith.constant 0 : index
    %swap3A_22 = vector.load %arg7[%swap3A_20, %swap3A_21] : memref<2000x128xf32, #tpu.memory_space<vmem>>, vector<2000x128xf32>
    tpu.vector_store %arg7[%swap3A_20, %swap3A_21], %dot_general3A_19 {strides = array<i32>} : memref<2000x128xf32, #tpu.memory_space<vmem>>, vector<2000x128xf32>,
    return
  }
  func.func @transform_0(%arg0: i32) -> (i32, i32) {
    %c0_i32 = arith.constant 0 : i32
    %c0_i32_0 = arith.constant 0 : i32
    return %arg0, %c0_i32 : i32, i32
  }
  func.func @transform_1(%arg0: i32) -> (i32, i32) {
    %c0_i32 = arith.constant 0 : i32
    %c0_i32_0 = arith.constant 0 : i32
    return %arg0, %c0_i32 : i32, i32
  }
  func.func @transform_2(%arg0: i32) -> (i32, i32) {
    %c0_i32 = arith.constant 0 : i32
    %c0_i32_0 = arith.constant 0 : i32
    return %arg0, %c0_i32 : i32, i32
  }
  func.func @transform_3(%arg0: i32) -> (i32, i32) {
    %c0_i32 = arith.constant 0 : i32
    %c0_i32_0 = arith.constant 0 : i32
    %c0_i32_1 = arith.constant 0 : i32
    return %c0_i32, %c0_i32_0 : i32, i32
  }
  func.func @transform_4(%arg0: i32) -> (i32, i32) {
    %c0_i32 = arith.constant 0 : i32
    %c0_i32_0 = arith.constant 0 : i32
    %c0_i32_1 = arith.constant 0 : i32
    return %c0_i32, %c0_i32_0 : i32, i32
  }
  func.func @transform_5(%arg0: i32) -> (i32, i32) {
    %c0_i32 = arith.constant 0 : i32
    %c0_i32_0 = arith.constant 0 : i32
    return %arg0, %c0_i32 : i32, i32
  }
  func.func @transform_6(%arg0: i32) -> (i32, i32) {
    %c0_i32 = arith.constant 0 : i32
    %c0_i32_0 = arith.constant 0 : i32
    return %arg0, %c0_i32 : i32, i32
  }
}

module attributes {stable_mosaic.version = 14 : i64} {
  func.func @_pool_body(%arg0: i32, %arg1: memref<2000x128xf32, #tpu.memory_space<vmem>>, %arg2: memref<2000x128xf32, #tpu.memory_space<vmem>>, %arg3: memref<2000x128xf32, #tpu.memory_space<vmem>>, %arg4: memref<2000x1xi32, #tpu.memory_space<vmem>>, %arg5: memref<128x128xf32, #tpu.memory_space<vmem>>, %arg6: memref<1x128xf32, #tpu.memory_space<vmem>>, %arg7: memref<128x128xf32, #tpu.memory_space<vmem>>, %arg8: memref<1x128xf32, #tpu.memory_space<vmem>>, %arg9: memref<8x128xf32, #tpu.memory_space<vmem>>, %arg10: memref<8x128xf32, #tpu.memory_space<vmem>>) attributes {dimension_semantics = [#tpu.dimension_semantics<arbitrary>], iteration_bounds = array<i64: 5>, scalar_prefetch = 0 : i64, scratch_operands = 1 : i64, tpu.core_type = #tpu.core_type<tc>, window_params = [{transform_indices = @transform_0, window_bounds = array<i64: 2000, 128>}, {transform_indices = @transform_1, window_bounds = array<i64: 2000, 128>}, {transform_indices = @transform_2, window_bounds = array<i64: 2000, 128>}, {transform_indices = @transform_3, window_bounds = array<i64: 2000, 1>}, {pipeline_mode = #tpu.pipeline_mode<synchronous>, transform_indices = @transform_4, window_bounds = array<i64: 128, 128>}, {pipeline_mode = #tpu.pipeline_mode<synchronous>, transform_indices = @transform_5, window_bounds = array<i64: 1, 128>}, {pipeline_mode = #tpu.pipeline_mode<synchronous>, transform_indices = @transform_6, window_bounds = array<i64: 128, 128>}, {pipeline_mode = #tpu.pipeline_mode<synchronous>, transform_indices = @transform_7, window_bounds = array<i64: 1, 128>}, {pipeline_mode = #tpu.pipeline_mode<synchronous>, transform_indices = @transform_8, window_bounds = array<i64: 8, 128>}]} {
    %get3A = arith.constant 0 : index
    %get3A_0 = arith.constant 0 : index
    %get3A_1 = vector.load %arg1[%get3A, %get3A_0] : memref<2000x128xf32, #tpu.memory_space<vmem>>, vector<2000x128xf32>
    %get3A_2 = arith.constant 0 : index
    %get3A_3 = arith.constant 0 : index
    %get3A_4 = vector.load %arg2[%get3A_2, %get3A_3] : memref<2000x128xf32, #tpu.memory_space<vmem>>, vector<2000x128xf32>
    %add3A = arith.addf %get3A_1, %get3A_4 : vector<2000x128xf32>
    %get3A_5 = arith.constant 0 : index
    %get3A_6 = arith.constant 0 : index
    %get3A_7 = vector.load %arg3[%get3A_5, %get3A_6] : memref<2000x128xf32, #tpu.memory_space<vmem>>, vector<2000x128xf32>
    %add3A_8 = arith.addf %add3A, %get3A_7 : vector<2000x128xf32>
    %abs3A = math.absf %add3A_8 : vector<2000x128xf32>
    %get3A_9 = arith.constant 0 : index
    %get3A_10 = arith.constant 0 : index
    %get3A_11 = vector.load %arg4[%get3A_9, %get3A_10] : memref<2000x1xi32, #tpu.memory_space<vmem>>, vector<2000x1xi32>
    %iota3A = tpu.iota {dimensions = array<i32: 1>} : vector<1x8xi32>
    %eq3A = vector.broadcast %get3A_11 : vector<2000x1xi32> to vector<2000x8xi32>
    %eq3A_12 = vector.broadcast %iota3A : vector<1x8xi32> to vector<2000x8xi32>
    %eq3A_13 = arith.cmpi eq, %eq3A, %eq3A_12 : vector<2000x8xi32>
    %convert_element_type3A = arith.extui %eq3A_13 : vector<2000x8xi1> to vector<2000x8xi32>
    %convert_element_type3A_14 = arith.sitofp %convert_element_type3A : vector<2000x8xi32> to vector<2000x8xf32>
    %dot_general3A = arith.constant dense<0.000000e+00> : vector<8x128xf32>
    %dot_general3A_15 = tpu.matmul %convert_element_type3A_14, %abs3A, %dot_general3A {dimension_numbers = #tpu.dot_dimension_numbers<[0], [0], [1], [1], [0, 1, 1, 1], [], []>, transpose_lhs_hint = false} : vector<2000x8xf32>, vector<2000x128xf32>, vector<8x128xf32> -> vector<8x128xf32>
    %eq3A_16 = arith.constant 0 : i32
    %eq3A_17 = arith.cmpi eq, %arg0, %eq3A_16 : i32
    %convert_element_type3A_18 = arith.extui %eq3A_17 : i1 to i32
    %cond3A = arith.constant 0 : i32
    %cond3A_19 = arith.cmpi ne, %convert_element_type3A_18, %cond3A : i32
    scf.if %cond3A_19 {
      %swap3A = arith.constant 0 : index
      %swap3A_29 = arith.constant 0 : index
      %swap3A_30 = vector.load %arg10[%swap3A, %swap3A_29] : memref<8x128xf32, #tpu.memory_space<vmem>>, vector<8x128xf32>
      tpu.vector_store %arg10[%swap3A, %swap3A_29], %dot_general3A_15 {strides = array<i32>} : memref<8x128xf32, #tpu.memory_space<vmem>>, vector<8x128xf32>,
    } else {
    }
    %gt3A = arith.constant 0 : i32
    %gt3A_20 = arith.cmpi sgt, %arg0, %gt3A : i32
    %convert_element_type3A_21 = arith.extui %gt3A_20 : i1 to i32
    %cond3A_22 = arith.constant 0 : i32
    %cond3A_23 = arith.cmpi ne, %convert_element_type3A_21, %cond3A_22 : i32
    scf.if %cond3A_23 {
      %get3A_29 = arith.constant 0 : index
      %get3A_30 = arith.constant 0 : index
      %get3A_31 = vector.load %arg10[%get3A_29, %get3A_30] : memref<8x128xf32, #tpu.memory_space<vmem>>, vector<8x128xf32>
      %add3A_32 = arith.addf %get3A_31, %dot_general3A_15 : vector<8x128xf32>
      %swap3A = arith.constant 0 : index
      %swap3A_33 = arith.constant 0 : index
      %swap3A_34 = vector.load %arg10[%swap3A, %swap3A_33] : memref<8x128xf32, #tpu.memory_space<vmem>>, vector<8x128xf32>
      tpu.vector_store %arg10[%swap3A, %swap3A_33], %add3A_32 {strides = array<i32>} : memref<8x128xf32, #tpu.memory_space<vmem>>, vector<8x128xf32>,
    } else {
    }
    %eq3A_24 = arith.constant 4 : i32
    %eq3A_25 = arith.cmpi eq, %arg0, %eq3A_24 : i32
    %convert_element_type3A_26 = arith.extui %eq3A_25 : i1 to i32
    %cond3A_27 = arith.constant 0 : i32
    %cond3A_28 = arith.cmpi ne, %convert_element_type3A_26, %cond3A_27 : i32
    scf.if %cond3A_28 {
      %get3A_29 = arith.constant 0 : index
      %get3A_30 = arith.constant 0 : index
      %get3A_31 = vector.load %arg10[%get3A_29, %get3A_30] : memref<8x128xf32, #tpu.memory_space<vmem>>, vector<8x128xf32>
      %get3A_32 = arith.constant 0 : index
      %get3A_33 = arith.constant 0 : index
      %get3A_34 = vector.load %arg5[%get3A_32, %get3A_33] : memref<128x128xf32, #tpu.memory_space<vmem>>, vector<128x128xf32>
      %dot_general3A_35 = arith.constant dense<0.000000e+00> : vector<8x128xf32>
      %dot_general3A_36 = tpu.matmul %get3A_31, %get3A_34, %dot_general3A_35 {dimension_numbers = #tpu.dot_dimension_numbers<[1], [0], [0], [1], [0, 0, 1, 1], [], []>, transpose_lhs_hint = false} : vector<8x128xf32>, vector<128x128xf32>, vector<8x128xf32> -> vector<8x128xf32>
      %get3A_37 = arith.constant 0 : index
      %get3A_38 = arith.constant 0 : index
      %get3A_39 = vector.load %arg6[%get3A_37, %get3A_38] : memref<1x128xf32, #tpu.memory_space<vmem>>, vector<1x128xf32>
      %add3A_40 = vector.broadcast %get3A_39 : vector<1x128xf32> to vector<8x128xf32>
      %add3A_41 = arith.addf %dot_general3A_36, %add3A_40 : vector<8x128xf32>
      %max3A = arith.constant 0.000000e+00 : f32
      %max3A_42 = vector.broadcast %max3A : f32 to vector<8x128xf32>
      %max3A_43 = arith.maximumf %add3A_41, %max3A_42 : vector<8x128xf32>
      %get3A_44 = arith.constant 0 : index
      %get3A_45 = arith.constant 0 : index
      %get3A_46 = vector.load %arg7[%get3A_44, %get3A_45] : memref<128x128xf32, #tpu.memory_space<vmem>>, vector<128x128xf32>
      %dot_general3A_47 = arith.constant dense<0.000000e+00> : vector<8x128xf32>
      %dot_general3A_48 = tpu.matmul %max3A_43, %get3A_46, %dot_general3A_47 {dimension_numbers = #tpu.dot_dimension_numbers<[1], [0], [0], [1], [0, 0, 1, 1], [], []>, transpose_lhs_hint = false} : vector<8x128xf32>, vector<128x128xf32>, vector<8x128xf32> -> vector<8x128xf32>
      %get3A_49 = arith.constant 0 : index
      %get3A_50 = arith.constant 0 : index
      %get3A_51 = vector.load %arg8[%get3A_49, %get3A_50] : memref<1x128xf32, #tpu.memory_space<vmem>>, vector<1x128xf32>
      %add3A_52 = vector.broadcast %get3A_51 : vector<1x128xf32> to vector<8x128xf32>
      %add3A_53 = arith.addf %dot_general3A_48, %add3A_52 : vector<8x128xf32>
      %swap3A = arith.constant 0 : index
      %swap3A_54 = arith.constant 0 : index
      %swap3A_55 = vector.load %arg9[%swap3A, %swap3A_54] : memref<8x128xf32, #tpu.memory_space<vmem>>, vector<8x128xf32>
      tpu.vector_store %arg9[%swap3A, %swap3A_54], %add3A_53 {strides = array<i32>} : memref<8x128xf32, #tpu.memory_space<vmem>>, vector<8x128xf32>,
    } else {
    }
    return
  }
  func.func @transform_0(%arg0: i32) -> (i32, i32) {
    %c0_i32 = arith.constant 0 : i32
    %c0_i32_0 = arith.constant 0 : i32
    return %arg0, %c0_i32 : i32, i32
  }
  func.func @transform_1(%arg0: i32) -> (i32, i32) {
    %c0_i32 = arith.constant 0 : i32
    %c0_i32_0 = arith.constant 0 : i32
    return %arg0, %c0_i32 : i32, i32
  }
  func.func @transform_2(%arg0: i32) -> (i32, i32) {
    %c0_i32 = arith.constant 0 : i32
    %c0_i32_0 = arith.constant 0 : i32
    return %arg0, %c0_i32 : i32, i32
  }
  func.func @transform_3(%arg0: i32) -> (i32, i32) {
    %c0_i32 = arith.constant 0 : i32
    %c0_i32_0 = arith.constant 0 : i32
    return %arg0, %c0_i32 : i32, i32
  }
  func.func @transform_4(%arg0: i32) -> (i32, i32) {
    %c0_i32 = arith.constant 0 : i32
    %c0_i32_0 = arith.constant 0 : i32
    %c0_i32_1 = arith.constant 0 : i32
    return %c0_i32, %c0_i32_0 : i32, i32
  }
  func.func @transform_5(%arg0: i32) -> (i32, i32) {
    %c0_i32 = arith.constant 0 : i32
    %c0_i32_0 = arith.constant 0 : i32
    %c0_i32_1 = arith.constant 0 : i32
    return %c0_i32, %c0_i32_0 : i32, i32
  }
  func.func @transform_6(%arg0: i32) -> (i32, i32) {
    %c0_i32 = arith.constant 0 : i32
    %c0_i32_0 = arith.constant 0 : i32
    %c0_i32_1 = arith.constant 0 : i32
    return %c0_i32, %c0_i32_0 : i32, i32
  }
  func.func @transform_7(%arg0: i32) -> (i32, i32) {
    %c0_i32 = arith.constant 0 : i32
    %c0_i32_0 = arith.constant 0 : i32
    %c0_i32_1 = arith.constant 0 : i32
    return %c0_i32, %c0_i32_0 : i32, i32
  }
  func.func @transform_8(%arg0: i32) -> (i32, i32) {
    %c0_i32 = arith.constant 0 : i32
    %c0_i32_0 = arith.constant 0 : i32
    %c0_i32_1 = arith.constant 0 : i32
    return %c0_i32, %c0_i32_0 : i32, i32
  }
}

</mosaic_0001>

<sc_bundles>
// kernel: kernel.10.cloned.1.call-start
scs
__scs_entry_jumppad:
0x0: {  	(pc) =	sbr.rel $0x88, $3  }
0x1: {  	(tag) =	ssettag $0x0;
	lr =	simm.s32 $0x1  }
0x2: {  	[smem:$0x3F8E] =	sst lr;
	_ =	strace $0xD0000000  }
0x3: {  	_ = 	snop  }
0x4: {  	_ = 	snop  }
0x5: {  	_ = 	snop  }
0x6: {  	_ = 	snop  }
0x7: {  	_ = 	snop  }
__scs_overlays_trampoline_lowered:
0x8: {  	[smem:$0x3F9D] =	sst s0  }
0x9: {  	[smem:$0x3F9E] =	sst s1  }
0xa: {  	[smem:$0x3F9F] =	sst s2  }
0xb: {  	[smem:$0x3FA0] =	sst s3  }
0xc: {  	[smem:$0x3FA1] =	sst s4  }
0xd: {  	[smem:$0x3FA2] =	sst s5  }
0xe: {  	[smem:$0x3FA3] =	sst s6  }
0xf: {  	[smem:$0x3FA4] =	sst s7  }
0x10: {  	[smem:$0x3FA5] =	sst s8  }
0x11: {  	[smem:$0x3FA6] =	sst s9;
	s0 =	simm.s32 @!p0 $0x0  }
0x12: {  	s1 =	sld [smem:$0x3F8C];
	s0 =	simm.s32 @p0 $0x1  }
0x13: {  	[smem:$0x3FA7] =	sst s0;
	s0 =	simm.s32 @!p1 $0x0  }
0x14: {  	s2 =	sld [smem:$0x3F8B];
	s0 =	simm.s32 @p1 $0x1  }
0x15: {  	[smem:$0x3FA8] =	sst s0;
	s0 =	simm.s32 @!p2 $0x0  }
0x16: {  	s3 =	sld [smem:$0x3FDB];
	s0 =	simm.s32 @p2 $0x1  }
0x17: {  	s4 =	simm.s32 $0x1BF5;
	[smem:$0x3FAA] =	sst s0  }
0x18: {  	s0 =	sld [smem:$0x3F8D];
	_ =	swait.ge [sflag:s4], $0x0  }
0x19: {  	s7 =	sld [smem:$0x3F8E]  }
0x1a: {  	s8 =	sadd.s32 $0xFFFFE003, lr  }
0x1b: {  	s9 =	sadd.s32 $0xFFFFFEF7, lr;
	s5 =	simm.s32 $0xFFFFFFFF;
	p2 =	slt.u32 s8, $0xFFFFF086  }
0x1c: {  	p1 =	slt.u32 s9, $0xF7A;
	s5 =	simm.s32 @!p2 $0x0  }
0x1d: {  	s5 =	simm.s32 @p1 $0x1;
	p0 =	seq.s32 s7, s2  }
0x1e: {  	s7 =	smul.u32 @!p0 $0xF7A, s2;
	p2 =	seq.s32 @!p0 s5, $0x0  }
0x1f: {  	s9 =	smul.u32 $0xF7A, s1;
	s8 =	simm.s32 @!p0 $0x1BF5;
	p2 =	por !p2, p0  }
0x20: {  	[sflag:s8] =	ssyncset.s32 @!p0 $0xFFFFF086;
	s6 =	sadd.s32 @!p0 s3, s7;
	s7 =	simm.s32 @!p0 $0x108  }
0x21: {  	s3 =	sadd.s32 s3, s9;
	s6 =	sadd.s32 @!p0 $0x88, s6;
	s7 =	simm.s32 @p2 $0x1082  }
0x22: {  	[simem:s7], [sflag:s8] =	dma.local @!p0 [hbm:s6], $0xF7A  }
0x23: {  	s9 =	sor.u32 $0xD0000000, s2;
	s6 =	simm.s32 $0x108;
	_ =	swait.ge @!p0 [sflag:s8], $0x0  }
0x24: {  	s3 =	sadd.s32 $0x88, s3;
	s6 =	simm.s32 @!p1 $0x1082;
	[sflag:s4] =	ssyncset.s32 $0xFFFFF086  }
0x25: {  	[simem:s6], [sflag:s4] =	dma.local [hbm:s3], $0xF7A  }
0x26: {  	[smem:$0x3F8E] =	sst s1;
	(tag) =	ssettag s2;
	_ =	strace s9  }
0x27: {  	s1 =	sld [smem:$0x3F9E]  }
0x28: {  	s2 =	sld [smem:$0x3F9F]  }
0x29: {  	s4 =	sld [smem:$0x3FA1]  }
0x2a: {  	p0 =	seq.s32 s5, $0x0;
	s5 =	sld [smem:$0x3FA2]  }
0x2b: {  	s6 =	sld [smem:$0x3FA3]  }
0x2c: {  	s7 =	sld [smem:$0x3FA4]  }
0x2d: {  	s3 =	simm.s32 $0x108;
	s8 =	sld [smem:$0x3FA5]  }
0x2e: {  	s3 =	simm.s32 @!p0 $0x1082;
	s9 =	sld [smem:$0x3FA6]  }
0x2f: {  	lr =	sadd.s32 s0, s3;
	s0 =	sld [smem:$0x3F9D]  }
0x30: {  	s3 =	sld [smem:$0x3FA0]  }
0x31: {  	[smem:$0x3FA9] =	sst s10  }
0x32: {  	s10 =	sld [smem:$0x3FA7];
	_ =	sdelay $0x3  }
0x33: {  	p0 =	seq.s32 s10, $0x1;
	s10 =	sld [smem:$0x3FA9];
	_ =	sdelay $0x3  }
0x34: {  	[smem:$0x3FA9] =	sst s10  }
0x35: {  	s10 =	sld [smem:$0x3FA8];
	_ =	sdelay $0x3  }
0x36: {  	p1 =	seq.s32 s10, $0x1;
	s10 =	sld [smem:$0x3FA9];
	_ =	sdelay $0x3  }
0x37: {  	[smem:$0x3FA9] =	sst s10  }
0x38: {  	s10 =	sld [smem:$0x3FAA]  }
0x39: {  	_ = 	snop;
	(pc) =	sbr.ind lr, $3  }
0x3a: {  	_ = 	snop  }
0x3b: {  	_ = 	snop  }
0x3c: {  	p2 =	seq.s32 s10, $0x1;
	s10 =	sld [smem:$0x3FA9]  }
0x3d: {  	_ =	shalt  }
0x3e: {  	_ =	shalt  }
0x3f: {  	_ =	shalt  }
0x40: {  	_ =	shalt  }
0x41: {  	_ =	shalt  }
0x42: {  	_ =	shalt  }
0x43: {  	_ =	shalt  }
0x44: {  	_ =	shalt  }
0x45: {  	_ =	shalt  }
0x46: {  	_ =	shalt  }
0x47: {  	_ =	shalt  }
0x48: {  	_ =	shalt  }
0x49: {  	_ =	shalt  }
0x4a: {  	_ =	shalt  }
0x4b: {  	_ =	shalt  }
0x4c: {  	_ =	shalt  }
0x4d: {  	_ =	shalt  }
0x4e: {  	_ =	shalt  }
0x4f: {  	_ =	shalt  }
0x50: {  	_ =	shalt  }
0x51: {  	_ =	shalt  }
0x52: {  	_ =	shalt  }
0x53: {  	_ =	shalt  }
0x54: {  	_ =	shalt  }
0x55: {  	_ =	shalt  }
0x56: {  	_ =	shalt  }
0x57: {  	_ =	shalt  }
0x58: {  	_ =	shalt  }
0x59: {  	_ =	shalt  }
0x5a: {  	_ =	shalt  }
0x5b: {  	_ =	shalt  }
0x5c: {  	_ =	shalt  }
0x5d: {  	_ =	shalt  }
0x5e: {  	_ =	shalt  }
0x5f: {  	_ =	shalt  }
0x60: {  	_ =	shalt  }
0x61: {  	_ =	shalt  }
0x62: {  	_ =	shalt  }
0x63: {  	_ =	shalt  }
0x64: {  	_ =	shalt  }
0x65: {  	_ =	shalt  }
0x66: {  	_ =	shalt  }
0x67: {  	_ =	shalt  }
0x68: {  	_ =	shalt  }
0x69: {  	_ =	shalt  }
0x6a: {  	_ =	shalt  }
0x6b: {  	_ =	shalt  }
0x6c: {  	_ =	shalt  }
0x6d: {  	_ =	shalt  }
0x6e: {  	_ =	shalt  }
0x6f: {  	_ =	shalt  }
0x70: {  	_ =	shalt  }
0x71: {  	_ =	shalt  }
0x72: {  	_ =	shalt  }
0x73: {  	_ =	shalt  }
0x74: {  	_ =	shalt  }
0x75: {  	_ =	shalt  }
0x76: {  	_ =	shalt  }
0x77: {  	_ =	shalt  }
0x78: {  	_ =	shalt  }
0x79: {  	_ =	shalt  }
0x7a: {  	_ =	shalt  }
0x7b: {  	_ =	shalt  }
0x7c: {  	_ =	shalt  }
0x7d: {  	_ =	shalt  }
0x7e: {  	_ =	shalt  }
0x7f: {  	_ =	shalt  }
0x80: {  	_ =	shalt  }
0x81: {  	_ =	shalt  }
0x82: {  	_ =	shalt  }
0x83: {  	_ =	shalt  }
0x84: {  	_ =	shalt  }
0x85: {  	_ =	shalt  }
0x86: {  	_ =	shalt  }
0x87: {  	_ =	shalt  }
.Lfunc_end0:
.L_simem_size_0:
called_computation_lowered:
.L_overlay_start_0:
0x88: {  	s2 =	sld [smem:$0x3FD9]  }
0x89: {  	s3 =	sld [smem:$0x3FFE];
	_ =	sdelay $0x1  }
0x8a: {  	s1 =	srdreg.scid  }
0x8b: {  	s0 =	sand.u32 $0x1, s1  }
0x8c: {  	s16 =	sshll.u32 s0, $0xA;
	s2 =	sadd.s32 s3, s2  }
0x8d: {  	s2 =	sadd.s32 s2, s16  }
0x8e: {  	[smem:$0x3FB5] =	sst s2  }
0x8f: {  	_ = 	snop  }
0x90: {  	(tm) =	ssettm $0x1  }
0x91: {  	s17 =	sld [smem:$0x3FFB];
	_ =	sdelay $0x3  }
0x92: {  	_ =	strace s17  }
0x93: {  	s2 =	sld [smem:$0x3FFC];
	_ =	sdelay $0x3  }
0x94: {  	_ =	strace s2  }
0x95: {  	s2 =	sld [smem:$0x3FFD];
	_ =	sdelay $0x3  }
0x96: {  	_ =	strace s2  }
0x97: {  	_ =	strace $0x8FFFFFFF  }
0x98: {  	s18 =	sld [smem:$0x3FDB];
	_ =	sdelay $0x1  }
0x99: {  	s19 =	simm.s32 $_scs_section_size  }
0x9a: {  	s4 =	simm.s32 $_size__tile_overlayer_lowered;
	s5 =	simm.s32 $_tile_overlayer_lowered  }
0x9b: {  	s22 =	simm.s32 $0x1BFF;
	s21 =	sshll.u32 s5, $0x1;
	s2 =	sadd.s32 s19, s18  }
0x9c: {  	s6 =	simm.s32 $0x0;
	s20 =	sshll.u32 s4, $0x1;
	s4 =	sadd.s32 s21, s2  }
0x9d: {  	[timem:s6], [sflag:s22] =	dma.local [hbm:s4], s20  }
0x9e: {  	_ =	swait.ge [sflag:s22], s20  }
0x9f: {  	s3 =	ssub.s32 $0x0, s20;
	[sflag:s22] =	ssyncset.done $0x0  }
0xa0: {  	[sflag:s22] =	ssyncadd.s32 s3;
	_ =	sdelay $0x1  }
0xa1: {  	s23 =	simm.s32 $0x1B8B  }
0xa2: {  	_ =	swait.ge [sflag:s23], $0x1  }
0xa3: {  	[sflag:s23] =	ssyncset.done $0x0  }
0xa4: {  	s25 =	simm.s32 $0x1B8E;
	s24 =	sld [smem:$0x3FFE];
	[sflag:s23] =	ssyncadd.s32 $0xFFFFFFFF  }
0xa5: {  	s26 =	simm.s32 $execute0_lowered;
	[smem:$0x3FD2] =	sst s25  }
0xa6: {  	s4 =	sshll.u32 s26, $0x1;
	_ =	strace $0x80000046;
	[dreg:$0x1] =	wrdreg $0xFFFFFFFF  }
0xa7: {  	s28 =	simm.s32 $_size_execute0_lowered;
	s2 =	sadd.s32 s2, s4;
	[dreg:$0x0] =	wrdreg $0x0  }
0xa8: {  	s4 =	sshll.u32 s28, $0x1;
	[dreg:$0x2] =	wrdreg s2  }
0xa9: {  	[dreg:$0x3] =	wrdreg s4  }
0xaa: {  	[dreg:$0x4] =	wrdreg $0xC0  }
0xab: {  	_ =	task [dreg:s6], $0x5FFFF  }
0xac: {  	[dreg:$0x1] =	wrdreg $0xFFFFFFFF  }
0xad: {  	[dreg:$0x0] =	wrdreg $0x60  }
0xae: {  	[dreg:$0x2] =	wrdreg s24  }
0xaf: {  	[dreg:$0x3] =	wrdreg $0x84000  }
0xb0: {  	[dreg:$0x4] =	wrdreg $0x9  }
0xb1: {  	_ =	task.clear_ibuf [dreg:s6], $0x5FFFF;
	_ =	strace $0x90000046  }
0xb2: {  	s29 =	simm.s32 $0x9;
	_ =	strace $0x80000048  }
0xb3: {  	_ =	swait.ge [sflag:s29], $0x1  }
0xb4: {  	[sflag:s29] =	ssyncadd.s32 $0xFFFFFFFF  }
0xb5: {  	_ =	strace $0x90000048  }
0xb6: {  	_ =	sfence  }
0xb7: {  	s30 =	sld [smem:$0x0];
	_ =	sdelay $0x2  }
0xb8: {  	s31 =	sshll.u32 s1, $0xD;
	s1 =	sshrl.u32 s1, $0x2  }
0xb9: {  	s3 =	sand.u32 $0x4000, s31;
	s1 =	sadd.s32 s1, s30  }
0xba: {  	s0 =	sor.u32 s3, s0;
	s1 =	sshll.u32 s1, $0x11  }
0xbb: {  	s0 =	sor.u32 s1, s0  }
0xbc: {  	s0 =	sadd.s32 $0x8F2B, s0  }
0xbd: {  	[sflag:s0] =	ssyncadd.remote.s32 $0x1  }
0xbe: {  	_ =	sfence.sel $0xFFFF  }
0xbf: {  	[dreg:$0x0] =	wrdreg $0xFFFFFFFF;
	(pc) =	sbr.abs _section_cstart, $3  }
0xc0: {  	[dreg:$0x1] =	wrdreg $0xFFFFFFFF  }
0xc1: {  	_ =	task.clear_ibuf [dreg:s6], $0x2FFFF;
	_ =	strace $0x9FFFFFFF  }
0xc2: {  	(tm) =	ssettm $0x7FFFFFFF  }
0xc3: {  	_ =	shalt  }
tec
execute0_lowered:
.L_overlay_start_1:
0x0: {  	(tag) =	ssettag $0x1  }
0x1: {  	s1 =	srdreg.scid;
	s0 =	rddreg [dreg:$0x0]  }
0x2: {  	s2 =	rddreg [dreg:$0x1];
	s13 =	stileid.u32  }
0x3: {  	s30 =	simm.s32 $0x9;
	s31 =	simm.s32 $0x200;
	s28 =	simm.s32 $0x5  }
0x4: {  	s29 =	simm.s32 $0x6;
	s1 =	sand.u32 $0x1, s1;
	s7 =	smul.u32 $0x13800, s13  }
0x5: {  	s5 =	sadd.s32 $0x16C00, s0;
	s9 =	sadd.s32 $0x13B400, s0;
	s17 =	smul.u32 $0x5000, s13  }
0x6: {  	s6 =	sadd.s32 $0x2C00, s0;
	p0 =	sne.s32 s13, $0xF;
	s15 =	smul.u32 $0x138800, s1  }
0x7: {  	s3 =	sshll.u32 s1, $0x4;
	s8 =	ssub.s32 $0x2, s1;
	s1 =	smul.u32 $0x50000, s1  }
0x8: {  	s4 =	sor.u32 s13, s3;
	s3 =	simm.s32 $0x0;
	s10 =	sshrl.u32 s8, $0x1  }
0x9: {  	s4 =	smul.u32 $0x5000, s4;
	s8 =	ssub.s32 s8, s10;
	s19 =	sadd.s32 s7, s15  }
0xa: {  	s1 =	sadd.s32 s17, s1;
	s21 =	sshrl.u32 s15, $0x3;
	s15 =	smul.u32 $0x4E000, s13  }
0xb: {  	[smem:$0x7FF] =	sst s3;
	s20 =	sshrl.u32 s19, $0x3;
	s22 =	sor.u32 $0x1C0, s1  }
0xc: {  	s24 =	sor.u32 $0x180, s1;
	s26 =	sor.u32 $0x140, s1;
	s1 =	sor.u32 $0x100, s1  }
0xd: {  	s4 =	sshrl.u32 s4, $0x3;
	s23 =	sshrl.u32 s22, $0x3;
	s1 =	sshrl.u32 s1, $0x3  }
0xe: {  	s22 =	sshll.u32 s13, $0x6;
	s13 =	simm.s32 $0x8;
	s11 =	sadd.s32 s5, s4  }
0xf: {  	s12 =	sor.u32 $0x8, s4;
	s25 =	sadd.s32 s23, s6;
	[dreg:$0x3] =	wrdreg s11  }
0x10: {  	s16 =	sor.u32 $0x10, s4;
	s11 =	sadd.s32 s6, s4;
	[dreg:$0xc] =	wrdreg s25  }
0x11: {  	s19 =	sadd.s32 s1, s6;
	s14 =	sadd.s32 s5, s12;
	[dreg:$0x4] =	wrdreg s11  }
0x12: {  	s10 =	sadd.s32 s6, s12;
	s12 =	sadd.s32 s5, s16;
	[dreg:$0x5] =	wrdreg s14  }
0x13: {  	s4 =	sor.u32 $0x18, s4;
	s25 =	smax.u32 s8, $0x1;
	[dreg:$0x6] =	wrdreg s10  }
0x14: {  	s8 =	simm.s32 $0x300;
	[dreg:$0x7] =	wrdreg s12;
	s10 =	sadd.s32 s6, s16  }
0x15: {  	s18 =	sadd.s32 s5, s4;
	s4 =	sadd.s32 s6, s4;
	s14 =	sshrl.u32 s26, $0x3  }
0x16: {  	s16 =	sshrl.u32 s7, $0x3;
	s26 =	sadd.s32 $0x138000, s2;
	[dreg:$0x8] =	wrdreg s10  }
0x17: {  	s7 =	simm.s32 $0x100;
	s11 =	simm.s32 $0x380;
	[dreg:$0x9] =	wrdreg s18  }
0x18: {  	[dreg:$0xa] =	wrdreg s4;
	s4 =	sadd.s32 s9, s20;
	s10 =	sshrl.u32 s24, $0x3  }
0x19: {  	s17 =	sadd.s32 s14, s6;
	s18 =	sadd.s32 s14, s5;
	s20 =	sadd.s32 s1, s5  }
0x1a: {  	s1 =	sadd.s32 s16, s0;
	s24 =	sadd.s32 $0x9F000, s0;
	s0 =	sadd.s32 $0x51C00, s0  }
0x1b: {  	[dreg:$0xb] =	wrdreg s4;
	s4 =	sadd.s32 s9, s21;
	s9 =	sadd.s32 s23, s5  }
0x1c: {  	s14 =	simm.s32 $0x0;
	s12 =	sadd.s32 s10, s6;
	[dreg:$0xd] =	wrdreg s9  }
0x1d: {  	s10 =	sadd.s32 s10, s5;
	s21 =	sshrl.u32 s15, $0x2;
	[dreg:$0xe] =	wrdreg s12  }
0x1e: {  	s1 =	sadd.s32 $0x2AC00, s1;
	[dreg:$0x11] =	wrdreg s10;
	s5 =	sadd.s32 s21, s2  }
0x1f: {  	s15 =	sor.u32 $0x1C09, s22;
	_ =	strace $0x80000047;
	[dreg:$0xf] =	wrdreg s5  }
0x20: {  	s6 =	simm.s32 $0x2400;
	s22 =	simm.s32 $0x2;
	[dreg:$0x10] =	wrdreg s1  }
0x21: {  	s23 =	sadd.s32 $0x27000, s4;
	s4 =	simm.s32 $0x80;
	[dreg:$0x12] =	wrdreg s0  }
.Ltmp0:
0x22: {  	s9 =	simm.s32 $0x4400;
	[dreg:$0x13] =	wrdreg s23;
	(pc) =	sbr.rel .LBB2_1-.Ltmp0, $4  }
0x23: {  	s10 =	simm.s32 $0x180;
	s12 =	simm.s32 $0x6400;
	[dreg:$0x14] =	wrdreg s25  }
0x24: {  	s21 =	simm.s32 $0x1;
	[dreg:$0x15] =	wrdreg s26;
	s0 =	simm.s32 $0x40  }
0x25: {  	s1 =	simm.s32 $0x400;
	s5 =	simm.s32 $0x280;
	s25 =	simm.s32 $0x3  }
0x26: {  	s26 =	simm.s32 $0x4;
	s23 =	simm.s32 $0x7;
	[dreg:$0x16] =	wrdreg s14  }
.LBB2_4:
0x27: {  	_ =	swait.ge [sflag:s29], $0x2000  }
0x28: {  	[sflag:s29] =	ssyncset.done $0x0  }
0x29: {  	[sflag:s29] =	ssyncadd.s32 $0xFFFFE000  }
0x2a: {  	_ =	swait.ge [sflag:s23], $0x2000  }
0x2b: {  	[sflag:s23] =	ssyncset.done $0x0  }
0x2c: {  	[sflag:s23] =	ssyncadd.s32 $0xFFFFE000  }
0x2d: {  	_ =	swait.ge [sflag:s13], $0x2000  }
0x2e: {  	[sflag:s13] =	ssyncset.done $0x0  }
0x2f: {  	[sflag:s13] =	ssyncadd.s32 $0xFFFFE000  }
0x30: {  	[bflag:$0x0] =	sbarrier.arrive $0xFFFF  }
0x31: {  	s14 =	rddreg [dreg:$0xb]  }
0x32: {  	s16 =	rddreg [dreg:$0x17]  }
0x33: {  	[hbm:s14], [sflag:s15] =	dma.local [spmem:s16], $0x2700  }
0x34: {  	_ =	swait.ge [sflag:s30], $0x2700  }
0x35: {  	[sflag:s30] =	ssyncset.done $0x0;
	s14 =	rddreg [dreg:$0x13]  }
0x36: {  	s16 =	rddreg [dreg:$0x18];
	[sflag:s30] =	ssyncadd.s32 $0xFFFFD900  }
0x37: {  	[hbm:s14], [sflag:s15] =	dma.local @!p0 [spmem:s16], $0x100  }
0x38: {  	s16 =	simm.s32 @!p0 $0x9  }
0x39: {  	_ =	swait.ge @!p0 [sflag:s16], $0x100  }
0x3a: {  	s14 =	smov.u32 s17;
	s17 =	rddreg [dreg:$0x16]  }
0x3b: {  	[sflag:s16] =	ssyncset.done @!p0 $0x0;
	s16 =	rddreg [dreg:$0x14];
	s17 =	sadd.s32 $0x1, s17  }
0x3c: {  	p1 =	sne.s32 s17, s16  }
.Ltmp1:
0x3d: {  	_ = 	snop;
	(pc) =	sbr.rel @!p1 .LBB2_5-.Ltmp1, $3  }
0x3e: {  	_ =	sdelay $0x1  }
0x3f: {  	[dreg:$0x16] =	wrdreg s17;
	s17 =	smov.u32 s14;
	s14 =	simm.s32 @!p0 $0x9  }
0x40: {  	[sflag:s14] =	ssyncadd.s32 @!p0 $0xFFFFFF00  }
.LBB2_1:
0x41: {  	s14 =	rddreg [dreg:$0xf]  }
0x42: {  	s16 =	sshrl.u32 s14, $0x3;
	s14 =	rddreg [dreg:$0x10]  }
0x43: {  	[dreg:$0x17] =	wrdreg s16  }
0x44: {  	[spmem:s16], [sflag:s15] =	dma.local [hbm:s14], $0x2700  }
0x45: {  	_ =	swait.ge [sflag:s30], $0x2700  }
0x46: {  	s14 =	rddreg [dreg:$0x15]  }
0x47: {  	[sflag:s30] =	ssyncset.done $0x0;
	s16 =	sshrl.u32 @!p0 s14, $0x3;
	s14 =	rddreg [dreg:$0x12]  }
0x48: {  	[sflag:s30] =	ssyncadd.s32 $0xFFFFD900;
	[dreg:$0x18] =	wrdreg s16  }
0x49: {  	[spmem:s16], [sflag:s15] =	dma.local @!p0 [hbm:s14], $0x100  }
0x4a: {  	s14 =	simm.s32 @!p0 $0x9  }
0x4b: {  	_ =	swait.ge @!p0 [sflag:s14], $0x100  }
0x4c: {  	[sflag:s14] =	ssyncset.done @!p0 $0x0  }
0x4d: {  	[sflag:s14] =	ssyncadd.s32 @!p0 $0xFFFFFF00  }
0x4e: {  	[bflag:$0x0] =	sbarrier.arrive $0xFFFF  }
0x4f: {  	s16 =	rddreg [dreg:$0x3]  }
0x50: {  	[tilespmem:s3], [sflag:$0x9] =	stream.linear.gather [hbm4b:s16+s3], $0x40, $0x38;
	[tilespmem:$0x1BD00] =	vst v63  }
0x51: {  	_ =	swait.ge [sflag:s30], $0x40  }
0x52: {  	[sflag:s30] =	ssyncset.done $0x0  }
0x53: {  	s16 =	rddreg [dreg:$0x4];
	[sflag:s30] =	ssyncadd.s32 $0xFFFFFFC0  }
0x54: {  	[tilespmem:s31], [sflag:$0x9] =	stream.linear.gather [hbm4b:s16+s3], $0x40, $0x38;
	[tilespmem:$0x1BD00] =	vst v63  }
0x55: {  	_ =	swait.ge [sflag:s30], $0x40  }
0x56: {  	[sflag:s30] =	ssyncset.done $0x0  }
0x57: {  	[sflag:s30] =	ssyncadd.s32 $0xFFFFFFC0  }
0x58: {  	[tilespmem:s1], [sflag:$0x1] =	stream.indirect.gather [hbm4b:s24+s0], $0x80, s3, s0, $0xb8;
	[tilespmem:$0x1BD00] =	vst v63  }
0x59: {  	s16 =	rddreg [dreg:$0x5]  }
0x5a: {  	[tilespmem:s4], [sflag:$0x9] =	stream.linear.gather [hbm4b:s16+s3], $0x40, $0x38;
	[tilespmem:$0x1BD00] =	vst v63  }
0x5b: {  	_ =	swait.ge [sflag:s30], $0x40  }
0x5c: {  	[sflag:s30] =	ssyncset.done $0x0  }
0x5d: {  	s16 =	rddreg [dreg:$0x6];
	[sflag:s30] =	ssyncadd.s32 $0xFFFFFFC0  }
0x5e: {  	[tilespmem:s5], [sflag:$0x9] =	stream.linear.gather [hbm4b:s16+s3], $0x40, $0x38;
	[tilespmem:$0x1BD00] =	vst v63  }
0x5f: {  	_ =	swait.ge [sflag:s30], $0x40  }
0x60: {  	[sflag:s30] =	ssyncset.done $0x0  }
0x61: {  	[sflag:s30] =	ssyncadd.s32 $0xFFFFFFC0  }
0x62: {  	[tilespmem:s6], [sflag:$0x2] =	stream.indirect.gather [hbm4b:s24+s0], $0x80, s4, s0, $0xb8;
	[tilespmem:$0x1BD00] =	vst v63  }
0x63: {  	s16 =	rddreg [dreg:$0x7]  }
0x64: {  	[tilespmem:s7], [sflag:$0x9] =	stream.linear.gather [hbm4b:s16+s3], $0x40, $0x38;
	[tilespmem:$0x1BD00] =	vst v63  }
0x65: {  	_ =	swait.ge [sflag:s30], $0x40  }
0x66: {  	[sflag:s30] =	ssyncset.done $0x0  }
0x67: {  	s16 =	rddreg [dreg:$0x8];
	[sflag:s30] =	ssyncadd.s32 $0xFFFFFFC0  }
0x68: {  	[tilespmem:s8], [sflag:$0x9] =	stream.linear.gather [hbm4b:s16+s3], $0x40, $0x38;
	[tilespmem:$0x1BD00] =	vst v63  }
0x69: {  	_ =	swait.ge [sflag:s30], $0x40  }
0x6a: {  	[sflag:s30] =	ssyncset.done $0x0  }
0x6b: {  	[sflag:s30] =	ssyncadd.s32 $0xFFFFFFC0  }
0x6c: {  	[tilespmem:s9], [sflag:$0x3] =	stream.indirect.gather [hbm4b:s24+s0], $0x80, s7, s0, $0xb8;
	[tilespmem:$0x1BD00] =	vst v63  }
0x6d: {  	s16 =	rddreg [dreg:$0x9]  }
0x6e: {  	[tilespmem:s10], [sflag:$0x9] =	stream.linear.gather [hbm4b:s16+s3], $0x40, $0x38;
	[tilespmem:$0x1BD00] =	vst v63  }
0x6f: {  	_ =	swait.ge [sflag:s30], $0x40  }
0x70: {  	[sflag:s30] =	ssyncset.done $0x0  }
0x71: {  	s16 =	rddreg [dreg:$0xa];
	[sflag:s30] =	ssyncadd.s32 $0xFFFFFFC0  }
0x72: {  	[tilespmem:s11], [sflag:$0x9] =	stream.linear.gather [hbm4b:s16+s3], $0x40, $0x38;
	[tilespmem:$0x1BD00] =	vst v63  }
0x73: {  	_ =	swait.ge [sflag:s30], $0x40  }
0x74: {  	[sflag:s30] =	ssyncset.done $0x0  }
0x75: {  	s14 =	simm.s32 $0x0;
	[sflag:s30] =	ssyncadd.s32 $0xFFFFFFC0  }
0x76: {  	[tilespmem:s12], [sflag:$0x4] =	stream.indirect.gather [hbm4b:s24+s0], $0x80, s10, s0, $0xb8;
	[tilespmem:$0x1BD00] =	vst v63  }
.LBB2_2:
0x77: {  	_ =	swait.ge [sflag:s21], $0x2000  }
0x78: {  	[sflag:s21] =	ssyncset.done $0x0  }
0x79: {  	[sflag:s21] =	ssyncadd.s32 $0xFFFFE000  }
0x7a: {  	[spmem:s2] =	stream.indirect.scatter.add.f32 [tilespmem:s1], [sflag:$0x5], $0x80, s31, s0, $0xb8;
	[tilespmem:$0x1BD00] =	vst v63  }
0x7b: {  	_ =	swait.ge [sflag:s22], $0x2000  }
0x7c: {  	[sflag:s22] =	ssyncset.done $0x0  }
0x7d: {  	[sflag:s22] =	ssyncadd.s32 $0xFFFFE000  }
0x7e: {  	[spmem:s2] =	stream.indirect.scatter.add.f32 [tilespmem:s6], [sflag:$0x6], $0x80, s5, s0, $0xb8;
	[tilespmem:$0x1BD00] =	vst v63  }
0x7f: {  	_ =	swait.ge [sflag:s25], $0x2000  }
0x80: {  	[sflag:s25] =	ssyncset.done $0x0  }
0x81: {  	[sflag:s25] =	ssyncadd.s32 $0xFFFFE000  }
0x82: {  	[spmem:s2] =	stream.indirect.scatter.add.f32 [tilespmem:s9], [sflag:$0x7], $0x80, s8, s0, $0xb8;
	[tilespmem:$0x1BD00] =	vst v63  }
0x83: {  	_ =	swait.ge [sflag:s26], $0x2000  }
0x84: {  	p1 =	seq.s32 s14, $0x9E0;
	[sflag:s26] =	ssyncset.done $0x0  }
.Ltmp2:
0x85: {  	[sflag:s26] =	ssyncadd.s32 $0xFFFFE000;
	(pc) =	sbr.rel @p1 .LBB2_4-.Ltmp2, $4  }
0x86: {  	[spmem:s2] =	stream.indirect.scatter.add.f32 [tilespmem:s12], [sflag:$0x8], $0x80, s11, s0, $0xb8;
	[tilespmem:$0x1BD00] =	vst v63  }
0x87: {  	_ =	swait.ge [sflag:s28], $0x2000  }
0x88: {  	[sflag:s28] =	ssyncset.done $0x0  }
0x89: {  	[sflag:s28] =	ssyncadd.s32 $0xFFFFE000  }
0x8a: {  	s16 =	smov.u32 s15;
	s15 =	sadd.s32 s14, s20  }
0x8b: {  	[tilespmem:s3], [sflag:$0x9] =	stream.linear.gather [hbm4b:s15+s3], $0x40, $0x38;
	[tilespmem:$0x1BD00] =	vst v63  }
0x8c: {  	_ =	swait.ge [sflag:s30], $0x40  }
0x8d: {  	[sflag:s30] =	ssyncset.done $0x0  }
0x8e: {  	s15 =	sadd.s32 s14, s19;
	[sflag:s30] =	ssyncadd.s32 $0xFFFFFFC0  }
0x8f: {  	[tilespmem:s31], [sflag:$0x9] =	stream.linear.gather [hbm4b:s15+s3], $0x40, $0x38;
	[tilespmem:$0x1BD00] =	vst v63  }
0x90: {  	_ =	swait.ge [sflag:s30], $0x40  }
0x91: {  	[sflag:s30] =	ssyncset.done $0x0  }
0x92: {  	[sflag:s30] =	ssyncadd.s32 $0xFFFFFFC0  }
0x93: {  	[tilespmem:s1], [sflag:$0x1] =	stream.indirect.gather [hbm4b:s24+s0], $0x80, s3, s0, $0xb8;
	[tilespmem:$0x1BD00] =	vst v63  }
0x94: {  	_ =	swait.ge [sflag:s29], $0x2000  }
0x95: {  	[sflag:s29] =	ssyncset.done $0x0  }
0x96: {  	s15 =	sadd.s32 s14, s18;
	[sflag:s29] =	ssyncadd.s32 $0xFFFFE000  }
0x97: {  	[tilespmem:s4], [sflag:$0x9] =	stream.linear.gather [hbm4b:s15+s3], $0x40, $0x38;
	[tilespmem:$0x1BD00] =	vst v63  }
0x98: {  	_ =	swait.ge [sflag:s30], $0x40  }
0x99: {  	[sflag:s30] =	ssyncset.done $0x0  }
0x9a: {  	s15 =	sadd.s32 s14, s17;
	[sflag:s30] =	ssyncadd.s32 $0xFFFFFFC0  }
0x9b: {  	[tilespmem:s5], [sflag:$0x9] =	stream.linear.gather [hbm4b:s15+s3], $0x40, $0x38;
	[tilespmem:$0x1BD00] =	vst v63  }
0x9c: {  	_ =	swait.ge [sflag:s30], $0x40  }
0x9d: {  	[sflag:s30] =	ssyncset.done $0x0  }
0x9e: {  	[sflag:s30] =	ssyncadd.s32 $0xFFFFFFC0  }
0x9f: {  	[tilespmem:s6], [sflag:$0x2] =	stream.indirect.gather [hbm4b:s24+s0], $0x80, s4, s0, $0xb8;
	[tilespmem:$0x1BD00] =	vst v63  }
0xa0: {  	_ =	swait.ge [sflag:s23], $0x2000  }
0xa1: {  	[sflag:s23] =	ssyncset.done $0x0;
	s15 =	rddreg [dreg:$0x11]  }
0xa2: {  	[sflag:s23] =	ssyncadd.s32 $0xFFFFE000;
	s15 =	sadd.s32 s14, s15  }
0xa3: {  	[tilespmem:s7], [sflag:$0x9] =	stream.linear.gather [hbm4b:s15+s3], $0x40, $0x38;
	[tilespmem:$0x1BD00] =	vst v63  }
0xa4: {  	_ =	swait.ge [sflag:s30], $0x40  }
0xa5: {  	[sflag:s30] =	ssyncset.done $0x0;
	s15 =	rddreg [dreg:$0xe]  }
0xa6: {  	[sflag:s30] =	ssyncadd.s32 $0xFFFFFFC0;
	s15 =	sadd.s32 s14, s15  }
0xa7: {  	[tilespmem:s8], [sflag:$0x9] =	stream.linear.gather [hbm4b:s15+s3], $0x40, $0x38;
	[tilespmem:$0x1BD00] =	vst v63  }
0xa8: {  	_ =	swait.ge [sflag:s30], $0x40  }
0xa9: {  	[sflag:s30] =	ssyncset.done $0x0  }
0xaa: {  	[sflag:s30] =	ssyncadd.s32 $0xFFFFFFC0  }
0xab: {  	[tilespmem:s9], [sflag:$0x3] =	stream.indirect.gather [hbm4b:s24+s0], $0x80, s7, s0, $0xb8;
	[tilespmem:$0x1BD00] =	vst v63  }
0xac: {  	_ =	swait.ge [sflag:s13], $0x2000  }
0xad: {  	[sflag:s13] =	ssyncset.done $0x0;
	s15 =	rddreg [dreg:$0xd]  }
0xae: {  	[sflag:s13] =	ssyncadd.s32 $0xFFFFE000;
	s15 =	sadd.s32 s14, s15  }
0xaf: {  	[tilespmem:s10], [sflag:$0x9] =	stream.linear.gather [hbm4b:s15+s3], $0x40, $0x38;
	[tilespmem:$0x1BD00] =	vst v63  }
0xb0: {  	_ =	swait.ge [sflag:s30], $0x40  }
0xb1: {  	[sflag:s30] =	ssyncset.done $0x0;
	s15 =	rddreg [dreg:$0xc]  }
0xb2: {  	[sflag:s30] =	ssyncadd.s32 $0xFFFFFFC0;
	s15 =	sadd.s32 s14, s15  }
0xb3: {  	[tilespmem:s11], [sflag:$0x9] =	stream.linear.gather [hbm4b:s15+s3], $0x40, $0x38;
	[tilespmem:$0x1BD00] =	vst v63  }
.Ltmp3:
0xb4: {  	_ = 	snop;
	(pc) =	sbr.rel .LBB2_2-.Ltmp3, $4  }
0xb5: {  	_ =	swait.ge [sflag:s30], $0x40  }
0xb6: {  	[sflag:s30] =	ssyncset.done $0x0  }
0xb7: {  	s14 =	sadd.s32 $0x20, s14;
	s15 =	smov.u32 s16;
	[sflag:s30] =	ssyncadd.s32 $0xFFFFFFC0  }
0xb8: {  	[tilespmem:s12], [sflag:$0x4] =	stream.indirect.gather [hbm4b:s24+s0], $0x80, s10, s0, $0xb8;
	[tilespmem:$0x1BD00] =	vst v63  }
.LBB2_5:
0xb9: {  	_ =	sfence.sel $0x180000  }
0xba: {  	[bflag:$0x0] =	sbarrier.arrive $0xFFFF  }
0xbb: {  	_ =	strace $0x90000047  }
0xbc: {  	s0 =	stileid.u32;
	[bflag:$0x2] =	sbarrier.arrive $0xFFFF  }
0xbd: {  	p0 =	sne.s32 s0, $0x0;
	s0 =	rddreg [dreg:$0x2]  }
0xbe: {  	s0 =	sadd.s32 @!p0 $0x100000, s0  }
0xbf: {  	[sflag:s0] =	ssyncadd.tile.s32 @!p0 $0x1;
	_ =	shalt  }
.Lfunc_end2:
_tile_overlayer_lowered:
.L_overlay_start_2:
0xc0: {  	(tag) =	ssettag $0x2  }
0xc1: {  	s0 =	rddreg [dreg:$0x0];
	s2 =	stileid.u32  }
0xc2: {  	s1 =	rddreg [dreg:$0x1];
	p0 =	sne.s32 s2, $0x0  }
0xc3: {  	s3 =	rddreg [dreg:$0x2];
	[bflag:$0x3] =	sbarrier.arrive $0xFFFF;
	s2 =	simm.s32 @!p0 $0x1C09  }
0xc4: {  	[timem:s3], [sflag:s2] =	dma.local @!p0 [hbm:s0], s1  }
0xc5: {  	s0 =	simm.s32 @!p0 $0x9  }
0xc6: {  	_ =	swait.ge @!p0 [sflag:s0], s1  }
0xc7: {  	s1 =	ssub.s32 @!p0 $0x0, s1;
	[sflag:s0] =	ssyncset.done @!p0 $0x0  }
0xc8: {  	[sflag:s0] =	ssyncadd.s32 @!p0 s1  }
0xc9: {  	[bflag:$0x3] =	sbarrier.arrive $0xFFFF  }
0xca: {  	_ =	shalt  }

// kernel: kernel.13.cloned.1.call-start
scs
__scs_entry_jumppad:
0x0: {  	(pc) =	sbr.rel $0x88, $3  }
0x1: {  	(tag) =	ssettag $0x0;
	lr =	simm.s32 $0x1  }
0x2: {  	[smem:$0x3F8E] =	sst lr;
	_ =	strace $0xD0000000  }
0x3: {  	_ = 	snop  }
0x4: {  	_ = 	snop  }
0x5: {  	_ = 	snop  }
0x6: {  	_ = 	snop  }
0x7: {  	_ = 	snop  }
__scs_overlays_trampoline_lowered:
0x8: {  	[smem:$0x3F9D] =	sst s0  }
0x9: {  	[smem:$0x3F9E] =	sst s1  }
0xa: {  	[smem:$0x3F9F] =	sst s2  }
0xb: {  	[smem:$0x3FA0] =	sst s3  }
0xc: {  	[smem:$0x3FA1] =	sst s4  }
0xd: {  	[smem:$0x3FA2] =	sst s5  }
0xe: {  	[smem:$0x3FA3] =	sst s6  }
0xf: {  	[smem:$0x3FA4] =	sst s7  }
0x10: {  	[smem:$0x3FA5] =	sst s8  }
0x11: {  	[smem:$0x3FA6] =	sst s9;
	s0 =	simm.s32 @!p0 $0x0  }
0x12: {  	s1 =	sld [smem:$0x3F8C];
	s0 =	simm.s32 @p0 $0x1  }
0x13: {  	[smem:$0x3FA7] =	sst s0;
	s0 =	simm.s32 @!p1 $0x0  }
0x14: {  	s2 =	sld [smem:$0x3F8B];
	s0 =	simm.s32 @p1 $0x1  }
0x15: {  	[smem:$0x3FA8] =	sst s0;
	s0 =	simm.s32 @!p2 $0x0  }
0x16: {  	s3 =	sld [smem:$0x3FDB];
	s0 =	simm.s32 @p2 $0x1  }
0x17: {  	s4 =	simm.s32 $0x1BF5;
	[smem:$0x3FAA] =	sst s0  }
0x18: {  	s0 =	sld [smem:$0x3F8D];
	_ =	swait.ge [sflag:s4], $0x0  }
0x19: {  	s7 =	sld [smem:$0x3F8E]  }
0x1a: {  	s8 =	sadd.s32 $0xFFFFE003, lr  }
0x1b: {  	s9 =	sadd.s32 $0xFFFFFEF7, lr;
	s5 =	simm.s32 $0xFFFFFFFF;
	p2 =	slt.u32 s8, $0xFFFFF086  }
0x1c: {  	p1 =	slt.u32 s9, $0xF7A;
	s5 =	simm.s32 @!p2 $0x0  }
0x1d: {  	s5 =	simm.s32 @p1 $0x1;
	p0 =	seq.s32 s7, s2  }
0x1e: {  	s7 =	smul.u32 @!p0 $0xF7A, s2;
	p2 =	seq.s32 @!p0 s5, $0x0  }
0x1f: {  	s9 =	smul.u32 $0xF7A, s1;
	s8 =	simm.s32 @!p0 $0x1BF5;
	p2 =	por !p2, p0  }
0x20: {  	[sflag:s8] =	ssyncset.s32 @!p0 $0xFFFFF086;
	s6 =	sadd.s32 @!p0 s3, s7;
	s7 =	simm.s32 @!p0 $0x108  }
0x21: {  	s3 =	sadd.s32 s3, s9;
	s6 =	sadd.s32 @!p0 $0x88, s6;
	s7 =	simm.s32 @p2 $0x1082  }
0x22: {  	[simem:s7], [sflag:s8] =	dma.local @!p0 [hbm:s6], $0xF7A  }
0x23: {  	s9 =	sor.u32 $0xD0000000, s2;
	s6 =	simm.s32 $0x108;
	_ =	swait.ge @!p0 [sflag:s8], $0x0  }
0x24: {  	s3 =	sadd.s32 $0x88, s3;
	s6 =	simm.s32 @!p1 $0x1082;
	[sflag:s4] =	ssyncset.s32 $0xFFFFF086  }
0x25: {  	[simem:s6], [sflag:s4] =	dma.local [hbm:s3], $0xF7A  }
0x26: {  	[smem:$0x3F8E] =	sst s1;
	(tag) =	ssettag s2;
	_ =	strace s9  }
0x27: {  	s1 =	sld [smem:$0x3F9E]  }
0x28: {  	s2 =	sld [smem:$0x3F9F]  }
0x29: {  	s4 =	sld [smem:$0x3FA1]  }
0x2a: {  	p0 =	seq.s32 s5, $0x0;
	s5 =	sld [smem:$0x3FA2]  }
0x2b: {  	s6 =	sld [smem:$0x3FA3]  }
0x2c: {  	s7 =	sld [smem:$0x3FA4]  }
0x2d: {  	s3 =	simm.s32 $0x108;
	s8 =	sld [smem:$0x3FA5]  }
0x2e: {  	s3 =	simm.s32 @!p0 $0x1082;
	s9 =	sld [smem:$0x3FA6]  }
0x2f: {  	lr =	sadd.s32 s0, s3;
	s0 =	sld [smem:$0x3F9D]  }
0x30: {  	s3 =	sld [smem:$0x3FA0]  }
0x31: {  	[smem:$0x3FA9] =	sst s10  }
0x32: {  	s10 =	sld [smem:$0x3FA7];
	_ =	sdelay $0x3  }
0x33: {  	p0 =	seq.s32 s10, $0x1;
	s10 =	sld [smem:$0x3FA9];
	_ =	sdelay $0x3  }
0x34: {  	[smem:$0x3FA9] =	sst s10  }
0x35: {  	s10 =	sld [smem:$0x3FA8];
	_ =	sdelay $0x3  }
0x36: {  	p1 =	seq.s32 s10, $0x1;
	s10 =	sld [smem:$0x3FA9];
	_ =	sdelay $0x3  }
0x37: {  	[smem:$0x3FA9] =	sst s10  }
0x38: {  	s10 =	sld [smem:$0x3FAA]  }
0x39: {  	_ = 	snop;
	(pc) =	sbr.ind lr, $3  }
0x3a: {  	_ = 	snop  }
0x3b: {  	_ = 	snop  }
0x3c: {  	p2 =	seq.s32 s10, $0x1;
	s10 =	sld [smem:$0x3FA9]  }
0x3d: {  	_ =	shalt  }
0x3e: {  	_ =	shalt  }
0x3f: {  	_ =	shalt  }
0x40: {  	_ =	shalt  }
0x41: {  	_ =	shalt  }
0x42: {  	_ =	shalt  }
0x43: {  	_ =	shalt  }
0x44: {  	_ =	shalt  }
0x45: {  	_ =	shalt  }
0x46: {  	_ =	shalt  }
0x47: {  	_ =	shalt  }
0x48: {  	_ =	shalt  }
0x49: {  	_ =	shalt  }
0x4a: {  	_ =	shalt  }
0x4b: {  	_ =	shalt  }
0x4c: {  	_ =	shalt  }
0x4d: {  	_ =	shalt  }
0x4e: {  	_ =	shalt  }
0x4f: {  	_ =	shalt  }
0x50: {  	_ =	shalt  }
0x51: {  	_ =	shalt  }
0x52: {  	_ =	shalt  }
0x53: {  	_ =	shalt  }
0x54: {  	_ =	shalt  }
0x55: {  	_ =	shalt  }
0x56: {  	_ =	shalt  }
0x57: {  	_ =	shalt  }
0x58: {  	_ =	shalt  }
0x59: {  	_ =	shalt  }
0x5a: {  	_ =	shalt  }
0x5b: {  	_ =	shalt  }
0x5c: {  	_ =	shalt  }
0x5d: {  	_ =	shalt  }
0x5e: {  	_ =	shalt  }
0x5f: {  	_ =	shalt  }
0x60: {  	_ =	shalt  }
0x61: {  	_ =	shalt  }
0x62: {  	_ =	shalt  }
0x63: {  	_ =	shalt  }
0x64: {  	_ =	shalt  }
0x65: {  	_ =	shalt  }
0x66: {  	_ =	shalt  }
0x67: {  	_ =	shalt  }
0x68: {  	_ =	shalt  }
0x69: {  	_ =	shalt  }
0x6a: {  	_ =	shalt  }
0x6b: {  	_ =	shalt  }
0x6c: {  	_ =	shalt  }
0x6d: {  	_ =	shalt  }
0x6e: {  	_ =	shalt  }
0x6f: {  	_ =	shalt  }
0x70: {  	_ =	shalt  }
0x71: {  	_ =	shalt  }
0x72: {  	_ =	shalt  }
0x73: {  	_ =	shalt  }
0x74: {  	_ =	shalt  }
0x75: {  	_ =	shalt  }
0x76: {  	_ =	shalt  }
0x77: {  	_ =	shalt  }
0x78: {  	_ =	shalt  }
0x79: {  	_ =	shalt  }
0x7a: {  	_ =	shalt  }
0x7b: {  	_ =	shalt  }
0x7c: {  	_ =	shalt  }
0x7d: {  	_ =	shalt  }
0x7e: {  	_ =	shalt  }
0x7f: {  	_ =	shalt  }
0x80: {  	_ =	shalt  }
0x81: {  	_ =	shalt  }
0x82: {  	_ =	shalt  }
0x83: {  	_ =	shalt  }
0x84: {  	_ =	shalt  }
0x85: {  	_ =	shalt  }
0x86: {  	_ =	shalt  }
0x87: {  	_ =	shalt  }
.Lfunc_end0:
.L_simem_size_0:
called_computation.1_lowered:
.L_overlay_start_0:
0x88: {  	s2 =	sld [smem:$0x3FD9]  }
0x89: {  	s3 =	sld [smem:$0x3FFE];
	_ =	sdelay $0x1  }
0x8a: {  	s1 =	srdreg.scid  }
0x8b: {  	s0 =	sand.u32 $0x1, s1  }
0x8c: {  	s16 =	sshll.u32 s0, $0xA;
	s2 =	sadd.s32 s3, s2  }
0x8d: {  	s2 =	sadd.s32 s2, s16  }
0x8e: {  	[smem:$0x3FB5] =	sst s2  }
0x8f: {  	_ = 	snop  }
0x90: {  	(tm) =	ssettm $0x1  }
0x91: {  	s17 =	sld [smem:$0x3FFB];
	_ =	sdelay $0x3  }
0x92: {  	_ =	strace s17  }
0x93: {  	s2 =	sld [smem:$0x3FFC];
	_ =	sdelay $0x3  }
0x94: {  	_ =	strace s2  }
0x95: {  	s2 =	sld [smem:$0x3FFD];
	_ =	sdelay $0x3  }
0x96: {  	_ =	strace s2  }
0x97: {  	_ =	strace $0x8FFFFFFF  }
0x98: {  	s18 =	sld [smem:$0x3FDB];
	_ =	sdelay $0x1  }
0x99: {  	s19 =	simm.s32 $_scs_section_size  }
0x9a: {  	s4 =	simm.s32 $_size__tile_overlayer_lowered;
	s5 =	simm.s32 $_tile_overlayer_lowered  }
0x9b: {  	s22 =	simm.s32 $0x1BFF;
	s21 =	sshll.u32 s5, $0x1;
	s2 =	sadd.s32 s19, s18  }
0x9c: {  	s6 =	simm.s32 $0x0;
	s20 =	sshll.u32 s4, $0x1;
	s4 =	sadd.s32 s21, s2  }
0x9d: {  	[timem:s6], [sflag:s22] =	dma.local [hbm:s4], s20  }
0x9e: {  	_ =	swait.ge [sflag:s22], s20  }
0x9f: {  	s3 =	ssub.s32 $0x0, s20;
	[sflag:s22] =	ssyncset.done $0x0  }
0xa0: {  	[sflag:s22] =	ssyncadd.s32 s3;
	_ =	sdelay $0x1  }
0xa1: {  	s23 =	simm.s32 $0x1B8B  }
0xa2: {  	_ =	swait.ge [sflag:s23], $0x1  }
0xa3: {  	[sflag:s23] =	ssyncset.done $0x0  }
0xa4: {  	s25 =	simm.s32 $0x1B8E;
	s24 =	sld [smem:$0x3FFE];
	[sflag:s23] =	ssyncadd.s32 $0xFFFFFFFF  }
0xa5: {  	s26 =	simm.s32 $execute0_lowered;
	[smem:$0x3FD2] =	sst s25  }
0xa6: {  	s4 =	sshll.u32 s26, $0x1;
	_ =	strace $0x80000049;
	[dreg:$0x1] =	wrdreg $0xFFFFFFFF  }
0xa7: {  	s28 =	simm.s32 $_size_execute0_lowered;
	s2 =	sadd.s32 s2, s4;
	[dreg:$0x0] =	wrdreg $0x0  }
0xa8: {  	s4 =	sshll.u32 s28, $0x1;
	[dreg:$0x2] =	wrdreg s2  }
0xa9: {  	[dreg:$0x3] =	wrdreg s4  }
0xaa: {  	[dreg:$0x4] =	wrdreg $0xC0  }
0xab: {  	_ =	task [dreg:s6], $0x5FFFF  }
0xac: {  	[dreg:$0x1] =	wrdreg $0xFFFFFFFF  }
0xad: {  	[dreg:$0x0] =	wrdreg $0x60  }
0xae: {  	[dreg:$0x2] =	wrdreg s24  }
0xaf: {  	[dreg:$0x3] =	wrdreg $0x84000  }
0xb0: {  	[dreg:$0x4] =	wrdreg $0x9  }
0xb1: {  	_ =	task.clear_ibuf [dreg:s6], $0x5FFFF;
	_ =	strace $0x90000049  }
0xb2: {  	s29 =	simm.s32 $0x9;
	_ =	strace $0x8000004B  }
0xb3: {  	_ =	swait.ge [sflag:s29], $0x1  }
0xb4: {  	[sflag:s29] =	ssyncadd.s32 $0xFFFFFFFF  }
0xb5: {  	_ =	strace $0x9000004B  }
0xb6: {  	_ =	sfence  }
0xb7: {  	s30 =	sld [smem:$0x0];
	_ =	sdelay $0x2  }
0xb8: {  	s31 =	sshll.u32 s1, $0xD;
	s1 =	sshrl.u32 s1, $0x2  }
0xb9: {  	s3 =	sand.u32 $0x4000, s31;
	s1 =	sadd.s32 s1, s30  }
0xba: {  	s0 =	sor.u32 s3, s0;
	s1 =	sshll.u32 s1, $0x11  }
0xbb: {  	s0 =	sor.u32 s1, s0  }
0xbc: {  	s0 =	sadd.s32 $0x8F2B, s0  }
0xbd: {  	[sflag:s0] =	ssyncadd.remote.s32 $0x1  }
0xbe: {  	_ =	sfence.sel $0xFFFF  }
0xbf: {  	[dreg:$0x0] =	wrdreg $0xFFFFFFFF;
	(pc) =	sbr.abs _section_cstart, $3  }
0xc0: {  	[dreg:$0x1] =	wrdreg $0xFFFFFFFF  }
0xc1: {  	_ =	task.clear_ibuf [dreg:s6], $0x2FFFF;
	_ =	strace $0x9FFFFFFF  }
0xc2: {  	(tm) =	ssettm $0x7FFFFFFF  }
0xc3: {  	_ =	shalt  }
tec
execute0_lowered:
.L_overlay_start_1:
0x0: {  	(tag) =	ssettag $0x1  }
0x1: {  	s1 =	srdreg.scid;
	s0 =	rddreg [dreg:$0x0]  }
0x2: {  	s2 =	rddreg [dreg:$0x1];
	s13 =	stileid.u32  }
0x3: {  	s30 =	simm.s32 $0x9;
	s31 =	simm.s32 $0x200;
	s28 =	simm.s32 $0x5  }
0x4: {  	s29 =	simm.s32 $0x6;
	s1 =	sand.u32 $0x1, s1;
	s7 =	smul.u32 $0x13800, s13  }
0x5: {  	s5 =	sadd.s32 $0x16C00, s0;
	s6 =	sadd.s32 $0x2C00, s0;
	s17 =	smul.u32 $0x5000, s13  }
0x6: {  	s9 =	sadd.s32 $0x51E00, s0;
	p0 =	sne.s32 s13, $0xF;
	s15 =	smul.u32 $0x138800, s1  }
0x7: {  	s3 =	sshll.u32 s1, $0x4;
	s8 =	ssub.s32 $0x2, s1;
	s1 =	smul.u32 $0x50000, s1  }
0x8: {  	s4 =	sor.u32 s13, s3;
	s3 =	simm.s32 $0x0;
	s10 =	sshrl.u32 s8, $0x1  }
0x9: {  	s4 =	smul.u32 $0x5000, s4;
	s8 =	ssub.s32 s8, s10;
	s19 =	sadd.s32 s7, s15  }
0xa: {  	s1 =	sadd.s32 s17, s1;
	s21 =	sshrl.u32 s15, $0x3;
	s15 =	smul.u32 $0x4E000, s13  }
0xb: {  	[smem:$0x7FF] =	sst s3;
	s20 =	sshrl.u32 s19, $0x3;
	s22 =	sor.u32 $0x1C0, s1  }
0xc: {  	s24 =	sor.u32 $0x180, s1;
	s26 =	sor.u32 $0x140, s1;
	s1 =	sor.u32 $0x100, s1  }
0xd: {  	s4 =	sshrl.u32 s4, $0x3;
	s23 =	sshrl.u32 s22, $0x3;
	s1 =	sshrl.u32 s1, $0x3  }
0xe: {  	s22 =	sshll.u32 s13, $0x6;
	s13 =	simm.s32 $0x8;
	s11 =	sadd.s32 s5, s4  }
0xf: {  	s12 =	sor.u32 $0x8, s4;
	s25 =	sadd.s32 s23, s6;
	[dreg:$0x3] =	wrdreg s11  }
0x10: {  	s16 =	sor.u32 $0x10, s4;
	s11 =	sadd.s32 s6, s4;
	[dreg:$0xc] =	wrdreg s25  }
0x11: {  	s19 =	sadd.s32 s1, s6;
	s14 =	sadd.s32 s5, s12;
	[dreg:$0x4] =	wrdreg s11  }
0x12: {  	s10 =	sadd.s32 s6, s12;
	s12 =	sadd.s32 s5, s16;
	[dreg:$0x5] =	wrdreg s14  }
0x13: {  	s4 =	sor.u32 $0x18, s4;
	s25 =	smax.u32 s8, $0x1;
	[dreg:$0x6] =	wrdreg s10  }
0x14: {  	s8 =	simm.s32 $0x300;
	[dreg:$0x7] =	wrdreg s12;
	s10 =	sadd.s32 s6, s16  }
0x15: {  	s18 =	sadd.s32 s5, s4;
	s4 =	sadd.s32 s6, s4;
	s14 =	sshrl.u32 s26, $0x3  }
0x16: {  	s16 =	sshrl.u32 s7, $0x3;
	s26 =	sadd.s32 $0x138000, s2;
	[dreg:$0x8] =	wrdreg s10  }
0x17: {  	s7 =	simm.s32 $0x100;
	s11 =	simm.s32 $0x380;
	[dreg:$0x9] =	wrdreg s18  }
0x18: {  	[dreg:$0xa] =	wrdreg s4;
	s4 =	sadd.s32 s9, s20;
	s10 =	sshrl.u32 s24, $0x3  }
0x19: {  	s17 =	sadd.s32 s14, s6;
	s18 =	sadd.s32 s14, s5;
	s20 =	sadd.s32 s1, s5  }
0x1a: {  	s1 =	sadd.s32 s16, s0;
	s24 =	sadd.s32 $0xEE200, s0;
	s0 =	sadd.s32 $0x51C00, s0  }
0x1b: {  	[dreg:$0xb] =	wrdreg s4;
	s4 =	sadd.s32 s9, s21;
	s9 =	sadd.s32 s23, s5  }
0x1c: {  	s14 =	simm.s32 $0x0;
	s12 =	sadd.s32 s10, s6;
	[dreg:$0xd] =	wrdreg s9  }
0x1d: {  	s10 =	sadd.s32 s10, s5;
	s21 =	sshrl.u32 s15, $0x2;
	[dreg:$0xe] =	wrdreg s12  }
0x1e: {  	s1 =	sadd.s32 $0x2AC00, s1;
	[dreg:$0x11] =	wrdreg s10;
	s5 =	sadd.s32 s21, s2  }
0x1f: {  	s15 =	sor.u32 $0x1C09, s22;
	_ =	strace $0x8000004A;
	[dreg:$0xf] =	wrdreg s5  }
0x20: {  	s6 =	simm.s32 $0x2400;
	s22 =	simm.s32 $0x2;
	[dreg:$0x10] =	wrdreg s1  }
0x21: {  	s23 =	sadd.s32 $0x27000, s4;
	s4 =	simm.s32 $0x80;
	[dreg:$0x12] =	wrdreg s0  }
.Ltmp0:
0x22: {  	s9 =	simm.s32 $0x4400;
	[dreg:$0x13] =	wrdreg s23;
	(pc) =	sbr.rel .LBB2_1-.Ltmp0, $4  }
0x23: {  	s10 =	simm.s32 $0x180;
	s12 =	simm.s32 $0x6400;
	[dreg:$0x14] =	wrdreg s25  }
0x24: {  	s21 =	simm.s32 $0x1;
	[dreg:$0x15] =	wrdreg s26;
	s0 =	simm.s32 $0x40  }
0x25: {  	s1 =	simm.s32 $0x400;
	s5 =	simm.s32 $0x280;
	s25 =	simm.s32 $0x3  }
0x26: {  	s26 =	simm.s32 $0x4;
	s23 =	simm.s32 $0x7;
	[dreg:$0x16] =	wrdreg s14  }
.LBB2_4:
0x27: {  	_ =	swait.ge [sflag:s29], $0x2000  }
0x28: {  	[sflag:s29] =	ssyncset.done $0x0  }
0x29: {  	[sflag:s29] =	ssyncadd.s32 $0xFFFFE000  }
0x2a: {  	_ =	swait.ge [sflag:s23], $0x2000  }
0x2b: {  	[sflag:s23] =	ssyncset.done $0x0  }
0x2c: {  	[sflag:s23] =	ssyncadd.s32 $0xFFFFE000  }
0x2d: {  	_ =	swait.ge [sflag:s13], $0x2000  }
0x2e: {  	[sflag:s13] =	ssyncset.done $0x0  }
0x2f: {  	[sflag:s13] =	ssyncadd.s32 $0xFFFFE000  }
0x30: {  	[bflag:$0x0] =	sbarrier.arrive $0xFFFF  }
0x31: {  	s14 =	rddreg [dreg:$0xb]  }
0x32: {  	s16 =	rddreg [dreg:$0x17]  }
0x33: {  	[hbm:s14], [sflag:s15] =	dma.local [spmem:s16], $0x2700  }
0x34: {  	_ =	swait.ge [sflag:s30], $0x2700  }
0x35: {  	[sflag:s30] =	ssyncset.done $0x0;
	s14 =	rddreg [dreg:$0x13]  }
0x36: {  	s16 =	rddreg [dreg:$0x18];
	[sflag:s30] =	ssyncadd.s32 $0xFFFFD900  }
0x37: {  	[hbm:s14], [sflag:s15] =	dma.local @!p0 [spmem:s16], $0x100  }
0x38: {  	s16 =	simm.s32 @!p0 $0x9  }
0x39: {  	_ =	swait.ge @!p0 [sflag:s16], $0x100  }
0x3a: {  	s14 =	smov.u32 s17;
	s17 =	rddreg [dreg:$0x16]  }
0x3b: {  	[sflag:s16] =	ssyncset.done @!p0 $0x0;
	s16 =	rddreg [dreg:$0x14];
	s17 =	sadd.s32 $0x1, s17  }
0x3c: {  	p1 =	sne.s32 s17, s16  }
.Ltmp1:
0x3d: {  	_ = 	snop;
	(pc) =	sbr.rel @!p1 .LBB2_5-.Ltmp1, $3  }
0x3e: {  	_ =	sdelay $0x1  }
0x3f: {  	[dreg:$0x16] =	wrdreg s17;
	s17 =	smov.u32 s14;
	s14 =	simm.s32 @!p0 $0x9  }
0x40: {  	[sflag:s14] =	ssyncadd.s32 @!p0 $0xFFFFFF00  }
.LBB2_1:
0x41: {  	s14 =	rddreg [dreg:$0xf]  }
0x42: {  	s16 =	sshrl.u32 s14, $0x3;
	s14 =	rddreg [dreg:$0x10]  }
0x43: {  	[dreg:$0x17] =	wrdreg s16  }
0x44: {  	[spmem:s16], [sflag:s15] =	dma.local [hbm:s14], $0x2700  }
0x45: {  	_ =	swait.ge [sflag:s30], $0x2700  }
0x46: {  	s14 =	rddreg [dreg:$0x15]  }
0x47: {  	[sflag:s30] =	ssyncset.done $0x0;
	s16 =	sshrl.u32 @!p0 s14, $0x3;
	s14 =	rddreg [dreg:$0x12]  }
0x48: {  	[sflag:s30] =	ssyncadd.s32 $0xFFFFD900;
	[dreg:$0x18] =	wrdreg s16  }
0x49: {  	[spmem:s16], [sflag:s15] =	dma.local @!p0 [hbm:s14], $0x100  }
0x4a: {  	s14 =	simm.s32 @!p0 $0x9  }
0x4b: {  	_ =	swait.ge @!p0 [sflag:s14], $0x100  }
0x4c: {  	[sflag:s14] =	ssyncset.done @!p0 $0x0  }
0x4d: {  	[sflag:s14] =	ssyncadd.s32 @!p0 $0xFFFFFF00  }
0x4e: {  	[bflag:$0x0] =	sbarrier.arrive $0xFFFF  }
0x4f: {  	s16 =	rddreg [dreg:$0x3]  }
0x50: {  	[tilespmem:s3], [sflag:$0x9] =	stream.linear.gather [hbm4b:s16+s3], $0x40, $0x38;
	[tilespmem:$0x1BD00] =	vst v63  }
0x51: {  	_ =	swait.ge [sflag:s30], $0x40  }
0x52: {  	[sflag:s30] =	ssyncset.done $0x0  }
0x53: {  	s16 =	rddreg [dreg:$0x4];
	[sflag:s30] =	ssyncadd.s32 $0xFFFFFFC0  }
0x54: {  	[tilespmem:s31], [sflag:$0x9] =	stream.linear.gather [hbm4b:s16+s3], $0x40, $0x38;
	[tilespmem:$0x1BD00] =	vst v63  }
0x55: {  	_ =	swait.ge [sflag:s30], $0x40  }
0x56: {  	[sflag:s30] =	ssyncset.done $0x0  }
0x57: {  	[sflag:s30] =	ssyncadd.s32 $0xFFFFFFC0  }
0x58: {  	[tilespmem:s1], [sflag:$0x1] =	stream.indirect.gather [hbm4b:s24+s0], $0x80, s3, s0, $0xb8;
	[tilespmem:$0x1BD00] =	vst v63  }
0x59: {  	s16 =	rddreg [dreg:$0x5]  }
0x5a: {  	[tilespmem:s4], [sflag:$0x9] =	stream.linear.gather [hbm4b:s16+s3], $0x40, $0x38;
	[tilespmem:$0x1BD00] =	vst v63  }
0x5b: {  	_ =	swait.ge [sflag:s30], $0x40  }
0x5c: {  	[sflag:s30] =	ssyncset.done $0x0  }
0x5d: {  	s16 =	rddreg [dreg:$0x6];
	[sflag:s30] =	ssyncadd.s32 $0xFFFFFFC0  }
0x5e: {  	[tilespmem:s5], [sflag:$0x9] =	stream.linear.gather [hbm4b:s16+s3], $0x40, $0x38;
	[tilespmem:$0x1BD00] =	vst v63  }
0x5f: {  	_ =	swait.ge [sflag:s30], $0x40  }
0x60: {  	[sflag:s30] =	ssyncset.done $0x0  }
0x61: {  	[sflag:s30] =	ssyncadd.s32 $0xFFFFFFC0  }
0x62: {  	[tilespmem:s6], [sflag:$0x2] =	stream.indirect.gather [hbm4b:s24+s0], $0x80, s4, s0, $0xb8;
	[tilespmem:$0x1BD00] =	vst v63  }
0x63: {  	s16 =	rddreg [dreg:$0x7]  }
0x64: {  	[tilespmem:s7], [sflag:$0x9] =	stream.linear.gather [hbm4b:s16+s3], $0x40, $0x38;
	[tilespmem:$0x1BD00] =	vst v63  }
0x65: {  	_ =	swait.ge [sflag:s30], $0x40  }
0x66: {  	[sflag:s30] =	ssyncset.done $0x0  }
0x67: {  	s16 =	rddreg [dreg:$0x8];
	[sflag:s30] =	ssyncadd.s32 $0xFFFFFFC0  }
0x68: {  	[tilespmem:s8], [sflag:$0x9] =	stream.linear.gather [hbm4b:s16+s3], $0x40, $0x38;
	[tilespmem:$0x1BD00] =	vst v63  }
0x69: {  	_ =	swait.ge [sflag:s30], $0x40  }
0x6a: {  	[sflag:s30] =	ssyncset.done $0x0  }
0x6b: {  	[sflag:s30] =	ssyncadd.s32 $0xFFFFFFC0  }
0x6c: {  	[tilespmem:s9], [sflag:$0x3] =	stream.indirect.gather [hbm4b:s24+s0], $0x80, s7, s0, $0xb8;
	[tilespmem:$0x1BD00] =	vst v63  }
0x6d: {  	s16 =	rddreg [dreg:$0x9]  }
0x6e: {  	[tilespmem:s10], [sflag:$0x9] =	stream.linear.gather [hbm4b:s16+s3], $0x40, $0x38;
	[tilespmem:$0x1BD00] =	vst v63  }
0x6f: {  	_ =	swait.ge [sflag:s30], $0x40  }
0x70: {  	[sflag:s30] =	ssyncset.done $0x0  }
0x71: {  	s16 =	rddreg [dreg:$0xa];
	[sflag:s30] =	ssyncadd.s32 $0xFFFFFFC0  }
0x72: {  	[tilespmem:s11], [sflag:$0x9] =	stream.linear.gather [hbm4b:s16+s3], $0x40, $0x38;
	[tilespmem:$0x1BD00] =	vst v63  }
0x73: {  	_ =	swait.ge [sflag:s30], $0x40  }
0x74: {  	[sflag:s30] =	ssyncset.done $0x0  }
0x75: {  	s14 =	simm.s32 $0x0;
	[sflag:s30] =	ssyncadd.s32 $0xFFFFFFC0  }
0x76: {  	[tilespmem:s12], [sflag:$0x4] =	stream.indirect.gather [hbm4b:s24+s0], $0x80, s10, s0, $0xb8;
	[tilespmem:$0x1BD00] =	vst v63  }
.LBB2_2:
0x77: {  	_ =	swait.ge [sflag:s21], $0x2000  }
0x78: {  	[sflag:s21] =	ssyncset.done $0x0  }
0x79: {  	[sflag:s21] =	ssyncadd.s32 $0xFFFFE000  }
0x7a: {  	[spmem:s2] =	stream.indirect.scatter.add.f32 [tilespmem:s1], [sflag:$0x5], $0x80, s31, s0, $0xb8;
	[tilespmem:$0x1BD00] =	vst v63  }
0x7b: {  	_ =	swait.ge [sflag:s22], $0x2000  }
0x7c: {  	[sflag:s22] =	ssyncset.done $0x0  }
0x7d: {  	[sflag:s22] =	ssyncadd.s32 $0xFFFFE000  }
0x7e: {  	[spmem:s2] =	stream.indirect.scatter.add.f32 [tilespmem:s6], [sflag:$0x6], $0x80, s5, s0, $0xb8;
	[tilespmem:$0x1BD00] =	vst v63  }
0x7f: {  	_ =	swait.ge [sflag:s25], $0x2000  }
0x80: {  	[sflag:s25] =	ssyncset.done $0x0  }
0x81: {  	[sflag:s25] =	ssyncadd.s32 $0xFFFFE000  }
0x82: {  	[spmem:s2] =	stream.indirect.scatter.add.f32 [tilespmem:s9], [sflag:$0x7], $0x80, s8, s0, $0xb8;
	[tilespmem:$0x1BD00] =	vst v63  }
0x83: {  	_ =	swait.ge [sflag:s26], $0x2000  }
0x84: {  	p1 =	seq.s32 s14, $0x9E0;
	[sflag:s26] =	ssyncset.done $0x0  }
.Ltmp2:
0x85: {  	[sflag:s26] =	ssyncadd.s32 $0xFFFFE000;
	(pc) =	sbr.rel @p1 .LBB2_4-.Ltmp2, $4  }
0x86: {  	[spmem:s2] =	stream.indirect.scatter.add.f32 [tilespmem:s12], [sflag:$0x8], $0x80, s11, s0, $0xb8;
	[tilespmem:$0x1BD00] =	vst v63  }
0x87: {  	_ =	swait.ge [sflag:s28], $0x2000  }
0x88: {  	[sflag:s28] =	ssyncset.done $0x0  }
0x89: {  	[sflag:s28] =	ssyncadd.s32 $0xFFFFE000  }
0x8a: {  	s16 =	smov.u32 s15;
	s15 =	sadd.s32 s14, s20  }
0x8b: {  	[tilespmem:s3], [sflag:$0x9] =	stream.linear.gather [hbm4b:s15+s3], $0x40, $0x38;
	[tilespmem:$0x1BD00] =	vst v63  }
0x8c: {  	_ =	swait.ge [sflag:s30], $0x40  }
0x8d: {  	[sflag:s30] =	ssyncset.done $0x0  }
0x8e: {  	s15 =	sadd.s32 s14, s19;
	[sflag:s30] =	ssyncadd.s32 $0xFFFFFFC0  }
0x8f: {  	[tilespmem:s31], [sflag:$0x9] =	stream.linear.gather [hbm4b:s15+s3], $0x40, $0x38;
	[tilespmem:$0x1BD00] =	vst v63  }
0x90: {  	_ =	swait.ge [sflag:s30], $0x40  }
0x91: {  	[sflag:s30] =	ssyncset.done $0x0  }
0x92: {  	[sflag:s30] =	ssyncadd.s32 $0xFFFFFFC0  }
0x93: {  	[tilespmem:s1], [sflag:$0x1] =	stream.indirect.gather [hbm4b:s24+s0], $0x80, s3, s0, $0xb8;
	[tilespmem:$0x1BD00] =	vst v63  }
0x94: {  	_ =	swait.ge [sflag:s29], $0x2000  }
0x95: {  	[sflag:s29] =	ssyncset.done $0x0  }
0x96: {  	s15 =	sadd.s32 s14, s18;
	[sflag:s29] =	ssyncadd.s32 $0xFFFFE000  }
0x97: {  	[tilespmem:s4], [sflag:$0x9] =	stream.linear.gather [hbm4b:s15+s3], $0x40, $0x38;
	[tilespmem:$0x1BD00] =	vst v63  }
0x98: {  	_ =	swait.ge [sflag:s30], $0x40  }
0x99: {  	[sflag:s30] =	ssyncset.done $0x0  }
0x9a: {  	s15 =	sadd.s32 s14, s17;
	[sflag:s30] =	ssyncadd.s32 $0xFFFFFFC0  }
0x9b: {  	[tilespmem:s5], [sflag:$0x9] =	stream.linear.gather [hbm4b:s15+s3], $0x40, $0x38;
	[tilespmem:$0x1BD00] =	vst v63  }
0x9c: {  	_ =	swait.ge [sflag:s30], $0x40  }
0x9d: {  	[sflag:s30] =	ssyncset.done $0x0  }
0x9e: {  	[sflag:s30] =	ssyncadd.s32 $0xFFFFFFC0  }
0x9f: {  	[tilespmem:s6], [sflag:$0x2] =	stream.indirect.gather [hbm4b:s24+s0], $0x80, s4, s0, $0xb8;
	[tilespmem:$0x1BD00] =	vst v63  }
0xa0: {  	_ =	swait.ge [sflag:s23], $0x2000  }
0xa1: {  	[sflag:s23] =	ssyncset.done $0x0;
	s15 =	rddreg [dreg:$0x11]  }
0xa2: {  	[sflag:s23] =	ssyncadd.s32 $0xFFFFE000;
	s15 =	sadd.s32 s14, s15  }
0xa3: {  	[tilespmem:s7], [sflag:$0x9] =	stream.linear.gather [hbm4b:s15+s3], $0x40, $0x38;
	[tilespmem:$0x1BD00] =	vst v63  }
0xa4: {  	_ =	swait.ge [sflag:s30], $0x40  }
0xa5: {  	[sflag:s30] =	ssyncset.done $0x0;
	s15 =	rddreg [dreg:$0xe]  }
0xa6: {  	[sflag:s30] =	ssyncadd.s32 $0xFFFFFFC0;
	s15 =	sadd.s32 s14, s15  }
0xa7: {  	[tilespmem:s8], [sflag:$0x9] =	stream.linear.gather [hbm4b:s15+s3], $0x40, $0x38;
	[tilespmem:$0x1BD00] =	vst v63  }
0xa8: {  	_ =	swait.ge [sflag:s30], $0x40  }
0xa9: {  	[sflag:s30] =	ssyncset.done $0x0  }
0xaa: {  	[sflag:s30] =	ssyncadd.s32 $0xFFFFFFC0  }
0xab: {  	[tilespmem:s9], [sflag:$0x3] =	stream.indirect.gather [hbm4b:s24+s0], $0x80, s7, s0, $0xb8;
	[tilespmem:$0x1BD00] =	vst v63  }
0xac: {  	_ =	swait.ge [sflag:s13], $0x2000  }
0xad: {  	[sflag:s13] =	ssyncset.done $0x0;
	s15 =	rddreg [dreg:$0xd]  }
0xae: {  	[sflag:s13] =	ssyncadd.s32 $0xFFFFE000;
	s15 =	sadd.s32 s14, s15  }
0xaf: {  	[tilespmem:s10], [sflag:$0x9] =	stream.linear.gather [hbm4b:s15+s3], $0x40, $0x38;
	[tilespmem:$0x1BD00] =	vst v63  }
0xb0: {  	_ =	swait.ge [sflag:s30], $0x40  }
0xb1: {  	[sflag:s30] =	ssyncset.done $0x0;
	s15 =	rddreg [dreg:$0xc]  }
0xb2: {  	[sflag:s30] =	ssyncadd.s32 $0xFFFFFFC0;
	s15 =	sadd.s32 s14, s15  }
0xb3: {  	[tilespmem:s11], [sflag:$0x9] =	stream.linear.gather [hbm4b:s15+s3], $0x40, $0x38;
	[tilespmem:$0x1BD00] =	vst v63  }
.Ltmp3:
0xb4: {  	_ = 	snop;
	(pc) =	sbr.rel .LBB2_2-.Ltmp3, $4  }
0xb5: {  	_ =	swait.ge [sflag:s30], $0x40  }
0xb6: {  	[sflag:s30] =	ssyncset.done $0x0  }
0xb7: {  	s14 =	sadd.s32 $0x20, s14;
	s15 =	smov.u32 s16;
	[sflag:s30] =	ssyncadd.s32 $0xFFFFFFC0  }
0xb8: {  	[tilespmem:s12], [sflag:$0x4] =	stream.indirect.gather [hbm4b:s24+s0], $0x80, s10, s0, $0xb8;
	[tilespmem:$0x1BD00] =	vst v63  }
.LBB2_5:
0xb9: {  	_ =	sfence.sel $0x180000  }
0xba: {  	[bflag:$0x0] =	sbarrier.arrive $0xFFFF  }
0xbb: {  	_ =	strace $0x9000004A  }
0xbc: {  	s0 =	stileid.u32;
	[bflag:$0x2] =	sbarrier.arrive $0xFFFF  }
0xbd: {  	p0 =	sne.s32 s0, $0x0;
	s0 =	rddreg [dreg:$0x2]  }
0xbe: {  	s0 =	sadd.s32 @!p0 $0x100000, s0  }
0xbf: {  	[sflag:s0] =	ssyncadd.tile.s32 @!p0 $0x1;
	_ =	shalt  }
.Lfunc_end2:
_tile_overlayer_lowered:
.L_overlay_start_2:
0xc0: {  	(tag) =	ssettag $0x2  }
0xc1: {  	s0 =	rddreg [dreg:$0x0];
	s2 =	stileid.u32  }
0xc2: {  	s1 =	rddreg [dreg:$0x1];
	p0 =	sne.s32 s2, $0x0  }
0xc3: {  	s3 =	rddreg [dreg:$0x2];
	[bflag:$0x3] =	sbarrier.arrive $0xFFFF;
	s2 =	simm.s32 @!p0 $0x1C09  }
0xc4: {  	[timem:s3], [sflag:s2] =	dma.local @!p0 [hbm:s0], s1  }
0xc5: {  	s0 =	simm.s32 @!p0 $0x9  }
0xc6: {  	_ =	swait.ge @!p0 [sflag:s0], s1  }
0xc7: {  	s1 =	ssub.s32 @!p0 $0x0, s1;
	[sflag:s0] =	ssyncset.done @!p0 $0x0  }
0xc8: {  	[sflag:s0] =	ssyncadd.s32 @!p0 s1  }
0xc9: {  	[bflag:$0x3] =	sbarrier.arrive $0xFFFF  }
0xca: {  	_ =	shalt  }

// kernel: kernel.16.cloned.1.call-start
scs
__scs_entry_jumppad:
0x0: {  	(pc) =	sbr.rel $0x88, $3  }
0x1: {  	(tag) =	ssettag $0x0;
	lr =	simm.s32 $0x1  }
0x2: {  	[smem:$0x3F8E] =	sst lr;
	_ =	strace $0xD0000000  }
0x3: {  	_ = 	snop  }
0x4: {  	_ = 	snop  }
0x5: {  	_ = 	snop  }
0x6: {  	_ = 	snop  }
0x7: {  	_ = 	snop  }
__scs_overlays_trampoline_lowered:
0x8: {  	[smem:$0x3F9D] =	sst s0  }
0x9: {  	[smem:$0x3F9E] =	sst s1  }
0xa: {  	[smem:$0x3F9F] =	sst s2  }
0xb: {  	[smem:$0x3FA0] =	sst s3  }
0xc: {  	[smem:$0x3FA1] =	sst s4  }
0xd: {  	[smem:$0x3FA2] =	sst s5  }
0xe: {  	[smem:$0x3FA3] =	sst s6  }
0xf: {  	[smem:$0x3FA4] =	sst s7  }
0x10: {  	[smem:$0x3FA5] =	sst s8  }
0x11: {  	[smem:$0x3FA6] =	sst s9;
	s0 =	simm.s32 @!p0 $0x0  }
0x12: {  	s1 =	sld [smem:$0x3F8C];
	s0 =	simm.s32 @p0 $0x1  }
0x13: {  	[smem:$0x3FA7] =	sst s0;
	s0 =	simm.s32 @!p1 $0x0  }
0x14: {  	s2 =	sld [smem:$0x3F8B];
	s0 =	simm.s32 @p1 $0x1  }
0x15: {  	[smem:$0x3FA8] =	sst s0;
	s0 =	simm.s32 @!p2 $0x0  }
0x16: {  	s3 =	sld [smem:$0x3FDB];
	s0 =	simm.s32 @p2 $0x1  }
0x17: {  	s4 =	simm.s32 $0x1BF5;
	[smem:$0x3FAA] =	sst s0  }
0x18: {  	s0 =	sld [smem:$0x3F8D];
	_ =	swait.ge [sflag:s4], $0x0  }
0x19: {  	s7 =	sld [smem:$0x3F8E]  }
0x1a: {  	s8 =	sadd.s32 $0xFFFFE003, lr  }
0x1b: {  	s9 =	sadd.s32 $0xFFFFFEF7, lr;
	s5 =	simm.s32 $0xFFFFFFFF;
	p2 =	slt.u32 s8, $0xFFFFF086  }
0x1c: {  	p1 =	slt.u32 s9, $0xF7A;
	s5 =	simm.s32 @!p2 $0x0  }
0x1d: {  	s5 =	simm.s32 @p1 $0x1;
	p0 =	seq.s32 s7, s2  }
0x1e: {  	s7 =	smul.u32 @!p0 $0xF7A, s2;
	p2 =	seq.s32 @!p0 s5, $0x0  }
0x1f: {  	s9 =	smul.u32 $0xF7A, s1;
	s8 =	simm.s32 @!p0 $0x1BF5;
	p2 =	por !p2, p0  }
0x20: {  	[sflag:s8] =	ssyncset.s32 @!p0 $0xFFFFF086;
	s6 =	sadd.s32 @!p0 s3, s7;
	s7 =	simm.s32 @!p0 $0x108  }
0x21: {  	s3 =	sadd.s32 s3, s9;
	s6 =	sadd.s32 @!p0 $0x88, s6;
	s7 =	simm.s32 @p2 $0x1082  }
0x22: {  	[simem:s7], [sflag:s8] =	dma.local @!p0 [hbm:s6], $0xF7A  }
0x23: {  	s9 =	sor.u32 $0xD0000000, s2;
	s6 =	simm.s32 $0x108;
	_ =	swait.ge @!p0 [sflag:s8], $0x0  }
0x24: {  	s3 =	sadd.s32 $0x88, s3;
	s6 =	simm.s32 @!p1 $0x1082;
	[sflag:s4] =	ssyncset.s32 $0xFFFFF086  }
0x25: {  	[simem:s6], [sflag:s4] =	dma.local [hbm:s3], $0xF7A  }
0x26: {  	[smem:$0x3F8E] =	sst s1;
	(tag) =	ssettag s2;
	_ =	strace s9  }
0x27: {  	s1 =	sld [smem:$0x3F9E]  }
0x28: {  	s2 =	sld [smem:$0x3F9F]  }
0x29: {  	s4 =	sld [smem:$0x3FA1]  }
0x2a: {  	p0 =	seq.s32 s5, $0x0;
	s5 =	sld [smem:$0x3FA2]  }
0x2b: {  	s6 =	sld [smem:$0x3FA3]  }
0x2c: {  	s7 =	sld [smem:$0x3FA4]  }
0x2d: {  	s3 =	simm.s32 $0x108;
	s8 =	sld [smem:$0x3FA5]  }
0x2e: {  	s3 =	simm.s32 @!p0 $0x1082;
	s9 =	sld [smem:$0x3FA6]  }
0x2f: {  	lr =	sadd.s32 s0, s3;
	s0 =	sld [smem:$0x3F9D]  }
0x30: {  	s3 =	sld [smem:$0x3FA0]  }
0x31: {  	[smem:$0x3FA9] =	sst s10  }
0x32: {  	s10 =	sld [smem:$0x3FA7];
	_ =	sdelay $0x3  }
0x33: {  	p0 =	seq.s32 s10, $0x1;
	s10 =	sld [smem:$0x3FA9];
	_ =	sdelay $0x3  }
0x34: {  	[smem:$0x3FA9] =	sst s10  }
0x35: {  	s10 =	sld [smem:$0x3FA8];
	_ =	sdelay $0x3  }
0x36: {  	p1 =	seq.s32 s10, $0x1;
	s10 =	sld [smem:$0x3FA9];
	_ =	sdelay $0x3  }
0x37: {  	[smem:$0x3FA9] =	sst s10  }
0x38: {  	s10 =	sld [smem:$0x3FAA]  }
0x39: {  	_ = 	snop;
	(pc) =	sbr.ind lr, $3  }
0x3a: {  	_ = 	snop  }
0x3b: {  	_ = 	snop  }
0x3c: {  	p2 =	seq.s32 s10, $0x1;
	s10 =	sld [smem:$0x3FA9]  }
0x3d: {  	_ =	shalt  }
0x3e: {  	_ =	shalt  }
0x3f: {  	_ =	shalt  }
0x40: {  	_ =	shalt  }
0x41: {  	_ =	shalt  }
0x42: {  	_ =	shalt  }
0x43: {  	_ =	shalt  }
0x44: {  	_ =	shalt  }
0x45: {  	_ =	shalt  }
0x46: {  	_ =	shalt  }
0x47: {  	_ =	shalt  }
0x48: {  	_ =	shalt  }
0x49: {  	_ =	shalt  }
0x4a: {  	_ =	shalt  }
0x4b: {  	_ =	shalt  }
0x4c: {  	_ =	shalt  }
0x4d: {  	_ =	shalt  }
0x4e: {  	_ =	shalt  }
0x4f: {  	_ =	shalt  }
0x50: {  	_ =	shalt  }
0x51: {  	_ =	shalt  }
0x52: {  	_ =	shalt  }
0x53: {  	_ =	shalt  }
0x54: {  	_ =	shalt  }
0x55: {  	_ =	shalt  }
0x56: {  	_ =	shalt  }
0x57: {  	_ =	shalt  }
0x58: {  	_ =	shalt  }
0x59: {  	_ =	shalt  }
0x5a: {  	_ =	shalt  }
0x5b: {  	_ =	shalt  }
0x5c: {  	_ =	shalt  }
0x5d: {  	_ =	shalt  }
0x5e: {  	_ =	shalt  }
0x5f: {  	_ =	shalt  }
0x60: {  	_ =	shalt  }
0x61: {  	_ =	shalt  }
0x62: {  	_ =	shalt  }
0x63: {  	_ =	shalt  }
0x64: {  	_ =	shalt  }
0x65: {  	_ =	shalt  }
0x66: {  	_ =	shalt  }
0x67: {  	_ =	shalt  }
0x68: {  	_ =	shalt  }
0x69: {  	_ =	shalt  }
0x6a: {  	_ =	shalt  }
0x6b: {  	_ =	shalt  }
0x6c: {  	_ =	shalt  }
0x6d: {  	_ =	shalt  }
0x6e: {  	_ =	shalt  }
0x6f: {  	_ =	shalt  }
0x70: {  	_ =	shalt  }
0x71: {  	_ =	shalt  }
0x72: {  	_ =	shalt  }
0x73: {  	_ =	shalt  }
0x74: {  	_ =	shalt  }
0x75: {  	_ =	shalt  }
0x76: {  	_ =	shalt  }
0x77: {  	_ =	shalt  }
0x78: {  	_ =	shalt  }
0x79: {  	_ =	shalt  }
0x7a: {  	_ =	shalt  }
0x7b: {  	_ =	shalt  }
0x7c: {  	_ =	shalt  }
0x7d: {  	_ =	shalt  }
0x7e: {  	_ =	shalt  }
0x7f: {  	_ =	shalt  }
0x80: {  	_ =	shalt  }
0x81: {  	_ =	shalt  }
0x82: {  	_ =	shalt  }
0x83: {  	_ =	shalt  }
0x84: {  	_ =	shalt  }
0x85: {  	_ =	shalt  }
0x86: {  	_ =	shalt  }
0x87: {  	_ =	shalt  }
.Lfunc_end0:
.L_simem_size_0:
called_computation.2_lowered:
.L_overlay_start_0:
0x88: {  	s2 =	sld [smem:$0x3FD9]  }
0x89: {  	s3 =	sld [smem:$0x3FFE];
	_ =	sdelay $0x1  }
0x8a: {  	s1 =	srdreg.scid  }
0x8b: {  	s0 =	sand.u32 $0x1, s1  }
0x8c: {  	s16 =	sshll.u32 s0, $0xA;
	s2 =	sadd.s32 s3, s2  }
0x8d: {  	s2 =	sadd.s32 s2, s16  }
0x8e: {  	[smem:$0x3FB5] =	sst s2  }
0x8f: {  	_ = 	snop  }
0x90: {  	(tm) =	ssettm $0x1  }
0x91: {  	s17 =	sld [smem:$0x3FFB];
	_ =	sdelay $0x3  }
0x92: {  	_ =	strace s17  }
0x93: {  	s2 =	sld [smem:$0x3FFC];
	_ =	sdelay $0x3  }
0x94: {  	_ =	strace s2  }
0x95: {  	s2 =	sld [smem:$0x3FFD];
	_ =	sdelay $0x3  }
0x96: {  	_ =	strace s2  }
0x97: {  	_ =	strace $0x8FFFFFFF  }
0x98: {  	s18 =	sld [smem:$0x3FDB];
	_ =	sdelay $0x1  }
0x99: {  	s19 =	simm.s32 $_scs_section_size  }
0x9a: {  	s4 =	simm.s32 $_size__tile_overlayer_lowered;
	s5 =	simm.s32 $_tile_overlayer_lowered  }
0x9b: {  	s22 =	simm.s32 $0x1BFF;
	s21 =	sshll.u32 s5, $0x1;
	s2 =	sadd.s32 s19, s18  }
0x9c: {  	s6 =	simm.s32 $0x0;
	s20 =	sshll.u32 s4, $0x1;
	s4 =	sadd.s32 s21, s2  }
0x9d: {  	[timem:s6], [sflag:s22] =	dma.local [hbm:s4], s20  }
0x9e: {  	_ =	swait.ge [sflag:s22], s20  }
0x9f: {  	s3 =	ssub.s32 $0x0, s20;
	[sflag:s22] =	ssyncset.done $0x0  }
0xa0: {  	[sflag:s22] =	ssyncadd.s32 s3;
	_ =	sdelay $0x1  }
0xa1: {  	s23 =	simm.s32 $0x1B8B  }
0xa2: {  	_ =	swait.ge [sflag:s23], $0x1  }
0xa3: {  	[sflag:s23] =	ssyncset.done $0x0  }
0xa4: {  	s25 =	simm.s32 $0x1B8E;
	s24 =	sld [smem:$0x3FFE];
	[sflag:s23] =	ssyncadd.s32 $0xFFFFFFFF  }
0xa5: {  	s26 =	simm.s32 $execute0_lowered;
	[smem:$0x3FD2] =	sst s25  }
0xa6: {  	s4 =	sshll.u32 s26, $0x1;
	_ =	strace $0x8000004C;
	[dreg:$0x1] =	wrdreg $0xFFFFFFFF  }
0xa7: {  	s28 =	simm.s32 $_size_execute0_lowered;
	s2 =	sadd.s32 s2, s4;
	[dreg:$0x0] =	wrdreg $0x0  }
0xa8: {  	s4 =	sshll.u32 s28, $0x1;
	[dreg:$0x2] =	wrdreg s2  }
0xa9: {  	[dreg:$0x3] =	wrdreg s4  }
0xaa: {  	[dreg:$0x4] =	wrdreg $0xC0  }
0xab: {  	_ =	task [dreg:s6], $0x5FFFF  }
0xac: {  	[dreg:$0x1] =	wrdreg $0xFFFFFFFF  }
0xad: {  	[dreg:$0x0] =	wrdreg $0x60  }
0xae: {  	[dreg:$0x2] =	wrdreg s24  }
0xaf: {  	[dreg:$0x3] =	wrdreg $0x84000  }
0xb0: {  	[dreg:$0x4] =	wrdreg $0x9  }
0xb1: {  	_ =	task.clear_ibuf [dreg:s6], $0x5FFFF;
	_ =	strace $0x9000004C  }
0xb2: {  	s29 =	simm.s32 $0x9;
	_ =	strace $0x8000004E  }
0xb3: {  	_ =	swait.ge [sflag:s29], $0x1  }
0xb4: {  	[sflag:s29] =	ssyncadd.s32 $0xFFFFFFFF  }
0xb5: {  	_ =	strace $0x9000004E  }
0xb6: {  	_ =	sfence  }
0xb7: {  	s30 =	sld [smem:$0x0];
	_ =	sdelay $0x2  }
0xb8: {  	s31 =	sshll.u32 s1, $0xD;
	s1 =	sshrl.u32 s1, $0x2  }
0xb9: {  	s3 =	sand.u32 $0x4000, s31;
	s1 =	sadd.s32 s1, s30  }
0xba: {  	s0 =	sor.u32 s3, s0;
	s1 =	sshll.u32 s1, $0x11  }
0xbb: {  	s0 =	sor.u32 s1, s0  }
0xbc: {  	s0 =	sadd.s32 $0x8F2B, s0  }
0xbd: {  	[sflag:s0] =	ssyncadd.remote.s32 $0x1  }
0xbe: {  	_ =	sfence.sel $0xFFFF  }
0xbf: {  	[dreg:$0x0] =	wrdreg $0xFFFFFFFF;
	(pc) =	sbr.abs _section_cstart, $3  }
0xc0: {  	[dreg:$0x1] =	wrdreg $0xFFFFFFFF  }
0xc1: {  	_ =	task.clear_ibuf [dreg:s6], $0x2FFFF;
	_ =	strace $0x9FFFFFFF  }
0xc2: {  	(tm) =	ssettm $0x7FFFFFFF  }
0xc3: {  	_ =	shalt  }
tec
execute0_lowered:
.L_overlay_start_1:
0x0: {  	(tag) =	ssettag $0x1  }
0x1: {  	s1 =	srdreg.scid;
	s0 =	rddreg [dreg:$0x0]  }
0x2: {  	s2 =	rddreg [dreg:$0x1];
	s13 =	stileid.u32  }
0x3: {  	s30 =	simm.s32 $0x9;
	s31 =	simm.s32 $0x200;
	s28 =	simm.s32 $0x5  }
0x4: {  	s29 =	simm.s32 $0x6;
	s1 =	sand.u32 $0x1, s1;
	s7 =	smul.u32 $0x13800, s13  }
0x5: {  	s5 =	sadd.s32 $0x16C00, s0;
	s6 =	sadd.s32 $0x2C00, s0;
	s17 =	smul.u32 $0x5000, s13  }
0x6: {  	s9 =	sadd.s32 $0x51E00, s0;
	p0 =	sne.s32 s13, $0xF;
	s15 =	smul.u32 $0x138800, s1  }
0x7: {  	s3 =	sshll.u32 s1, $0x4;
	s8 =	ssub.s32 $0x2, s1;
	s1 =	smul.u32 $0x50000, s1  }
0x8: {  	s4 =	sor.u32 s13, s3;
	s3 =	simm.s32 $0x0;
	s10 =	sshrl.u32 s8, $0x1  }
0x9: {  	s4 =	smul.u32 $0x5000, s4;
	s8 =	ssub.s32 s8, s10;
	s19 =	sadd.s32 s7, s15  }
0xa: {  	s1 =	sadd.s32 s17, s1;
	s21 =	sshrl.u32 s15, $0x3;
	s15 =	smul.u32 $0x4E000, s13  }
0xb: {  	[smem:$0x7FF] =	sst s3;
	s20 =	sshrl.u32 s19, $0x3;
	s22 =	sor.u32 $0x1C0, s1  }
0xc: {  	s24 =	sor.u32 $0x180, s1;
	s26 =	sor.u32 $0x140, s1;
	s1 =	sor.u32 $0x100, s1  }
0xd: {  	s4 =	sshrl.u32 s4, $0x3;
	s23 =	sshrl.u32 s22, $0x3;
	s1 =	sshrl.u32 s1, $0x3  }
0xe: {  	s22 =	sshll.u32 s13, $0x6;
	s13 =	simm.s32 $0x8;
	s11 =	sadd.s32 s5, s4  }
0xf: {  	s12 =	sor.u32 $0x8, s4;
	s25 =	sadd.s32 s23, s6;
	[dreg:$0x3] =	wrdreg s11  }
0x10: {  	s16 =	sor.u32 $0x10, s4;
	s11 =	sadd.s32 s6, s4;
	[dreg:$0xc] =	wrdreg s25  }
0x11: {  	s19 =	sadd.s32 s1, s6;
	s14 =	sadd.s32 s5, s12;
	[dreg:$0x4] =	wrdreg s11  }
0x12: {  	s10 =	sadd.s32 s6, s12;
	s12 =	sadd.s32 s5, s16;
	[dreg:$0x5] =	wrdreg s14  }
0x13: {  	s4 =	sor.u32 $0x18, s4;
	s25 =	smax.u32 s8, $0x1;
	[dreg:$0x6] =	wrdreg s10  }
0x14: {  	s8 =	simm.s32 $0x300;
	[dreg:$0x7] =	wrdreg s12;
	s10 =	sadd.s32 s6, s16  }
0x15: {  	s18 =	sadd.s32 s5, s4;
	s4 =	sadd.s32 s6, s4;
	s14 =	sshrl.u32 s26, $0x3  }
0x16: {  	s16 =	sshrl.u32 s7, $0x3;
	s26 =	sadd.s32 $0x138000, s2;
	[dreg:$0x8] =	wrdreg s10  }
0x17: {  	s7 =	simm.s32 $0x100;
	s11 =	simm.s32 $0x380;
	[dreg:$0x9] =	wrdreg s18  }
0x18: {  	[dreg:$0xa] =	wrdreg s4;
	s4 =	sadd.s32 s9, s20;
	s10 =	sshrl.u32 s24, $0x3  }
0x19: {  	s17 =	sadd.s32 s14, s6;
	s18 =	sadd.s32 s14, s5;
	s20 =	sadd.s32 s1, s5  }
0x1a: {  	s1 =	sadd.s32 s16, s0;
	s24 =	sadd.s32 $0xEE200, s0;
	s0 =	sadd.s32 $0x51C00, s0  }
0x1b: {  	[dreg:$0xb] =	wrdreg s4;
	s4 =	sadd.s32 s9, s21;
	s9 =	sadd.s32 s23, s5  }
0x1c: {  	s14 =	simm.s32 $0x0;
	s12 =	sadd.s32 s10, s6;
	[dreg:$0xd] =	wrdreg s9  }
0x1d: {  	s10 =	sadd.s32 s10, s5;
	s21 =	sshrl.u32 s15, $0x2;
	[dreg:$0xe] =	wrdreg s12  }
0x1e: {  	s1 =	sadd.s32 $0x2AC00, s1;
	[dreg:$0x11] =	wrdreg s10;
	s5 =	sadd.s32 s21, s2  }
0x1f: {  	s15 =	sor.u32 $0x1C09, s22;
	_ =	strace $0x8000004D;
	[dreg:$0xf] =	wrdreg s5  }
0x20: {  	s6 =	simm.s32 $0x2400;
	s22 =	simm.s32 $0x2;
	[dreg:$0x10] =	wrdreg s1  }
0x21: {  	s23 =	sadd.s32 $0x27000, s4;
	s4 =	simm.s32 $0x80;
	[dreg:$0x12] =	wrdreg s0  }
.Ltmp0:
0x22: {  	s9 =	simm.s32 $0x4400;
	[dreg:$0x13] =	wrdreg s23;
	(pc) =	sbr.rel .LBB2_1-.Ltmp0, $4  }
0x23: {  	s10 =	simm.s32 $0x180;
	s12 =	simm.s32 $0x6400;
	[dreg:$0x14] =	wrdreg s25  }
0x24: {  	s21 =	simm.s32 $0x1;
	[dreg:$0x15] =	wrdreg s26;
	s0 =	simm.s32 $0x40  }
0x25: {  	s1 =	simm.s32 $0x400;
	s5 =	simm.s32 $0x280;
	s25 =	simm.s32 $0x3  }
0x26: {  	s26 =	simm.s32 $0x4;
	s23 =	simm.s32 $0x7;
	[dreg:$0x16] =	wrdreg s14  }
.LBB2_4:
0x27: {  	_ =	swait.ge [sflag:s29], $0x2000  }
0x28: {  	[sflag:s29] =	ssyncset.done $0x0  }
0x29: {  	[sflag:s29] =	ssyncadd.s32 $0xFFFFE000  }
0x2a: {  	_ =	swait.ge [sflag:s23], $0x2000  }
0x2b: {  	[sflag:s23] =	ssyncset.done $0x0  }
0x2c: {  	[sflag:s23] =	ssyncadd.s32 $0xFFFFE000  }
0x2d: {  	_ =	swait.ge [sflag:s13], $0x2000  }
0x2e: {  	[sflag:s13] =	ssyncset.done $0x0  }
0x2f: {  	[sflag:s13] =	ssyncadd.s32 $0xFFFFE000  }
0x30: {  	[bflag:$0x0] =	sbarrier.arrive $0xFFFF  }
0x31: {  	s14 =	rddreg [dreg:$0xb]  }
0x32: {  	s16 =	rddreg [dreg:$0x17]  }
0x33: {  	[hbm:s14], [sflag:s15] =	dma.local [spmem:s16], $0x2700  }
0x34: {  	_ =	swait.ge [sflag:s30], $0x2700  }
0x35: {  	[sflag:s30] =	ssyncset.done $0x0;
	s14 =	rddreg [dreg:$0x13]  }
0x36: {  	s16 =	rddreg [dreg:$0x18];
	[sflag:s30] =	ssyncadd.s32 $0xFFFFD900  }
0x37: {  	[hbm:s14], [sflag:s15] =	dma.local @!p0 [spmem:s16], $0x100  }
0x38: {  	s16 =	simm.s32 @!p0 $0x9  }
0x39: {  	_ =	swait.ge @!p0 [sflag:s16], $0x100  }
0x3a: {  	s14 =	smov.u32 s17;
	s17 =	rddreg [dreg:$0x16]  }
0x3b: {  	[sflag:s16] =	ssyncset.done @!p0 $0x0;
	s16 =	rddreg [dreg:$0x14];
	s17 =	sadd.s32 $0x1, s17  }
0x3c: {  	p1 =	sne.s32 s17, s16  }
.Ltmp1:
0x3d: {  	_ = 	snop;
	(pc) =	sbr.rel @!p1 .LBB2_5-.Ltmp1, $3  }
0x3e: {  	_ =	sdelay $0x1  }
0x3f: {  	[dreg:$0x16] =	wrdreg s17;
	s17 =	smov.u32 s14;
	s14 =	simm.s32 @!p0 $0x9  }
0x40: {  	[sflag:s14] =	ssyncadd.s32 @!p0 $0xFFFFFF00  }
.LBB2_1:
0x41: {  	s14 =	rddreg [dreg:$0xf]  }
0x42: {  	s16 =	sshrl.u32 s14, $0x3;
	s14 =	rddreg [dreg:$0x10]  }
0x43: {  	[dreg:$0x17] =	wrdreg s16  }
0x44: {  	[spmem:s16], [sflag:s15] =	dma.local [hbm:s14], $0x2700  }
0x45: {  	_ =	swait.ge [sflag:s30], $0x2700  }
0x46: {  	s14 =	rddreg [dreg:$0x15]  }
0x47: {  	[sflag:s30] =	ssyncset.done $0x0;
	s16 =	sshrl.u32 @!p0 s14, $0x3;
	s14 =	rddreg [dreg:$0x12]  }
0x48: {  	[sflag:s30] =	ssyncadd.s32 $0xFFFFD900;
	[dreg:$0x18] =	wrdreg s16  }
0x49: {  	[spmem:s16], [sflag:s15] =	dma.local @!p0 [hbm:s14], $0x100  }
0x4a: {  	s14 =	simm.s32 @!p0 $0x9  }
0x4b: {  	_ =	swait.ge @!p0 [sflag:s14], $0x100  }
0x4c: {  	[sflag:s14] =	ssyncset.done @!p0 $0x0  }
0x4d: {  	[sflag:s14] =	ssyncadd.s32 @!p0 $0xFFFFFF00  }
0x4e: {  	[bflag:$0x0] =	sbarrier.arrive $0xFFFF  }
0x4f: {  	s16 =	rddreg [dreg:$0x3]  }
0x50: {  	[tilespmem:s3], [sflag:$0x9] =	stream.linear.gather [hbm4b:s16+s3], $0x40, $0x38;
	[tilespmem:$0x1BD00] =	vst v63  }
0x51: {  	_ =	swait.ge [sflag:s30], $0x40  }
0x52: {  	[sflag:s30] =	ssyncset.done $0x0  }
0x53: {  	s16 =	rddreg [dreg:$0x4];
	[sflag:s30] =	ssyncadd.s32 $0xFFFFFFC0  }
0x54: {  	[tilespmem:s31], [sflag:$0x9] =	stream.linear.gather [hbm4b:s16+s3], $0x40, $0x38;
	[tilespmem:$0x1BD00] =	vst v63  }
0x55: {  	_ =	swait.ge [sflag:s30], $0x40  }
0x56: {  	[sflag:s30] =	ssyncset.done $0x0  }
0x57: {  	[sflag:s30] =	ssyncadd.s32 $0xFFFFFFC0  }
0x58: {  	[tilespmem:s1], [sflag:$0x1] =	stream.indirect.gather [hbm4b:s24+s0], $0x80, s3, s0, $0xb8;
	[tilespmem:$0x1BD00] =	vst v63  }
0x59: {  	s16 =	rddreg [dreg:$0x5]  }
0x5a: {  	[tilespmem:s4], [sflag:$0x9] =	stream.linear.gather [hbm4b:s16+s3], $0x40, $0x38;
	[tilespmem:$0x1BD00] =	vst v63  }
0x5b: {  	_ =	swait.ge [sflag:s30], $0x40  }
0x5c: {  	[sflag:s30] =	ssyncset.done $0x0  }
0x5d: {  	s16 =	rddreg [dreg:$0x6];
	[sflag:s30] =	ssyncadd.s32 $0xFFFFFFC0  }
0x5e: {  	[tilespmem:s5], [sflag:$0x9] =	stream.linear.gather [hbm4b:s16+s3], $0x40, $0x38;
	[tilespmem:$0x1BD00] =	vst v63  }
0x5f: {  	_ =	swait.ge [sflag:s30], $0x40  }
0x60: {  	[sflag:s30] =	ssyncset.done $0x0  }
0x61: {  	[sflag:s30] =	ssyncadd.s32 $0xFFFFFFC0  }
0x62: {  	[tilespmem:s6], [sflag:$0x2] =	stream.indirect.gather [hbm4b:s24+s0], $0x80, s4, s0, $0xb8;
	[tilespmem:$0x1BD00] =	vst v63  }
0x63: {  	s16 =	rddreg [dreg:$0x7]  }
0x64: {  	[tilespmem:s7], [sflag:$0x9] =	stream.linear.gather [hbm4b:s16+s3], $0x40, $0x38;
	[tilespmem:$0x1BD00] =	vst v63  }
0x65: {  	_ =	swait.ge [sflag:s30], $0x40  }
0x66: {  	[sflag:s30] =	ssyncset.done $0x0  }
0x67: {  	s16 =	rddreg [dreg:$0x8];
	[sflag:s30] =	ssyncadd.s32 $0xFFFFFFC0  }
0x68: {  	[tilespmem:s8], [sflag:$0x9] =	stream.linear.gather [hbm4b:s16+s3], $0x40, $0x38;
	[tilespmem:$0x1BD00] =	vst v63  }
0x69: {  	_ =	swait.ge [sflag:s30], $0x40  }
0x6a: {  	[sflag:s30] =	ssyncset.done $0x0  }
0x6b: {  	[sflag:s30] =	ssyncadd.s32 $0xFFFFFFC0  }
0x6c: {  	[tilespmem:s9], [sflag:$0x3] =	stream.indirect.gather [hbm4b:s24+s0], $0x80, s7, s0, $0xb8;
	[tilespmem:$0x1BD00] =	vst v63  }
0x6d: {  	s16 =	rddreg [dreg:$0x9]  }
0x6e: {  	[tilespmem:s10], [sflag:$0x9] =	stream.linear.gather [hbm4b:s16+s3], $0x40, $0x38;
	[tilespmem:$0x1BD00] =	vst v63  }
0x6f: {  	_ =	swait.ge [sflag:s30], $0x40  }
0x70: {  	[sflag:s30] =	ssyncset.done $0x0  }
0x71: {  	s16 =	rddreg [dreg:$0xa];
	[sflag:s30] =	ssyncadd.s32 $0xFFFFFFC0  }
0x72: {  	[tilespmem:s11], [sflag:$0x9] =	stream.linear.gather [hbm4b:s16+s3], $0x40, $0x38;
	[tilespmem:$0x1BD00] =	vst v63  }
0x73: {  	_ =	swait.ge [sflag:s30], $0x40  }
0x74: {  	[sflag:s30] =	ssyncset.done $0x0  }
0x75: {  	s14 =	simm.s32 $0x0;
	[sflag:s30] =	ssyncadd.s32 $0xFFFFFFC0  }
0x76: {  	[tilespmem:s12], [sflag:$0x4] =	stream.indirect.gather [hbm4b:s24+s0], $0x80, s10, s0, $0xb8;
	[tilespmem:$0x1BD00] =	vst v63  }
.LBB2_2:
0x77: {  	_ =	swait.ge [sflag:s21], $0x2000  }
0x78: {  	[sflag:s21] =	ssyncset.done $0x0  }
0x79: {  	[sflag:s21] =	ssyncadd.s32 $0xFFFFE000  }
0x7a: {  	[spmem:s2] =	stream.indirect.scatter.add.f32 [tilespmem:s1], [sflag:$0x5], $0x80, s31, s0, $0xb8;
	[tilespmem:$0x1BD00] =	vst v63  }
0x7b: {  	_ =	swait.ge [sflag:s22], $0x2000  }
0x7c: {  	[sflag:s22] =	ssyncset.done $0x0  }
0x7d: {  	[sflag:s22] =	ssyncadd.s32 $0xFFFFE000  }
0x7e: {  	[spmem:s2] =	stream.indirect.scatter.add.f32 [tilespmem:s6], [sflag:$0x6], $0x80, s5, s0, $0xb8;
	[tilespmem:$0x1BD00] =	vst v63  }
0x7f: {  	_ =	swait.ge [sflag:s25], $0x2000  }
0x80: {  	[sflag:s25] =	ssyncset.done $0x0  }
0x81: {  	[sflag:s25] =	ssyncadd.s32 $0xFFFFE000  }
0x82: {  	[spmem:s2] =	stream.indirect.scatter.add.f32 [tilespmem:s9], [sflag:$0x7], $0x80, s8, s0, $0xb8;
	[tilespmem:$0x1BD00] =	vst v63  }
0x83: {  	_ =	swait.ge [sflag:s26], $0x2000  }
0x84: {  	p1 =	seq.s32 s14, $0x9E0;
	[sflag:s26] =	ssyncset.done $0x0  }
.Ltmp2:
0x85: {  	[sflag:s26] =	ssyncadd.s32 $0xFFFFE000;
	(pc) =	sbr.rel @p1 .LBB2_4-.Ltmp2, $4  }
0x86: {  	[spmem:s2] =	stream.indirect.scatter.add.f32 [tilespmem:s12], [sflag:$0x8], $0x80, s11, s0, $0xb8;
	[tilespmem:$0x1BD00] =	vst v63  }
0x87: {  	_ =	swait.ge [sflag:s28], $0x2000  }
0x88: {  	[sflag:s28] =	ssyncset.done $0x0  }
0x89: {  	[sflag:s28] =	ssyncadd.s32 $0xFFFFE000  }
0x8a: {  	s16 =	smov.u32 s15;
	s15 =	sadd.s32 s14, s20  }
0x8b: {  	[tilespmem:s3], [sflag:$0x9] =	stream.linear.gather [hbm4b:s15+s3], $0x40, $0x38;
	[tilespmem:$0x1BD00] =	vst v63  }
0x8c: {  	_ =	swait.ge [sflag:s30], $0x40  }
0x8d: {  	[sflag:s30] =	ssyncset.done $0x0  }
0x8e: {  	s15 =	sadd.s32 s14, s19;
	[sflag:s30] =	ssyncadd.s32 $0xFFFFFFC0  }
0x8f: {  	[tilespmem:s31], [sflag:$0x9] =	stream.linear.gather [hbm4b:s15+s3], $0x40, $0x38;
	[tilespmem:$0x1BD00] =	vst v63  }
0x90: {  	_ =	swait.ge [sflag:s30], $0x40  }
0x91: {  	[sflag:s30] =	ssyncset.done $0x0  }
0x92: {  	[sflag:s30] =	ssyncadd.s32 $0xFFFFFFC0  }
0x93: {  	[tilespmem:s1], [sflag:$0x1] =	stream.indirect.gather [hbm4b:s24+s0], $0x80, s3, s0, $0xb8;
	[tilespmem:$0x1BD00] =	vst v63  }
0x94: {  	_ =	swait.ge [sflag:s29], $0x2000  }
0x95: {  	[sflag:s29] =	ssyncset.done $0x0  }
0x96: {  	s15 =	sadd.s32 s14, s18;
	[sflag:s29] =	ssyncadd.s32 $0xFFFFE000  }
0x97: {  	[tilespmem:s4], [sflag:$0x9] =	stream.linear.gather [hbm4b:s15+s3], $0x40, $0x38;
	[tilespmem:$0x1BD00] =	vst v63  }
0x98: {  	_ =	swait.ge [sflag:s30], $0x40  }
0x99: {  	[sflag:s30] =	ssyncset.done $0x0  }
0x9a: {  	s15 =	sadd.s32 s14, s17;
	[sflag:s30] =	ssyncadd.s32 $0xFFFFFFC0  }
0x9b: {  	[tilespmem:s5], [sflag:$0x9] =	stream.linear.gather [hbm4b:s15+s3], $0x40, $0x38;
	[tilespmem:$0x1BD00] =	vst v63  }
0x9c: {  	_ =	swait.ge [sflag:s30], $0x40  }
0x9d: {  	[sflag:s30] =	ssyncset.done $0x0  }
0x9e: {  	[sflag:s30] =	ssyncadd.s32 $0xFFFFFFC0  }
0x9f: {  	[tilespmem:s6], [sflag:$0x2] =	stream.indirect.gather [hbm4b:s24+s0], $0x80, s4, s0, $0xb8;
	[tilespmem:$0x1BD00] =	vst v63  }
0xa0: {  	_ =	swait.ge [sflag:s23], $0x2000  }
0xa1: {  	[sflag:s23] =	ssyncset.done $0x0;
	s15 =	rddreg [dreg:$0x11]  }
0xa2: {  	[sflag:s23] =	ssyncadd.s32 $0xFFFFE000;
	s15 =	sadd.s32 s14, s15  }
0xa3: {  	[tilespmem:s7], [sflag:$0x9] =	stream.linear.gather [hbm4b:s15+s3], $0x40, $0x38;
	[tilespmem:$0x1BD00] =	vst v63  }
0xa4: {  	_ =	swait.ge [sflag:s30], $0x40  }
0xa5: {  	[sflag:s30] =	ssyncset.done $0x0;
	s15 =	rddreg [dreg:$0xe]  }
0xa6: {  	[sflag:s30] =	ssyncadd.s32 $0xFFFFFFC0;
	s15 =	sadd.s32 s14, s15  }
0xa7: {  	[tilespmem:s8], [sflag:$0x9] =	stream.linear.gather [hbm4b:s15+s3], $0x40, $0x38;
	[tilespmem:$0x1BD00] =	vst v63  }
0xa8: {  	_ =	swait.ge [sflag:s30], $0x40  }
0xa9: {  	[sflag:s30] =	ssyncset.done $0x0  }
0xaa: {  	[sflag:s30] =	ssyncadd.s32 $0xFFFFFFC0  }
0xab: {  	[tilespmem:s9], [sflag:$0x3] =	stream.indirect.gather [hbm4b:s24+s0], $0x80, s7, s0, $0xb8;
	[tilespmem:$0x1BD00] =	vst v63  }
0xac: {  	_ =	swait.ge [sflag:s13], $0x2000  }
0xad: {  	[sflag:s13] =	ssyncset.done $0x0;
	s15 =	rddreg [dreg:$0xd]  }
0xae: {  	[sflag:s13] =	ssyncadd.s32 $0xFFFFE000;
	s15 =	sadd.s32 s14, s15  }
0xaf: {  	[tilespmem:s10], [sflag:$0x9] =	stream.linear.gather [hbm4b:s15+s3], $0x40, $0x38;
	[tilespmem:$0x1BD00] =	vst v63  }
0xb0: {  	_ =	swait.ge [sflag:s30], $0x40  }
0xb1: {  	[sflag:s30] =	ssyncset.done $0x0;
	s15 =	rddreg [dreg:$0xc]  }
0xb2: {  	[sflag:s30] =	ssyncadd.s32 $0xFFFFFFC0;
	s15 =	sadd.s32 s14, s15  }
0xb3: {  	[tilespmem:s11], [sflag:$0x9] =	stream.linear.gather [hbm4b:s15+s3], $0x40, $0x38;
	[tilespmem:$0x1BD00] =	vst v63  }
.Ltmp3:
0xb4: {  	_ = 	snop;
	(pc) =	sbr.rel .LBB2_2-.Ltmp3, $4  }
0xb5: {  	_ =	swait.ge [sflag:s30], $0x40  }
0xb6: {  	[sflag:s30] =	ssyncset.done $0x0  }
0xb7: {  	s14 =	sadd.s32 $0x20, s14;
	s15 =	smov.u32 s16;
	[sflag:s30] =	ssyncadd.s32 $0xFFFFFFC0  }
0xb8: {  	[tilespmem:s12], [sflag:$0x4] =	stream.indirect.gather [hbm4b:s24+s0], $0x80, s10, s0, $0xb8;
	[tilespmem:$0x1BD00] =	vst v63  }
.LBB2_5:
0xb9: {  	_ =	sfence.sel $0x180000  }
0xba: {  	[bflag:$0x0] =	sbarrier.arrive $0xFFFF  }
0xbb: {  	_ =	strace $0x9000004D  }
0xbc: {  	s0 =	stileid.u32;
	[bflag:$0x2] =	sbarrier.arrive $0xFFFF  }
0xbd: {  	p0 =	sne.s32 s0, $0x0;
	s0 =	rddreg [dreg:$0x2]  }
0xbe: {  	s0 =	sadd.s32 @!p0 $0x100000, s0  }
0xbf: {  	[sflag:s0] =	ssyncadd.tile.s32 @!p0 $0x1;
	_ =	shalt  }
.Lfunc_end2:
_tile_overlayer_lowered:
.L_overlay_start_2:
0xc0: {  	(tag) =	ssettag $0x2  }
0xc1: {  	s0 =	rddreg [dreg:$0x0];
	s2 =	stileid.u32  }
0xc2: {  	s1 =	rddreg [dreg:$0x1];
	p0 =	sne.s32 s2, $0x0  }
0xc3: {  	s3 =	rddreg [dreg:$0x2];
	[bflag:$0x3] =	sbarrier.arrive $0xFFFF;
	s2 =	simm.s32 @!p0 $0x1C09  }
0xc4: {  	[timem:s3], [sflag:s2] =	dma.local @!p0 [hbm:s0], s1  }
0xc5: {  	s0 =	simm.s32 @!p0 $0x9  }
0xc6: {  	_ =	swait.ge @!p0 [sflag:s0], s1  }
0xc7: {  	s1 =	ssub.s32 @!p0 $0x0, s1;
	[sflag:s0] =	ssyncset.done @!p0 $0x0  }
0xc8: {  	[sflag:s0] =	ssyncadd.s32 @!p0 s1  }
0xc9: {  	[bflag:$0x3] =	sbarrier.arrive $0xFFFF  }
0xca: {  	_ =	shalt  }

</sc_bundles>
